<compile_context>
chip_gen: v7x
topology: tpu7x:2x2x1
jax: 0.10.2.dev20260603
libtpu: 0.0.44.dev20260713+nightly
codegen_flags: <defaults>
</compile_context>

<pallas_src>
import functools

import jax
import jax.numpy as jnp
from jax import lax
from jax.experimental import pallas as pl
from jax.experimental.pallas import tpu as pltpu
from jax.experimental.pallas import tpu_sc as plsc

DIM = 128
SENT_L = 50
PAD_S = 52
SEG = 2 * PAD_S
BATCH = 4096
ALPHA_COEF = 0.1

_NC = 2
_NS = 16
_NW = _NC * _NS
_B_PER_W = BATCH // _NW
_NBUF = 4

_mesh = plsc.VectorSubcoreMesh(core_axis_name="c", subcore_axis_name="s")


def _lanesum(v):
    r = v
    for sh in (8, 4, 2, 1):
        idx = lax.iota(jnp.int32, 16) ^ sh
        r = r + r.at[idx].get(mode="promise_in_bounds")
    return r


@functools.partial(
    pl.kernel,
    mesh=_mesh,
    out_type=(
        jax.ShapeDtypeStruct((BATCH, DIM), jnp.float32),
        jax.ShapeDtypeStruct((BATCH, DIM), jnp.float32),
        jax.ShapeDtypeStruct((BATCH, DIM), jnp.float32),
    ),
    scratch_types=(
        [pltpu.VMEM((_B_PER_W, SEG), jnp.int32)]
        + [pltpu.VMEM((SEG, DIM), jnp.float32)] * _NBUF
        + [pltpu.VMEM((DIM,), jnp.float32)]
        + [pltpu.VMEM((_B_PER_W, DIM), jnp.float32)] * 3
        + [pltpu.SemaphoreType.DMA] * _NBUF
    ),
)
def _sc_encode(ids_hbm, embed_hbm, h0_hbm, vp_hbm, vh_hbm, ids_v,
               b0, b1, b2, b3,
               e0_v, st_h0, st_vp, st_vh,
               s0, s1, s2, s3):
    bufs = (b0, b1, b2, b3)
    sems = (s0, s1, s2, s3)

    wid = lax.axis_index("s") * _NC + lax.axis_index("c")
    base = wid * _B_PER_W

    pltpu.sync_copy(ids_hbm.at[pl.ds(base, _B_PER_W)], ids_v)
    pltpu.sync_copy(embed_hbm.at[0], e0_v)

    def _row_gather(i, buf, sem):
        return pltpu.make_async_copy(embed_hbm.at[ids_v.at[i]], buf, sem)

    e0c = tuple(e0_v[pl.ds(16 * c, 16)] for c in range(8))
    lane = lax.iota(jnp.int32, 16)
    front4 = jnp.minimum(jnp.maximum(4 - lane, 0), 1)
    back8 = jnp.minimum(jnp.maximum(lane - 7, 0), 1)

    zero16 = jnp.zeros((16,), jnp.float32)

    def _process(i, buf):
        nz = []
        for k in range(6):
            nz.append(jnp.minimum(ids_v[i, pl.ds(16 * k, 16)], 1))
        nz_tail = jnp.minimum(ids_v[i, pl.ds(88, 16)], 1) * back8
        bound_nz = nz[3] * front4
        nonpad_p = _lanesum(nz[0] + nz[1] + nz[2] + bound_nz)
        nonpad_h = _lanesum(nz[3] - bound_nz + nz[4] + nz[5] + nz_tail)
        npp = PAD_S - nonpad_p
        nph = PAD_S - nonpad_h

        def abody(r, carry):
            out = []
            for c in range(8):
                out.append(carry[c] + buf[r, pl.ds(16 * c, 16)])
            for c in range(8):
                out.append(carry[8 + c] + buf[PAD_S + r, pl.ds(16 * c, 16)])
            return tuple(out)

        accs = lax.fori_loop(0, PAD_S, abody, (zero16,) * 16)

        npp_f = npp.astype(jnp.float32)
        nph_f = nph.astype(jnp.float32)
        denp = jnp.maximum(nonpad_p.astype(jnp.float32), 1.0)
        denh = jnp.maximum(nonpad_h.astype(jnp.float32), 1.0)

        for c in range(8):
            sl = pl.ds(16 * c, 16)
            vp_c = (accs[c] - npp_f * e0c[c]) / denp
            vh_c = (accs[8 + c] - nph_f * e0c[c]) / denh
            h0_c = (vh_c - vp_c) + ALPHA_COEF * (
                buf[PAD_S, sl] - buf[0, sl])
            st_h0[i, sl] = h0_c
            st_vp[i, sl] = vp_c
            st_vh[i, sl] = vh_c

    for i in range(_NBUF):
        _row_gather(i, bufs[i], sems[i]).start()

    def gbody(g, carry):
        for j in range(_NBUF):
            i = _NBUF * g + j
            _row_gather(i, bufs[j], sems[j]).wait()
            _process(i, bufs[j])

            @pl.when(g < _B_PER_W // _NBUF - 1)
            def _():
                _row_gather(i + _NBUF, bufs[j], sems[j]).start()
        return carry

    lax.fori_loop(0, _B_PER_W // _NBUF, gbody, 0)

    pltpu.sync_copy(st_h0, h0_hbm.at[pl.ds(base, _B_PER_W)])
    pltpu.sync_copy(st_vp, vp_hbm.at[pl.ds(base, _B_PER_W)])
    pltpu.sync_copy(st_vh, vh_hbm.at[pl.ds(base, _B_PER_W)])


@jax.jit
def kernel(prem_ids, hyp_ids, embed):
    prem = prem_ids.astype(jnp.int32)
    hyp = hyp_ids.astype(jnp.int32)
    pad = ((0, 0), (0, PAD_S - SENT_L))
    ids = jnp.concatenate([jnp.pad(prem, pad), jnp.pad(hyp, pad)], axis=1)
    h0, v_p, v_h = _sc_encode(ids, embed)
    return (h0, v_p, v_h)

# --- scband reference (transcript-rebuilt; emitter-appended) ---
"""Pipeline reference for scband-pretrained-snliencoder-29102698398413 (READ-ONLY COPY).

The authoritative reference and input builder live on the scoring server;
editing this copy changes nothing except your own understanding.
"""

import jax, jax.numpy as jnp
import numpy as np

VOCAB = 100000
DIM = 128
PAD_IDX = 0
ALPHA = 0.1


def setup_inputs(seed: int = 0) -> dict:
    key = jax.random.key(seed)
    k1, k2, k3 = jax.random.split(key, 3)
    prem_ids = jax.random.randint(k1, (4096, 50), 0, VOCAB, dtype=jnp.int64) if jax.config.read('jax_enable_x64') else jax.random.randint(k1, (4096, 50), 0, VOCAB)
    hyp_ids = jax.random.randint(k2, (4096, 50), 0, VOCAB)
    embed = jax.random.normal(k3, (VOCAB, DIM), dtype=jnp.float32) * 0.02
    return {"prem_ids": prem_ids, "hyp_ids": hyp_ids, "embed": embed}


def _encode_sentence(embed, ids):
    # bag-of-words mean over non-pad tokens (PretrainedTextEncoder.encode_sentence)
    emb = jnp.take(embed, ids, axis=0)                  # [B, L, D] gather
    mask = (ids != PAD_IDX).astype(emb.dtype)[..., None]  # [B, L, 1]
    summed = jnp.sum(emb * mask, axis=1)                # [B, D]
    count = jnp.maximum(jnp.sum(mask, axis=1), 1.0)     # [B, 1]
    return summed / count


def reference(prem_ids, hyp_ids, embed):
    # build_initial_state with add_noise=False (deterministic reference)
    v_p = _encode_sentence(embed, prem_ids)
    v_h = _encode_sentence(embed, hyp_ids)
    h0 = v_h - v_p
    # alpha_first_token symmetry-breaking injection
    v_p_first = jnp.take(embed, prem_ids[:, 0], axis=0)
    v_h_first = jnp.take(embed, hyp_ids[:, 0], axis=0)
    h0 = h0 + ALPHA * (v_h_first - v_p_first)
    return (h0, v_p, v_h)

if __name__ == "__main__":
    import jax
    _d = setup_inputs()
    print(jax.jit(kernel)(*tuple(_d.values())))

</pallas_src>

<mosaic_0001>
#map = affine_map<(d0, d1) -> (0, 0)>
module attributes {stable_mosaic.version = 14 : i64} {
  func.func @_sc_encode(%arg0: i32, %arg1: i32, %arg2: memref<4096x104xi32, #tpu.memory_space<hbm>>, %arg3: memref<100000x128xf32, #tpu.memory_space<hbm>>, %arg4: memref<4096x128xf32, #tpu.memory_space<hbm>>, %arg5: memref<4096x128xf32, #tpu.memory_space<hbm>>, %arg6: memref<4096x128xf32, #tpu.memory_space<hbm>>, %arg7: memref<128x104xi32, #tpu.memory_space<vmem>>, %arg8: memref<104x128xf32, #tpu.memory_space<vmem>>, %arg9: memref<104x128xf32, #tpu.memory_space<vmem>>, %arg10: memref<104x128xf32, #tpu.memory_space<vmem>>, %arg11: memref<104x128xf32, #tpu.memory_space<vmem>>, %arg12: memref<128xf32, #tpu.memory_space<vmem>>, %arg13: memref<128x128xf32, #tpu.memory_space<vmem>>, %arg14: memref<128x128xf32, #tpu.memory_space<vmem>>, %arg15: memref<128x128xf32, #tpu.memory_space<vmem>>, %arg16: memref<!tpu.dma_semaphore, #tpu.memory_space<semaphore_mem>>, %arg17: memref<!tpu.dma_semaphore, #tpu.memory_space<semaphore_mem>>, %arg18: memref<!tpu.dma_semaphore, #tpu.memory_space<semaphore_mem>>, %arg19: memref<!tpu.dma_semaphore, #tpu.memory_space<semaphore_mem>>) attributes {dimension_semantics = [#tpu.dimension_semantics<core_parallel>, #tpu.dimension_semantics<subcore_parallel>], iteration_bounds = array<i64: 2, 16>, scalar_prefetch = 0 : i64, scratch_operands = 13 : i64, tpu.core_type = #tpu.core_type<sc_vector_subcore>, window_params = [{transform_indices = #map}, {transform_indices = #map}, {transform_indices = #map}, {transform_indices = #map}, {transform_indices = #map}]} {
    %mul3A = arith.constant 2 : i32
    %mul3A_0 = arith.muli %arg1, %mul3A : i32
    %add3A = arith.addi %mul3A_0, %arg0 : i32
    %mul3A_1 = arith.constant 128 : i32
    %mul3A_2 = arith.muli %add3A, %mul3A_1 : i32
    "tpu.region"() ({
      %run_scoped3A_74 = tpu.sem_alloc : memref<!tpu.dma_semaphore, #tpu.memory_space<semaphore_mem>>
      %dma_start3A_75 = arith.constant 0 : i32
      %dma_start3A_76 = tpu.memref_slice %arg2[%mul3A_2, %dma_start3A_75] : memref<4096x104xi32, #tpu.memory_space<hbm>> -> memref<128x104xi32, #tpu.memory_space<hbm>>
      %dma_start3A_77 = arith.constant 0 : i32
      %dma_start3A_78 = tpu.memref_slice %arg2[%mul3A_2, %dma_start3A_77] : memref<4096x104xi32, #tpu.memory_space<hbm>> -> memref<128x104xi32, #tpu.memory_space<hbm>>
      tpu.enqueue_dma source(%dma_start3A_78 : memref<128x104xi32, #tpu.memory_space<hbm>>) target(%arg7 : memref<128x104xi32, #tpu.memory_space<vmem>>) target_semaphore(%run_scoped3A_74 : memref<!tpu.dma_semaphore, #tpu.memory_space<semaphore_mem>>)
      %dma_wait3A = arith.constant 0 : i32
      %dma_wait3A_79 = tpu.memref_slice %arg2[%mul3A_2, %dma_wait3A] : memref<4096x104xi32, #tpu.memory_space<hbm>> -> memref<128x104xi32, #tpu.memory_space<hbm>>
      %dma_wait3A_80 = arith.constant 0 : i32
      %dma_wait3A_81 = tpu.memref_slice %arg2[%mul3A_2, %dma_wait3A_80] : memref<4096x104xi32, #tpu.memory_space<hbm>> -> memref<128x104xi32, #tpu.memory_space<hbm>>
      tpu.wait_dma2 semaphore(%run_scoped3A_74 : memref<!tpu.dma_semaphore, #tpu.memory_space<semaphore_mem>>) src(%dma_wait3A_81 : memref<128x104xi32, #tpu.memory_space<hbm>>) dst(%arg7 : memref<128x104xi32, #tpu.memory_space<vmem>>)
      tpu.yield
    }) : () -> ()
    %run_scoped3A = arith.constant 0 : i32
    "tpu.region"() ({
      %run_scoped3A_74 = tpu.sem_alloc : memref<!tpu.dma_semaphore, #tpu.memory_space<semaphore_mem>>
      %dma_start3A_75 = arith.constant 0 : i32
      %dma_start3A_76 = tpu.memref_slice %arg3[%run_scoped3A, %dma_start3A_75] : memref<100000x128xf32, #tpu.memory_space<hbm>> -> memref<1x128xf32, #tpu.memory_space<hbm>>
      %dma_start3A_77 = tpu.memref_squeeze %dma_start3A_76 : memref<1x128xf32, #tpu.memory_space<hbm>> -> memref<128xf32, #tpu.memory_space<hbm>>
      %dma_start3A_78 = arith.constant 0 : i32
      %dma_start3A_79 = tpu.memref_slice %arg3[%run_scoped3A, %dma_start3A_78] : memref<100000x128xf32, #tpu.memory_space<hbm>> -> memref<1x128xf32, #tpu.memory_space<hbm>>
      %dma_start3A_80 = tpu.memref_squeeze %dma_start3A_79 : memref<1x128xf32, #tpu.memory_space<hbm>> -> memref<128xf32, #tpu.memory_space<hbm>>
      tpu.enqueue_dma source(%dma_start3A_80 : memref<128xf32, #tpu.memory_space<hbm>>) target(%arg12 : memref<128xf32, #tpu.memory_space<vmem>>) target_semaphore(%run_scoped3A_74 : memref<!tpu.dma_semaphore, #tpu.memory_space<semaphore_mem>>)
      %dma_wait3A = arith.constant 0 : i32
      %dma_wait3A_81 = tpu.memref_slice %arg3[%run_scoped3A, %dma_wait3A] : memref<100000x128xf32, #tpu.memory_space<hbm>> -> memref<1x128xf32, #tpu.memory_space<hbm>>
      %dma_wait3A_82 = tpu.memref_squeeze %dma_wait3A_81 : memref<1x128xf32, #tpu.memory_space<hbm>> -> memref<128xf32, #tpu.memory_space<hbm>>
      %dma_wait3A_83 = arith.constant 0 : i32
      %dma_wait3A_84 = tpu.memref_slice %arg3[%run_scoped3A, %dma_wait3A_83] : memref<100000x128xf32, #tpu.memory_space<hbm>> -> memref<1x128xf32, #tpu.memory_space<hbm>>
      %dma_wait3A_85 = tpu.memref_squeeze %dma_wait3A_84 : memref<1x128xf32, #tpu.memory_space<hbm>> -> memref<128xf32, #tpu.memory_space<hbm>>
      tpu.wait_dma2 semaphore(%run_scoped3A_74 : memref<!tpu.dma_semaphore, #tpu.memory_space<semaphore_mem>>) src(%dma_wait3A_85 : memref<128xf32, #tpu.memory_space<hbm>>) dst(%arg12 : memref<128xf32, #tpu.memory_space<vmem>>)
      tpu.yield
    }) : () -> ()
    %get3A = arith.constant 0 : index
    %get3A_3 = tpu.vector_load %arg12[%get3A] {strides = array<i32>} : memref<128xf32, #tpu.memory_space<vmem>>, vector<16xf32>,
    %get3A_4 = vector.shape_cast %get3A_3 : vector<16xf32> to vector<16xf32>
    %get3A_5 = arith.constant 16 : index
    %get3A_6 = tpu.vector_load %arg12[%get3A_5] {strides = array<i32>} : memref<128xf32, #tpu.memory_space<vmem>>, vector<16xf32>,
    %get3A_7 = vector.shape_cast %get3A_6 : vector<16xf32> to vector<16xf32>
    %get3A_8 = arith.constant 32 : index
    %get3A_9 = tpu.vector_load %arg12[%get3A_8] {strides = array<i32>} : memref<128xf32, #tpu.memory_space<vmem>>, vector<16xf32>,
    %get3A_10 = vector.shape_cast %get3A_9 : vector<16xf32> to vector<16xf32>
    %get3A_11 = arith.constant 48 : index
    %get3A_12 = tpu.vector_load %arg12[%get3A_11] {strides = array<i32>} : memref<128xf32, #tpu.memory_space<vmem>>, vector<16xf32>,
    %get3A_13 = vector.shape_cast %get3A_12 : vector<16xf32> to vector<16xf32>
    %get3A_14 = arith.constant 64 : index
    %get3A_15 = tpu.vector_load %arg12[%get3A_14] {strides = array<i32>} : memref<128xf32, #tpu.memory_space<vmem>>, vector<16xf32>,
    %get3A_16 = vector.shape_cast %get3A_15 : vector<16xf32> to vector<16xf32>
    %get3A_17 = arith.constant 80 : index
    %get3A_18 = tpu.vector_load %arg12[%get3A_17] {strides = array<i32>} : memref<128xf32, #tpu.memory_space<vmem>>, vector<16xf32>,
    %get3A_19 = vector.shape_cast %get3A_18 : vector<16xf32> to vector<16xf32>
    %get3A_20 = arith.constant 96 : index
    %get3A_21 = tpu.vector_load %arg12[%get3A_20] {strides = array<i32>} : memref<128xf32, #tpu.memory_space<vmem>>, vector<16xf32>,
    %get3A_22 = vector.shape_cast %get3A_21 : vector<16xf32> to vector<16xf32>
    %get3A_23 = arith.constant 112 : index
    %get3A_24 = tpu.vector_load %arg12[%get3A_23] {strides = array<i32>} : memref<128xf32, #tpu.memory_space<vmem>>, vector<16xf32>,
    %get3A_25 = vector.shape_cast %get3A_24 : vector<16xf32> to vector<16xf32>
    %iota3A = tpu.iota {dimensions = array<i32: 0>} : vector<16xi32>
    %sub3A = arith.constant 4 : i32
    %sub3A_26 = vector.broadcast %sub3A : i32 to vector<16xi32>
    %sub3A_27 = arith.subi %sub3A_26, %iota3A : vector<16xi32>
    %max3A = arith.constant 0 : i32
    %max3A_28 = vector.broadcast %max3A : i32 to vector<16xi32>
    %max3A_29 = arith.maxsi %sub3A_27, %max3A_28 : vector<16xi32>
    %min3A = arith.constant 1 : i32
    %min3A_30 = vector.broadcast %min3A : i32 to vector<16xi32>
    %min3A_31 = arith.minsi %max3A_29, %min3A_30 : vector<16xi32>
    %sub3A_32 = arith.constant 7 : i32
    %sub3A_33 = vector.broadcast %sub3A_32 : i32 to vector<16xi32>
    %sub3A_34 = arith.subi %iota3A, %sub3A_33 : vector<16xi32>
    %max3A_35 = arith.constant 0 : i32
    %max3A_36 = vector.broadcast %max3A_35 : i32 to vector<16xi32>
    %max3A_37 = arith.maxsi %sub3A_34, %max3A_36 : vector<16xi32>
    %min3A_38 = arith.constant 1 : i32
    %min3A_39 = vector.broadcast %min3A_38 : i32 to vector<16xi32>
    %min3A_40 = arith.minsi %max3A_37, %min3A_39 : vector<16xi32>
    %broadcast_in_dim3A = arith.constant 0.000000e+00 : f32
    %broadcast_in_dim3A_41 = vector.broadcast %broadcast_in_dim3A : f32 to vector<16xf32>
    %dma_start3A = arith.constant 0 : i32
    %dma_start3A_42 = arith.constant 0 : i32
    %dma_start3A_43 = tpu.memref_slice %arg7[%dma_start3A, %dma_start3A_42] : memref<128x104xi32, #tpu.memory_space<vmem>> -> memref<1x104xi32, #tpu.memory_space<vmem>>
    %dma_start3A_44 = tpu.memref_squeeze %dma_start3A_43 : memref<1x104xi32, #tpu.memory_space<vmem>> -> memref<104xi32, #tpu.memory_space<vmem>>
    %dma_start3A_45 = arith.constant 0 : i32
    %dma_start3A_46 = arith.constant 0 : i32
    %dma_start3A_47 = tpu.memref_slice %arg3[%dma_start3A_45, %dma_start3A_46] : memref<100000x128xf32, #tpu.memory_space<hbm>> -> memref<100000x128xf32, #tpu.memory_space<hbm>>
    tpu.enqueue_indirect_dma source(%dma_start3A_47 : memref<100000x128xf32, #tpu.memory_space<hbm>>) target(%arg8 : memref<104x128xf32, #tpu.memory_space<vmem>>) offsets(%dma_start3A_44 : memref<104xi32, #tpu.memory_space<vmem>>) semaphore(%arg16 : memref<!tpu.dma_semaphore, #tpu.memory_space<semaphore_mem>>)
    %dma_start3A_48 = arith.constant 1 : i32
    %dma_start3A_49 = arith.constant 0 : i32
    %dma_start3A_50 = tpu.memref_slice %arg7[%dma_start3A_48, %dma_start3A_49] : memref<128x104xi32, #tpu.memory_space<vmem>> -> memref<1x104xi32, #tpu.memory_space<vmem>>
    %dma_start3A_51 = tpu.memref_squeeze %dma_start3A_50 : memref<1x104xi32, #tpu.memory_space<vmem>> -> memref<104xi32, #tpu.memory_space<vmem>>
    %dma_start3A_52 = arith.constant 0 : i32
    %dma_start3A_53 = arith.constant 0 : i32
    %dma_start3A_54 = tpu.memref_slice %arg3[%dma_start3A_52, %dma_start3A_53] : memref<100000x128xf32, #tpu.memory_space<hbm>> -> memref<100000x128xf32, #tpu.memory_space<hbm>>
    tpu.enqueue_indirect_dma source(%dma_start3A_54 : memref<100000x128xf32, #tpu.memory_space<hbm>>) target(%arg9 : memref<104x128xf32, #tpu.memory_space<vmem>>) offsets(%dma_start3A_51 : memref<104xi32, #tpu.memory_space<vmem>>) semaphore(%arg17 : memref<!tpu.dma_semaphore, #tpu.memory_space<semaphore_mem>>)
    %dma_start3A_55 = arith.constant 2 : i32
    %dma_start3A_56 = arith.constant 0 : i32
    %dma_start3A_57 = tpu.memref_slice %arg7[%dma_start3A_55, %dma_start3A_56] : memref<128x104xi32, #tpu.memory_space<vmem>> -> memref<1x104xi32, #tpu.memory_space<vmem>>
    %dma_start3A_58 = tpu.memref_squeeze %dma_start3A_57 : memref<1x104xi32, #tpu.memory_space<vmem>> -> memref<104xi32, #tpu.memory_space<vmem>>
    %dma_start3A_59 = arith.constant 0 : i32
    %dma_start3A_60 = arith.constant 0 : i32
    %dma_start3A_61 = tpu.memref_slice %arg3[%dma_start3A_59, %dma_start3A_60] : memref<100000x128xf32, #tpu.memory_space<hbm>> -> memref<100000x128xf32, #tpu.memory_space<hbm>>
    tpu.enqueue_indirect_dma source(%dma_start3A_61 : memref<100000x128xf32, #tpu.memory_space<hbm>>) target(%arg10 : memref<104x128xf32, #tpu.memory_space<vmem>>) offsets(%dma_start3A_58 : memref<104xi32, #tpu.memory_space<vmem>>) semaphore(%arg18 : memref<!tpu.dma_semaphore, #tpu.memory_space<semaphore_mem>>)
    %dma_start3A_62 = arith.constant 3 : i32
    %dma_start3A_63 = arith.constant 0 : i32
    %dma_start3A_64 = tpu.memref_slice %arg7[%dma_start3A_62, %dma_start3A_63] : memref<128x104xi32, #tpu.memory_space<vmem>> -> memref<1x104xi32, #tpu.memory_space<vmem>>
    %dma_start3A_65 = tpu.memref_squeeze %dma_start3A_64 : memref<1x104xi32, #tpu.memory_space<vmem>> -> memref<104xi32, #tpu.memory_space<vmem>>
    %dma_start3A_66 = arith.constant 0 : i32
    %dma_start3A_67 = arith.constant 0 : i32
    %dma_start3A_68 = tpu.memref_slice %arg3[%dma_start3A_66, %dma_start3A_67] : memref<100000x128xf32, #tpu.memory_space<hbm>> -> memref<100000x128xf32, #tpu.memory_space<hbm>>
    tpu.enqueue_indirect_dma source(%dma_start3A_68 : memref<100000x128xf32, #tpu.memory_space<hbm>>) target(%arg11 : memref<104x128xf32, #tpu.memory_space<vmem>>) offsets(%dma_start3A_65 : memref<104xi32, #tpu.memory_space<vmem>>) semaphore(%arg19 : memref<!tpu.dma_semaphore, #tpu.memory_space<semaphore_mem>>)
    %scan3A = arith.constant 0 : i32
    %scan3A_69 = arith.constant 0 : i32
    %scan3A_70 = arith.constant 32 : i32
    %scan3A_71 = arith.addi %scan3A_69, %scan3A_70 : i32
    %scan3A_72 = arith.constant 1 : i32
    scf.for %scan3A_74 = %scan3A_69 to %scan3A_71 step %scan3A_72  : i32 {
      %mul3A_75 = arith.constant 4 : i32
      %mul3A_76 = arith.muli %mul3A_75, %scan3A_74 : i32
      %add3A_77 = arith.constant 0 : i32
      %add3A_78 = arith.addi %mul3A_76, %add3A_77 : i32
      %dma_wait3A = arith.constant 0 : i32
      %dma_wait3A_79 = tpu.memref_slice %arg7[%add3A_78, %dma_wait3A] : memref<128x104xi32, #tpu.memory_space<vmem>> -> memref<1x104xi32, #tpu.memory_space<vmem>>
      %dma_wait3A_80 = tpu.memref_squeeze %dma_wait3A_79 : memref<1x104xi32, #tpu.memory_space<vmem>> -> memref<104xi32, #tpu.memory_space<vmem>>
      %dma_wait3A_81 = arith.constant 0 : i32
      %dma_wait3A_82 = arith.constant 0 : i32
      %dma_wait3A_83 = tpu.memref_slice %arg3[%dma_wait3A_81, %dma_wait3A_82] : memref<100000x128xf32, #tpu.memory_space<hbm>> -> memref<100000x128xf32, #tpu.memory_space<hbm>>
      tpu.wait_indirect_dma semaphore(%arg16 : memref<!tpu.dma_semaphore, #tpu.memory_space<semaphore_mem>>) src(%dma_wait3A_83 : memref<100000x128xf32, #tpu.memory_space<hbm>>) dst(%arg8 : memref<104x128xf32, #tpu.memory_space<vmem>>)
      %get3A_84 = arith.index_cast %add3A_78 : i32 to index
      %get3A_85 = arith.constant 0 : index
      %get3A_86 = tpu.vector_load %arg7[%get3A_84, %get3A_85] {strides = array<i32>} : memref<128x104xi32, #tpu.memory_space<vmem>>, vector<1x16xi32>,
      %get3A_87 = vector.shape_cast %get3A_86 : vector<1x16xi32> to vector<16xi32>
      %min3A_88 = arith.constant 1 : i32
      %min3A_89 = vector.broadcast %min3A_88 : i32 to vector<16xi32>
      %min3A_90 = arith.minsi %get3A_87, %min3A_89 : vector<16xi32>
      %get3A_91 = arith.index_cast %add3A_78 : i32 to index
      %get3A_92 = arith.constant 16 : index
      %get3A_93 = tpu.vector_load %arg7[%get3A_91, %get3A_92] {strides = array<i32>} : memref<128x104xi32, #tpu.memory_space<vmem>>, vector<1x16xi32>,
      %get3A_94 = vector.shape_cast %get3A_93 : vector<1x16xi32> to vector<16xi32>
      %min3A_95 = arith.constant 1 : i32
      %min3A_96 = vector.broadcast %min3A_95 : i32 to vector<16xi32>
      %min3A_97 = arith.minsi %get3A_94, %min3A_96 : vector<16xi32>
      %get3A_98 = arith.index_cast %add3A_78 : i32 to index
      %get3A_99 = arith.constant 32 : index
      %get3A_100 = tpu.vector_load %arg7[%get3A_98, %get3A_99] {strides = array<i32>} : memref<128x104xi32, #tpu.memory_space<vmem>>, vector<1x16xi32>,
      %get3A_101 = vector.shape_cast %get3A_100 : vector<1x16xi32> to vector<16xi32>
      %min3A_102 = arith.constant 1 : i32
      %min3A_103 = vector.broadcast %min3A_102 : i32 to vector<16xi32>
      %min3A_104 = arith.minsi %get3A_101, %min3A_103 : vector<16xi32>
      %get3A_105 = arith.index_cast %add3A_78 : i32 to index
      %get3A_106 = arith.constant 48 : index
      %get3A_107 = tpu.vector_load %arg7[%get3A_105, %get3A_106] {strides = array<i32>} : memref<128x104xi32, #tpu.memory_space<vmem>>, vector<1x16xi32>,
      %get3A_108 = vector.shape_cast %get3A_107 : vector<1x16xi32> to vector<16xi32>
      %min3A_109 = arith.constant 1 : i32
      %min3A_110 = vector.broadcast %min3A_109 : i32 to vector<16xi32>
      %min3A_111 = arith.minsi %get3A_108, %min3A_110 : vector<16xi32>
      %get3A_112 = arith.index_cast %add3A_78 : i32 to index
      %get3A_113 = arith.constant 64 : index
      %get3A_114 = tpu.vector_load %arg7[%get3A_112, %get3A_113] {strides = array<i32>} : memref<128x104xi32, #tpu.memory_space<vmem>>, vector<1x16xi32>,
      %get3A_115 = vector.shape_cast %get3A_114 : vector<1x16xi32> to vector<16xi32>
      %min3A_116 = arith.constant 1 : i32
      %min3A_117 = vector.broadcast %min3A_116 : i32 to vector<16xi32>
      %min3A_118 = arith.minsi %get3A_115, %min3A_117 : vector<16xi32>
      %get3A_119 = arith.index_cast %add3A_78 : i32 to index
      %get3A_120 = arith.constant 80 : index
      %get3A_121 = tpu.vector_load %arg7[%get3A_119, %get3A_120] {strides = array<i32>} : memref<128x104xi32, #tpu.memory_space<vmem>>, vector<1x16xi32>,
      %get3A_122 = vector.shape_cast %get3A_121 : vector<1x16xi32> to vector<16xi32>
      %min3A_123 = arith.constant 1 : i32
      %min3A_124 = vector.broadcast %min3A_123 : i32 to vector<16xi32>
      %min3A_125 = arith.minsi %get3A_122, %min3A_124 : vector<16xi32>
      %get3A_126 = arith.index_cast %add3A_78 : i32 to index
      %get3A_127 = arith.constant 88 : index
      %get3A_128 = tpu.vector_load %arg7[%get3A_126, %get3A_127] {strides = array<i32>} : memref<128x104xi32, #tpu.memory_space<vmem>>, vector<1x16xi32>,
      %get3A_129 = vector.shape_cast %get3A_128 : vector<1x16xi32> to vector<16xi32>
      %min3A_130 = arith.constant 1 : i32
      %min3A_131 = vector.broadcast %min3A_130 : i32 to vector<16xi32>
      %min3A_132 = arith.minsi %get3A_129, %min3A_131 : vector<16xi32>
      %mul3A_133 = arith.muli %min3A_132, %min3A_40 : vector<16xi32>
      %mul3A_134 = arith.muli %min3A_111, %min3A_31 : vector<16xi32>
      %add3A_135 = arith.addi %min3A_90, %min3A_97 : vector<16xi32>
      %add3A_136 = arith.addi %add3A_135, %min3A_104 : vector<16xi32>
      %add3A_137 = arith.addi %add3A_136, %mul3A_134 : vector<16xi32>
      %iota3A_138 = tpu.iota {dimensions = array<i32: 0>} : vector<16xi32>
      %xor3A = arith.constant 8 : i32
      %xor3A_139 = vector.broadcast %xor3A : i32 to vector<16xi32>
      %xor3A_140 = arith.xori %iota3A_138, %xor3A_139 : vector<16xi32>
      %lt3A = arith.constant 0 : i32
      %lt3A_141 = vector.broadcast %lt3A : i32 to vector<16xi32>
      %lt3A_142 = arith.cmpi slt, %xor3A_140, %lt3A_141 : vector<16xi32>
      %add3A_143 = arith.constant 16 : i32
      %add3A_144 = vector.broadcast %add3A_143 : i32 to vector<16xi32>
      %add3A_145 = arith.addi %xor3A_140, %add3A_144 : vector<16xi32>
      %select_n3A = arith.select %lt3A_142, %add3A_145, %xor3A_140 : vector<16xi1>, vector<16xi32>
      %broadcast_in_dim3A_146 = vector.shape_cast %select_n3A : vector<16xi32> to vector<16x1xi32>
      %gather3A = vector.shape_cast %broadcast_in_dim3A_146 : vector<16x1xi32> to vector<16xi32>
      %gather3A_147 = tpu.dynamic_gather %add3A_137[%gather3A] in [0] : vector<16xi32>, vector<16xi32> -> vector<16xi32>
      %add3A_148 = arith.addi %add3A_137, %gather3A_147 : vector<16xi32>
      %iota3A_149 = tpu.iota {dimensions = array<i32: 0>} : vector<16xi32>
      %xor3A_150 = arith.constant 4 : i32
      %xor3A_151 = vector.broadcast %xor3A_150 : i32 to vector<16xi32>
      %xor3A_152 = arith.xori %iota3A_149, %xor3A_151 : vector<16xi32>
      %lt3A_153 = arith.constant 0 : i32
      %lt3A_154 = vector.broadcast %lt3A_153 : i32 to vector<16xi32>
      %lt3A_155 = arith.cmpi slt, %xor3A_152, %lt3A_154 : vector<16xi32>
      %add3A_156 = arith.constant 16 : i32
      %add3A_157 = vector.broadcast %add3A_156 : i32 to vector<16xi32>
      %add3A_158 = arith.addi %xor3A_152, %add3A_157 : vector<16xi32>
      %select_n3A_159 = arith.select %lt3A_155, %add3A_158, %xor3A_152 : vector<16xi1>, vector<16xi32>
      %broadcast_in_dim3A_160 = vector.shape_cast %select_n3A_159 : vector<16xi32> to vector<16x1xi32>
      %gather3A_161 = vector.shape_cast %broadcast_in_dim3A_160 : vector<16x1xi32> to vector<16xi32>
      %gather3A_162 = tpu.dynamic_gather %add3A_148[%gather3A_161] in [0] : vector<16xi32>, vector<16xi32> -> vector<16xi32>
      %add3A_163 = arith.addi %add3A_148, %gather3A_162 : vector<16xi32>
      %iota3A_164 = tpu.iota {dimensions = array<i32: 0>} : vector<16xi32>
      %xor3A_165 = arith.constant 2 : i32
      %xor3A_166 = vector.broadcast %xor3A_165 : i32 to vector<16xi32>
      %xor3A_167 = arith.xori %iota3A_164, %xor3A_166 : vector<16xi32>
      %lt3A_168 = arith.constant 0 : i32
      %lt3A_169 = vector.broadcast %lt3A_168 : i32 to vector<16xi32>
      %lt3A_170 = arith.cmpi slt, %xor3A_167, %lt3A_169 : vector<16xi32>
      %add3A_171 = arith.constant 16 : i32
      %add3A_172 = vector.broadcast %add3A_171 : i32 to vector<16xi32>
      %add3A_173 = arith.addi %xor3A_167, %add3A_172 : vector<16xi32>
      %select_n3A_174 = arith.select %lt3A_170, %add3A_173, %xor3A_167 : vector<16xi1>, vector<16xi32>
      %broadcast_in_dim3A_175 = vector.shape_cast %select_n3A_174 : vector<16xi32> to vector<16x1xi32>
      %gather3A_176 = vector.shape_cast %broadcast_in_dim3A_175 : vector<16x1xi32> to vector<16xi32>
      %gather3A_177 = tpu.dynamic_gather %add3A_163[%gather3A_176] in [0] : vector<16xi32>, vector<16xi32> -> vector<16xi32>
      %add3A_178 = arith.addi %add3A_163, %gather3A_177 : vector<16xi32>
      %iota3A_179 = tpu.iota {dimensions = array<i32: 0>} : vector<16xi32>
      %xor3A_180 = arith.constant 1 : i32
      %xor3A_181 = vector.broadcast %xor3A_180 : i32 to vector<16xi32>
      %xor3A_182 = arith.xori %iota3A_179, %xor3A_181 : vector<16xi32>
      %lt3A_183 = arith.constant 0 : i32
      %lt3A_184 = vector.broadcast %lt3A_183 : i32 to vector<16xi32>
      %lt3A_185 = arith.cmpi slt, %xor3A_182, %lt3A_184 : vector<16xi32>
      %add3A_186 = arith.constant 16 : i32
      %add3A_187 = vector.broadcast %add3A_186 : i32 to vector<16xi32>
      %add3A_188 = arith.addi %xor3A_182, %add3A_187 : vector<16xi32>
      %select_n3A_189 = arith.select %lt3A_185, %add3A_188, %xor3A_182 : vector<16xi1>, vector<16xi32>
      %broadcast_in_dim3A_190 = vector.shape_cast %select_n3A_189 : vector<16xi32> to vector<16x1xi32>
      %gather3A_191 = vector.shape_cast %broadcast_in_dim3A_190 : vector<16x1xi32> to vector<16xi32>
      %gather3A_192 = tpu.dynamic_gather %add3A_178[%gather3A_191] in [0] : vector<16xi32>, vector<16xi32> -> vector<16xi32>
      %add3A_193 = arith.addi %add3A_178, %gather3A_192 : vector<16xi32>
      %sub3A_194 = arith.subi %min3A_111, %mul3A_134 : vector<16xi32>
      %add3A_195 = arith.addi %sub3A_194, %min3A_118 : vector<16xi32>
      %add3A_196 = arith.addi %add3A_195, %min3A_125 : vector<16xi32>
      %add3A_197 = arith.addi %add3A_196, %mul3A_133 : vector<16xi32>
      %iota3A_198 = tpu.iota {dimensions = array<i32: 0>} : vector<16xi32>
      %xor3A_199 = arith.constant 8 : i32
      %xor3A_200 = vector.broadcast %xor3A_199 : i32 to vector<16xi32>
      %xor3A_201 = arith.xori %iota3A_198, %xor3A_200 : vector<16xi32>
      %lt3A_202 = arith.constant 0 : i32
      %lt3A_203 = vector.broadcast %lt3A_202 : i32 to vector<16xi32>
      %lt3A_204 = arith.cmpi slt, %xor3A_201, %lt3A_203 : vector<16xi32>
      %add3A_205 = arith.constant 16 : i32
      %add3A_206 = vector.broadcast %add3A_205 : i32 to vector<16xi32>
      %add3A_207 = arith.addi %xor3A_201, %add3A_206 : vector<16xi32>
      %select_n3A_208 = arith.select %lt3A_204, %add3A_207, %xor3A_201 : vector<16xi1>, vector<16xi32>
      %broadcast_in_dim3A_209 = vector.shape_cast %select_n3A_208 : vector<16xi32> to vector<16x1xi32>
      %gather3A_210 = vector.shape_cast %broadcast_in_dim3A_209 : vector<16x1xi32> to vector<16xi32>
      %gather3A_211 = tpu.dynamic_gather %add3A_197[%gather3A_210] in [0] : vector<16xi32>, vector<16xi32> -> vector<16xi32>
      %add3A_212 = arith.addi %add3A_197, %gather3A_211 : vector<16xi32>
      %iota3A_213 = tpu.iota {dimensions = array<i32: 0>} : vector<16xi32>
      %xor3A_214 = arith.constant 4 : i32
      %xor3A_215 = vector.broadcast %xor3A_214 : i32 to vector<16xi32>
      %xor3A_216 = arith.xori %iota3A_213, %xor3A_215 : vector<16xi32>
      %lt3A_217 = arith.constant 0 : i32
      %lt3A_218 = vector.broadcast %lt3A_217 : i32 to vector<16xi32>
      %lt3A_219 = arith.cmpi slt, %xor3A_216, %lt3A_218 : vector<16xi32>
      %add3A_220 = arith.constant 16 : i32
      %add3A_221 = vector.broadcast %add3A_220 : i32 to vector<16xi32>
      %add3A_222 = arith.addi %xor3A_216, %add3A_221 : vector<16xi32>
      %select_n3A_223 = arith.select %lt3A_219, %add3A_222, %xor3A_216 : vector<16xi1>, vector<16xi32>
      %broadcast_in_dim3A_224 = vector.shape_cast %select_n3A_223 : vector<16xi32> to vector<16x1xi32>
      %gather3A_225 = vector.shape_cast %broadcast_in_dim3A_224 : vector<16x1xi32> to vector<16xi32>
      %gather3A_226 = tpu.dynamic_gather %add3A_212[%gather3A_225] in [0] : vector<16xi32>, vector<16xi32> -> vector<16xi32>
      %add3A_227 = arith.addi %add3A_212, %gather3A_226 : vector<16xi32>
      %iota3A_228 = tpu.iota {dimensions = array<i32: 0>} : vector<16xi32>
      %xor3A_229 = arith.constant 2 : i32
      %xor3A_230 = vector.broadcast %xor3A_229 : i32 to vector<16xi32>
      %xor3A_231 = arith.xori %iota3A_228, %xor3A_230 : vector<16xi32>
      %lt3A_232 = arith.constant 0 : i32
      %lt3A_233 = vector.broadcast %lt3A_232 : i32 to vector<16xi32>
      %lt3A_234 = arith.cmpi slt, %xor3A_231, %lt3A_233 : vector<16xi32>
      %add3A_235 = arith.constant 16 : i32
      %add3A_236 = vector.broadcast %add3A_235 : i32 to vector<16xi32>
      %add3A_237 = arith.addi %xor3A_231, %add3A_236 : vector<16xi32>
      %select_n3A_238 = arith.select %lt3A_234, %add3A_237, %xor3A_231 : vector<16xi1>, vector<16xi32>
      %broadcast_in_dim3A_239 = vector.shape_cast %select_n3A_238 : vector<16xi32> to vector<16x1xi32>
      %gather3A_240 = vector.shape_cast %broadcast_in_dim3A_239 : vector<16x1xi32> to vector<16xi32>
      %gather3A_241 = tpu.dynamic_gather %add3A_227[%gather3A_240] in [0] : vector<16xi32>, vector<16xi32> -> vector<16xi32>
      %add3A_242 = arith.addi %add3A_227, %gather3A_241 : vector<16xi32>
      %iota3A_243 = tpu.iota {dimensions = array<i32: 0>} : vector<16xi32>
      %xor3A_244 = arith.constant 1 : i32
      %xor3A_245 = vector.broadcast %xor3A_244 : i32 to vector<16xi32>
      %xor3A_246 = arith.xori %iota3A_243, %xor3A_245 : vector<16xi32>
      %lt3A_247 = arith.constant 0 : i32
      %lt3A_248 = vector.broadcast %lt3A_247 : i32 to vector<16xi32>
      %lt3A_249 = arith.cmpi slt, %xor3A_246, %lt3A_248 : vector<16xi32>
      %add3A_250 = arith.constant 16 : i32
      %add3A_251 = vector.broadcast %add3A_250 : i32 to vector<16xi32>
      %add3A_252 = arith.addi %xor3A_246, %add3A_251 : vector<16xi32>
      %select_n3A_253 = arith.select %lt3A_249, %add3A_252, %xor3A_246 : vector<16xi1>, vector<16xi32>
      %broadcast_in_dim3A_254 = vector.shape_cast %select_n3A_253 : vector<16xi32> to vector<16x1xi32>
      %gather3A_255 = vector.shape_cast %broadcast_in_dim3A_254 : vector<16x1xi32> to vector<16xi32>
      %gather3A_256 = tpu.dynamic_gather %add3A_242[%gather3A_255] in [0] : vector<16xi32>, vector<16xi32> -> vector<16xi32>
      %add3A_257 = arith.addi %add3A_242, %gather3A_256 : vector<16xi32>
      %sub3A_258 = arith.constant 52 : i32
      %sub3A_259 = vector.broadcast %sub3A_258 : i32 to vector<16xi32>
      %sub3A_260 = arith.subi %sub3A_259, %add3A_193 : vector<16xi32>
      %sub3A_261 = arith.constant 52 : i32
      %sub3A_262 = vector.broadcast %sub3A_261 : i32 to vector<16xi32>
      %sub3A_263 = arith.subi %sub3A_262, %add3A_257 : vector<16xi32>
      %scan3A_264 = arith.constant 0 : i32
      %scan3A_265 = arith.constant 52 : i32
      %scan3A_266 = arith.addi %scan3A_264, %scan3A_265 : i32
      %scan3A_267 = arith.constant 1 : i32
      %scan3A_268:16 = scf.for %scan3A_2110 = %scan3A_264 to %scan3A_266 step %scan3A_267 iter_args(%scan3A_2111 = %broadcast_in_dim3A_41, %scan3A_2112 = %broadcast_in_dim3A_41, %scan3A_2113 = %broadcast_in_dim3A_41, %scan3A_2114 = %broadcast_in_dim3A_41, %scan3A_2115 = %broadcast_in_dim3A_41, %scan3A_2116 = %broadcast_in_dim3A_41, %scan3A_2117 = %broadcast_in_dim3A_41, %scan3A_2118 = %broadcast_in_dim3A_41, %scan3A_2119 = %broadcast_in_dim3A_41, %scan3A_2120 = %broadcast_in_dim3A_41, %scan3A_2121 = %broadcast_in_dim3A_41, %scan3A_2122 = %broadcast_in_dim3A_41, %scan3A_2123 = %broadcast_in_dim3A_41, %scan3A_2124 = %broadcast_in_dim3A_41, %scan3A_2125 = %broadcast_in_dim3A_41, %scan3A_2126 = %broadcast_in_dim3A_41) -> (vector<16xf32>, vector<16xf32>, vector<16xf32>, vector<16xf32>, vector<16xf32>, vector<16xf32>, vector<16xf32>, vector<16xf32>, vector<16xf32>, vector<16xf32>, vector<16xf32>, vector<16xf32>, vector<16xf32>, vector<16xf32>, vector<16xf32>, vector<16xf32>)  : i32 {
        %get3A_2127 = arith.index_cast %scan3A_2110 : i32 to index
        %get3A_2128 = arith.constant 0 : index
        %get3A_2129 = tpu.vector_load %arg8[%get3A_2127, %get3A_2128] {strides = array<i32>} : memref<104x128xf32, #tpu.memory_space<vmem>>, vector<1x16xf32>,
        %get3A_2130 = vector.shape_cast %get3A_2129 : vector<1x16xf32> to vector<16xf32>
        %add3A_2131 = arith.addf %scan3A_2111, %get3A_2130 : vector<16xf32>
        %get3A_2132 = arith.index_cast %scan3A_2110 : i32 to index
        %get3A_2133 = arith.constant 16 : index
        %get3A_2134 = tpu.vector_load %arg8[%get3A_2132, %get3A_2133] {strides = array<i32>} : memref<104x128xf32, #tpu.memory_space<vmem>>, vector<1x16xf32>,
        %get3A_2135 = vector.shape_cast %get3A_2134 : vector<1x16xf32> to vector<16xf32>
        %add3A_2136 = arith.addf %scan3A_2112, %get3A_2135 : vector<16xf32>
        %get3A_2137 = arith.index_cast %scan3A_2110 : i32 to index
        %get3A_2138 = arith.constant 32 : index
        %get3A_2139 = tpu.vector_load %arg8[%get3A_2137, %get3A_2138] {strides = array<i32>} : memref<104x128xf32, #tpu.memory_space<vmem>>, vector<1x16xf32>,
        %get3A_2140 = vector.shape_cast %get3A_2139 : vector<1x16xf32> to vector<16xf32>
        %add3A_2141 = arith.addf %scan3A_2113, %get3A_2140 : vector<16xf32>
        %get3A_2142 = arith.index_cast %scan3A_2110 : i32 to index
        %get3A_2143 = arith.constant 48 : index
        %get3A_2144 = tpu.vector_load %arg8[%get3A_2142, %get3A_2143] {strides = array<i32>} : memref<104x128xf32, #tpu.memory_space<vmem>>, vector<1x16xf32>,
        %get3A_2145 = vector.shape_cast %get3A_2144 : vector<1x16xf32> to vector<16xf32>
        %add3A_2146 = arith.addf %scan3A_2114, %get3A_2145 : vector<16xf32>
        %get3A_2147 = arith.index_cast %scan3A_2110 : i32 to index
        %get3A_2148 = arith.constant 64 : index
        %get3A_2149 = tpu.vector_load %arg8[%get3A_2147, %get3A_2148] {strides = array<i32>} : memref<104x128xf32, #tpu.memory_space<vmem>>, vector<1x16xf32>,
        %get3A_2150 = vector.shape_cast %get3A_2149 : vector<1x16xf32> to vector<16xf32>
        %add3A_2151 = arith.addf %scan3A_2115, %get3A_2150 : vector<16xf32>
        %get3A_2152 = arith.index_cast %scan3A_2110 : i32 to index
        %get3A_2153 = arith.constant 80 : index
        %get3A_2154 = tpu.vector_load %arg8[%get3A_2152, %get3A_2153] {strides = array<i32>} : memref<104x128xf32, #tpu.memory_space<vmem>>, vector<1x16xf32>,
        %get3A_2155 = vector.shape_cast %get3A_2154 : vector<1x16xf32> to vector<16xf32>
        %add3A_2156 = arith.addf %scan3A_2116, %get3A_2155 : vector<16xf32>
        %get3A_2157 = arith.index_cast %scan3A_2110 : i32 to index
        %get3A_2158 = arith.constant 96 : index
        %get3A_2159 = tpu.vector_load %arg8[%get3A_2157, %get3A_2158] {strides = array<i32>} : memref<104x128xf32, #tpu.memory_space<vmem>>, vector<1x16xf32>,
        %get3A_2160 = vector.shape_cast %get3A_2159 : vector<1x16xf32> to vector<16xf32>
        %add3A_2161 = arith.addf %scan3A_2117, %get3A_2160 : vector<16xf32>
        %get3A_2162 = arith.index_cast %scan3A_2110 : i32 to index
        %get3A_2163 = arith.constant 112 : index
        %get3A_2164 = tpu.vector_load %arg8[%get3A_2162, %get3A_2163] {strides = array<i32>} : memref<104x128xf32, #tpu.memory_space<vmem>>, vector<1x16xf32>,
        %get3A_2165 = vector.shape_cast %get3A_2164 : vector<1x16xf32> to vector<16xf32>
        %add3A_2166 = arith.addf %scan3A_2118, %get3A_2165 : vector<16xf32>
        %add3A_2167 = arith.constant 52 : i32
        %add3A_2168 = arith.addi %add3A_2167, %scan3A_2110 : i32
        %get3A_2169 = arith.index_cast %add3A_2168 : i32 to index
        %get3A_2170 = arith.constant 0 : index
        %get3A_2171 = tpu.vector_load %arg8[%get3A_2169, %get3A_2170] {strides = array<i32>} : memref<104x128xf32, #tpu.memory_space<vmem>>, vector<1x16xf32>,
        %get3A_2172 = vector.shape_cast %get3A_2171 : vector<1x16xf32> to vector<16xf32>
        %add3A_2173 = arith.addf %scan3A_2119, %get3A_2172 : vector<16xf32>
        %add3A_2174 = arith.constant 52 : i32
        %add3A_2175 = arith.addi %add3A_2174, %scan3A_2110 : i32
        %get3A_2176 = arith.index_cast %add3A_2175 : i32 to index
        %get3A_2177 = arith.constant 16 : index
        %get3A_2178 = tpu.vector_load %arg8[%get3A_2176, %get3A_2177] {strides = array<i32>} : memref<104x128xf32, #tpu.memory_space<vmem>>, vector<1x16xf32>,
        %get3A_2179 = vector.shape_cast %get3A_2178 : vector<1x16xf32> to vector<16xf32>
        %add3A_2180 = arith.addf %scan3A_2120, %get3A_2179 : vector<16xf32>
        %add3A_2181 = arith.constant 52 : i32
        %add3A_2182 = arith.addi %add3A_2181, %scan3A_2110 : i32
        %get3A_2183 = arith.index_cast %add3A_2182 : i32 to index
        %get3A_2184 = arith.constant 32 : index
        %get3A_2185 = tpu.vector_load %arg8[%get3A_2183, %get3A_2184] {strides = array<i32>} : memref<104x128xf32, #tpu.memory_space<vmem>>, vector<1x16xf32>,
        %get3A_2186 = vector.shape_cast %get3A_2185 : vector<1x16xf32> to vector<16xf32>
        %add3A_2187 = arith.addf %scan3A_2121, %get3A_2186 : vector<16xf32>
        %add3A_2188 = arith.constant 52 : i32
        %add3A_2189 = arith.addi %add3A_2188, %scan3A_2110 : i32
        %get3A_2190 = arith.index_cast %add3A_2189 : i32 to index
        %get3A_2191 = arith.constant 48 : index
        %get3A_2192 = tpu.vector_load %arg8[%get3A_2190, %get3A_2191] {strides = array<i32>} : memref<104x128xf32, #tpu.memory_space<vmem>>, vector<1x16xf32>,
        %get3A_2193 = vector.shape_cast %get3A_2192 : vector<1x16xf32> to vector<16xf32>
        %add3A_2194 = arith.addf %scan3A_2122, %get3A_2193 : vector<16xf32>
        %add3A_2195 = arith.constant 52 : i32
        %add3A_2196 = arith.addi %add3A_2195, %scan3A_2110 : i32
        %get3A_2197 = arith.index_cast %add3A_2196 : i32 to index
        %get3A_2198 = arith.constant 64 : index
        %get3A_2199 = tpu.vector_load %arg8[%get3A_2197, %get3A_2198] {strides = array<i32>} : memref<104x128xf32, #tpu.memory_space<vmem>>, vector<1x16xf32>,
        %get3A_2200 = vector.shape_cast %get3A_2199 : vector<1x16xf32> to vector<16xf32>
        %add3A_2201 = arith.addf %scan3A_2123, %get3A_2200 : vector<16xf32>
        %add3A_2202 = arith.constant 52 : i32
        %add3A_2203 = arith.addi %add3A_2202, %scan3A_2110 : i32
        %get3A_2204 = arith.index_cast %add3A_2203 : i32 to index
        %get3A_2205 = arith.constant 80 : index
        %get3A_2206 = tpu.vector_load %arg8[%get3A_2204, %get3A_2205] {strides = array<i32>} : memref<104x128xf32, #tpu.memory_space<vmem>>, vector<1x16xf32>,
        %get3A_2207 = vector.shape_cast %get3A_2206 : vector<1x16xf32> to vector<16xf32>
        %add3A_2208 = arith.addf %scan3A_2124, %get3A_2207 : vector<16xf32>
        %add3A_2209 = arith.constant 52 : i32
        %add3A_2210 = arith.addi %add3A_2209, %scan3A_2110 : i32
        %get3A_2211 = arith.index_cast %add3A_2210 : i32 to index
        %get3A_2212 = arith.constant 96 : index
        %get3A_2213 = tpu.vector_load %arg8[%get3A_2211, %get3A_2212] {strides = array<i32>} : memref<104x128xf32, #tpu.memory_space<vmem>>, vector<1x16xf32>,
        %get3A_2214 = vector.shape_cast %get3A_2213 : vector<1x16xf32> to vector<16xf32>
        %add3A_2215 = arith.addf %scan3A_2125, %get3A_2214 : vector<16xf32>
        %add3A_2216 = arith.constant 52 : i32
        %add3A_2217 = arith.addi %add3A_2216, %scan3A_2110 : i32
        %get3A_2218 = arith.index_cast %add3A_2217 : i32 to index
        %get3A_2219 = arith.constant 112 : index
        %get3A_2220 = tpu.vector_load %arg8[%get3A_2218, %get3A_2219] {strides = array<i32>} : memref<104x128xf32, #tpu.memory_space<vmem>>, vector<1x16xf32>,
        %get3A_2221 = vector.shape_cast %get3A_2220 : vector<1x16xf32> to vector<16xf32>
        %add3A_2222 = arith.addf %scan3A_2126, %get3A_2221 : vector<16xf32>
        scf.yield %add3A_2131, %add3A_2136, %add3A_2141, %add3A_2146, %add3A_2151, %add3A_2156, %add3A_2161, %add3A_2166, %add3A_2173, %add3A_2180, %add3A_2187, %add3A_2194, %add3A_2201, %add3A_2208, %add3A_2215, %add3A_2222 : vector<16xf32>, vector<16xf32>, vector<16xf32>, vector<16xf32>, vector<16xf32>, vector<16xf32>, vector<16xf32>, vector<16xf32>, vector<16xf32>, vector<16xf32>, vector<16xf32>, vector<16xf32>, vector<16xf32>, vector<16xf32>, vector<16xf32>, vector<16xf32>
      }
      %scan3A_269 = arith.constant 52 : i32
      %convert_element_type3A = arith.sitofp %sub3A_260 : vector<16xi32> to vector<16xf32>
      %convert_element_type3A_270 = arith.sitofp %sub3A_263 : vector<16xi32> to vector<16xf32>
      %convert_element_type3A_271 = arith.sitofp %add3A_193 : vector<16xi32> to vector<16xf32>
      %max3A_272 = arith.constant 1.000000e+00 : f32
      %max3A_273 = vector.broadcast %max3A_272 : f32 to vector<16xf32>
      %max3A_274 = arith.maximumf %convert_element_type3A_271, %max3A_273 : vector<16xf32>
      %convert_element_type3A_275 = arith.sitofp %add3A_257 : vector<16xi32> to vector<16xf32>
      %max3A_276 = arith.constant 1.000000e+00 : f32
      %max3A_277 = vector.broadcast %max3A_276 : f32 to vector<16xf32>
      %max3A_278 = arith.maximumf %convert_element_type3A_275, %max3A_277 : vector<16xf32>
      %mul3A_279 = arith.mulf %convert_element_type3A, %get3A_4 : vector<16xf32>
      %sub3A_280 = arith.subf %scan3A_268#0, %mul3A_279 : vector<16xf32>
      %div3A = arith.divf %sub3A_280, %max3A_274 : vector<16xf32>
      %mul3A_281 = arith.mulf %convert_element_type3A_270, %get3A_4 : vector<16xf32>
      %sub3A_282 = arith.subf %scan3A_268#8, %mul3A_281 : vector<16xf32>
      %div3A_283 = arith.divf %sub3A_282, %max3A_278 : vector<16xf32>
      %sub3A_284 = arith.subf %div3A_283, %div3A : vector<16xf32>
      %get3A_285 = arith.constant 52 : i32
      %get3A_286 = arith.index_cast %get3A_285 : i32 to index
      %get3A_287 = arith.constant 0 : index
      %get3A_288 = tpu.vector_load %arg8[%get3A_286, %get3A_287] {strides = array<i32>} : memref<104x128xf32, #tpu.memory_space<vmem>>, vector<1x16xf32>,
      %get3A_289 = vector.shape_cast %get3A_288 : vector<1x16xf32> to vector<16xf32>
      %get3A_290 = arith.constant 0 : i32
      %get3A_291 = arith.index_cast %get3A_290 : i32 to index
      %get3A_292 = arith.constant 0 : index
      %get3A_293 = tpu.vector_load %arg8[%get3A_291, %get3A_292] {strides = array<i32>} : memref<104x128xf32, #tpu.memory_space<vmem>>, vector<1x16xf32>,
      %get3A_294 = vector.shape_cast %get3A_293 : vector<1x16xf32> to vector<16xf32>
      %sub3A_295 = arith.subf %get3A_289, %get3A_294 : vector<16xf32>
      %mul3A_296 = arith.constant 1.000000e-01 : f32
      %mul3A_297 = vector.broadcast %mul3A_296 : f32 to vector<16xf32>
      %mul3A_298 = arith.mulf %mul3A_297, %sub3A_295 : vector<16xf32>
      %add3A_299 = arith.addf %sub3A_284, %mul3A_298 : vector<16xf32>
      %swap3A = arith.index_cast %add3A_78 : i32 to index
      %swap3A_300 = arith.constant 0 : index
      %swap3A_301 = tpu.vector_load %arg13[%swap3A, %swap3A_300] {strides = array<i32>} : memref<128x128xf32, #tpu.memory_space<vmem>>, vector<1x16xf32>,
      %swap3A_302 = vector.shape_cast %swap3A_301 : vector<1x16xf32> to vector<16xf32>
      %swap3A_303 = vector.shape_cast %add3A_299 : vector<16xf32> to vector<1x16xf32>
      tpu.vector_store %arg13[%swap3A, %swap3A_300], %swap3A_303 {strides = array<i32>} : memref<128x128xf32, #tpu.memory_space<vmem>>, vector<1x16xf32>,
      %swap3A_304 = arith.index_cast %add3A_78 : i32 to index
      %swap3A_305 = arith.constant 0 : index
      %swap3A_306 = tpu.vector_load %arg14[%swap3A_304, %swap3A_305] {strides = array<i32>} : memref<128x128xf32, #tpu.memory_space<vmem>>, vector<1x16xf32>,
      %swap3A_307 = vector.shape_cast %swap3A_306 : vector<1x16xf32> to vector<16xf32>
      %swap3A_308 = vector.shape_cast %div3A : vector<16xf32> to vector<1x16xf32>
      tpu.vector_store %arg14[%swap3A_304, %swap3A_305], %swap3A_308 {strides = array<i32>} : memref<128x128xf32, #tpu.memory_space<vmem>>, vector<1x16xf32>,
      %swap3A_309 = arith.index_cast %add3A_78 : i32 to index
      %swap3A_310 = arith.constant 0 : index
      %swap3A_311 = tpu.vector_load %arg15[%swap3A_309, %swap3A_310] {strides = array<i32>} : memref<128x128xf32, #tpu.memory_space<vmem>>, vector<1x16xf32>,
      %swap3A_312 = vector.shape_cast %swap3A_311 : vector<1x16xf32> to vector<16xf32>
      %swap3A_313 = vector.shape_cast %div3A_283 : vector<16xf32> to vector<1x16xf32>
      tpu.vector_store %arg15[%swap3A_309, %swap3A_310], %swap3A_313 {strides = array<i32>} : memref<128x128xf32, #tpu.memory_space<vmem>>, vector<1x16xf32>,
      %mul3A_314 = arith.mulf %convert_element_type3A, %get3A_7 : vector<16xf32>
      %sub3A_315 = arith.subf %scan3A_268#1, %mul3A_314 : vector<16xf32>
      %div3A_316 = arith.divf %sub3A_315, %max3A_274 : vector<16xf32>
      %mul3A_317 = arith.mulf %convert_element_type3A_270, %get3A_7 : vector<16xf32>
      %sub3A_318 = arith.subf %scan3A_268#9, %mul3A_317 : vector<16xf32>
      %div3A_319 = arith.divf %sub3A_318, %max3A_278 : vector<16xf32>
      %sub3A_320 = arith.subf %div3A_319, %div3A_316 : vector<16xf32>
      %get3A_321 = arith.constant 52 : i32
      %get3A_322 = arith.index_cast %get3A_321 : i32 to index
      %get3A_323 = arith.constant 16 : index
      %get3A_324 = tpu.vector_load %arg8[%get3A_322, %get3A_323] {strides = array<i32>} : memref<104x128xf32, #tpu.memory_space<vmem>>, vector<1x16xf32>,
      %get3A_325 = vector.shape_cast %get3A_324 : vector<1x16xf32> to vector<16xf32>
      %get3A_326 = arith.constant 0 : i32
      %get3A_327 = arith.index_cast %get3A_326 : i32 to index
      %get3A_328 = arith.constant 16 : index
      %get3A_329 = tpu.vector_load %arg8[%get3A_327, %get3A_328] {strides = array<i32>} : memref<104x128xf32, #tpu.memory_space<vmem>>, vector<1x16xf32>,
      %get3A_330 = vector.shape_cast %get3A_329 : vector<1x16xf32> to vector<16xf32>
      %sub3A_331 = arith.subf %get3A_325, %get3A_330 : vector<16xf32>
      %mul3A_332 = arith.constant 1.000000e-01 : f32
      %mul3A_333 = vector.broadcast %mul3A_332 : f32 to vector<16xf32>
      %mul3A_334 = arith.mulf %mul3A_333, %sub3A_331 : vector<16xf32>
      %add3A_335 = arith.addf %sub3A_320, %mul3A_334 : vector<16xf32>
      %swap3A_336 = arith.index_cast %add3A_78 : i32 to index
      %swap3A_337 = arith.constant 16 : index
      %swap3A_338 = tpu.vector_load %arg13[%swap3A_336, %swap3A_337] {strides = array<i32>} : memref<128x128xf32, #tpu.memory_space<vmem>>, vector<1x16xf32>,
      %swap3A_339 = vector.shape_cast %swap3A_338 : vector<1x16xf32> to vector<16xf32>
      %swap3A_340 = vector.shape_cast %add3A_335 : vector<16xf32> to vector<1x16xf32>
      tpu.vector_store %arg13[%swap3A_336, %swap3A_337], %swap3A_340 {strides = array<i32>} : memref<128x128xf32, #tpu.memory_space<vmem>>, vector<1x16xf32>,
      %swap3A_341 = arith.index_cast %add3A_78 : i32 to index
      %swap3A_342 = arith.constant 16 : index
      %swap3A_343 = tpu.vector_load %arg14[%swap3A_341, %swap3A_342] {strides = array<i32>} : memref<128x128xf32, #tpu.memory_space<vmem>>, vector<1x16xf32>,
      %swap3A_344 = vector.shape_cast %swap3A_343 : vector<1x16xf32> to vector<16xf32>
      %swap3A_345 = vector.shape_cast %div3A_316 : vector<16xf32> to vector<1x16xf32>
      tpu.vector_store %arg14[%swap3A_341, %swap3A_342], %swap3A_345 {strides = array<i32>} : memref<128x128xf32, #tpu.memory_space<vmem>>, vector<1x16xf32>,
      %swap3A_346 = arith.index_cast %add3A_78 : i32 to index
      %swap3A_347 = arith.constant 16 : index
      %swap3A_348 = tpu.vector_load %arg15[%swap3A_346, %swap3A_347] {strides = array<i32>} : memref<128x128xf32, #tpu.memory_space<vmem>>, vector<1x16xf32>,
      %swap3A_349 = vector.shape_cast %swap3A_348 : vector<1x16xf32> to vector<16xf32>
      %swap3A_350 = vector.shape_cast %div3A_319 : vector<16xf32> to vector<1x16xf32>
      tpu.vector_store %arg15[%swap3A_346, %swap3A_347], %swap3A_350 {strides = array<i32>} : memref<128x128xf32, #tpu.memory_space<vmem>>, vector<1x16xf32>,
      %mul3A_351 = arith.mulf %convert_element_type3A, %get3A_10 : vector<16xf32>
      %sub3A_352 = arith.subf %scan3A_268#2, %mul3A_351 : vector<16xf32>
      %div3A_353 = arith.divf %sub3A_352, %max3A_274 : vector<16xf32>
      %mul3A_354 = arith.mulf %convert_element_type3A_270, %get3A_10 : vector<16xf32>
      %sub3A_355 = arith.subf %scan3A_268#10, %mul3A_354 : vector<16xf32>
      %div3A_356 = arith.divf %sub3A_355, %max3A_278 : vector<16xf32>
      %sub3A_357 = arith.subf %div3A_356, %div3A_353 : vector<16xf32>
      %get3A_358 = arith.constant 52 : i32
      %get3A_359 = arith.index_cast %get3A_358 : i32 to index
      %get3A_360 = arith.constant 32 : index
      %get3A_361 = tpu.vector_load %arg8[%get3A_359, %get3A_360] {strides = array<i32>} : memref<104x128xf32, #tpu.memory_space<vmem>>, vector<1x16xf32>,
      %get3A_362 = vector.shape_cast %get3A_361 : vector<1x16xf32> to vector<16xf32>
      %get3A_363 = arith.constant 0 : i32
      %get3A_364 = arith.index_cast %get3A_363 : i32 to index
      %get3A_365 = arith.constant 32 : index
      %get3A_366 = tpu.vector_load %arg8[%get3A_364, %get3A_365] {strides = array<i32>} : memref<104x128xf32, #tpu.memory_space<vmem>>, vector<1x16xf32>,
      %get3A_367 = vector.shape_cast %get3A_366 : vector<1x16xf32> to vector<16xf32>
      %sub3A_368 = arith.subf %get3A_362, %get3A_367 : vector<16xf32>
      %mul3A_369 = arith.constant 1.000000e-01 : f32
      %mul3A_370 = vector.broadcast %mul3A_369 : f32 to vector<16xf32>
      %mul3A_371 = arith.mulf %mul3A_370, %sub3A_368 : vector<16xf32>
      %add3A_372 = arith.addf %sub3A_357, %mul3A_371 : vector<16xf32>
      %swap3A_373 = arith.index_cast %add3A_78 : i32 to index
      %swap3A_374 = arith.constant 32 : index
      %swap3A_375 = tpu.vector_load %arg13[%swap3A_373, %swap3A_374] {strides = array<i32>} : memref<128x128xf32, #tpu.memory_space<vmem>>, vector<1x16xf32>,
      %swap3A_376 = vector.shape_cast %swap3A_375 : vector<1x16xf32> to vector<16xf32>
      %swap3A_377 = vector.shape_cast %add3A_372 : vector<16xf32> to vector<1x16xf32>
      tpu.vector_store %arg13[%swap3A_373, %swap3A_374], %swap3A_377 {strides = array<i32>} : memref<128x128xf32, #tpu.memory_space<vmem>>, vector<1x16xf32>,
      %swap3A_378 = arith.index_cast %add3A_78 : i32 to index
      %swap3A_379 = arith.constant 32 : index
      %swap3A_380 = tpu.vector_load %arg14[%swap3A_378, %swap3A_379] {strides = array<i32>} : memref<128x128xf32, #tpu.memory_space<vmem>>, vector<1x16xf32>,
      %swap3A_381 = vector.shape_cast %swap3A_380 : vector<1x16xf32> to vector<16xf32>
      %swap3A_382 = vector.shape_cast %div3A_353 : vector<16xf32> to vector<1x16xf32>
      tpu.vector_store %arg14[%swap3A_378, %swap3A_379], %swap3A_382 {strides = array<i32>} : memref<128x128xf32, #tpu.memory_space<vmem>>, vector<1x16xf32>,
      %swap3A_383 = arith.index_cast %add3A_78 : i32 to index
      %swap3A_384 = arith.constant 32 : index
      %swap3A_385 = tpu.vector_load %arg15[%swap3A_383, %swap3A_384] {strides = array<i32>} : memref<128x128xf32, #tpu.memory_space<vmem>>, vector<1x16xf32>,
      %swap3A_386 = vector.shape_cast %swap3A_385 : vector<1x16xf32> to vector<16xf32>
      %swap3A_387 = vector.shape_cast %div3A_356 : vector<16xf32> to vector<1x16xf32>
      tpu.vector_store %arg15[%swap3A_383, %swap3A_384], %swap3A_387 {strides = array<i32>} : memref<128x128xf32, #tpu.memory_space<vmem>>, vector<1x16xf32>,
      %mul3A_388 = arith.mulf %convert_element_type3A, %get3A_13 : vector<16xf32>
      %sub3A_389 = arith.subf %scan3A_268#3, %mul3A_388 : vector<16xf32>
      %div3A_390 = arith.divf %sub3A_389, %max3A_274 : vector<16xf32>
      %mul3A_391 = arith.mulf %convert_element_type3A_270, %get3A_13 : vector<16xf32>
      %sub3A_392 = arith.subf %scan3A_268#11, %mul3A_391 : vector<16xf32>
      %div3A_393 = arith.divf %sub3A_392, %max3A_278 : vector<16xf32>
      %sub3A_394 = arith.subf %div3A_393, %div3A_390 : vector<16xf32>
      %get3A_395 = arith.constant 52 : i32
      %get3A_396 = arith.index_cast %get3A_395 : i32 to index
      %get3A_397 = arith.constant 48 : index
      %get3A_398 = tpu.vector_load %arg8[%get3A_396, %get3A_397] {strides = array<i32>} : memref<104x128xf32, #tpu.memory_space<vmem>>, vector<1x16xf32>,
      %get3A_399 = vector.shape_cast %get3A_398 : vector<1x16xf32> to vector<16xf32>
      %get3A_400 = arith.constant 0 : i32
      %get3A_401 = arith.index_cast %get3A_400 : i32 to index
      %get3A_402 = arith.constant 48 : index
      %get3A_403 = tpu.vector_load %arg8[%get3A_401, %get3A_402] {strides = array<i32>} : memref<104x128xf32, #tpu.memory_space<vmem>>, vector<1x16xf32>,
      %get3A_404 = vector.shape_cast %get3A_403 : vector<1x16xf32> to vector<16xf32>
      %sub3A_405 = arith.subf %get3A_399, %get3A_404 : vector<16xf32>
      %mul3A_406 = arith.constant 1.000000e-01 : f32
      %mul3A_407 = vector.broadcast %mul3A_406 : f32 to vector<16xf32>
      %mul3A_408 = arith.mulf %mul3A_407, %sub3A_405 : vector<16xf32>
      %add3A_409 = arith.addf %sub3A_394, %mul3A_408 : vector<16xf32>
      %swap3A_410 = arith.index_cast %add3A_78 : i32 to index
      %swap3A_411 = arith.constant 48 : index
      %swap3A_412 = tpu.vector_load %arg13[%swap3A_410, %swap3A_411] {strides = array<i32>} : memref<128x128xf32, #tpu.memory_space<vmem>>, vector<1x16xf32>,
      %swap3A_413 = vector.shape_cast %swap3A_412 : vector<1x16xf32> to vector<16xf32>
      %swap3A_414 = vector.shape_cast %add3A_409 : vector<16xf32> to vector<1x16xf32>
      tpu.vector_store %arg13[%swap3A_410, %swap3A_411], %swap3A_414 {strides = array<i32>} : memref<128x128xf32, #tpu.memory_space<vmem>>, vector<1x16xf32>,
      %swap3A_415 = arith.index_cast %add3A_78 : i32 to index
      %swap3A_416 = arith.constant 48 : index
      %swap3A_417 = tpu.vector_load %arg14[%swap3A_415, %swap3A_416] {strides = array<i32>} : memref<128x128xf32, #tpu.memory_space<vmem>>, vector<1x16xf32>,
      %swap3A_418 = vector.shape_cast %swap3A_417 : vector<1x16xf32> to vector<16xf32>
      %swap3A_419 = vector.shape_cast %div3A_390 : vector<16xf32> to vector<1x16xf32>
      tpu.vector_store %arg14[%swap3A_415, %swap3A_416], %swap3A_419 {strides = array<i32>} : memref<128x128xf32, #tpu.memory_space<vmem>>, vector<1x16xf32>,
      %swap3A_420 = arith.index_cast %add3A_78 : i32 to index
      %swap3A_421 = arith.constant 48 : index
      %swap3A_422 = tpu.vector_load %arg15[%swap3A_420, %swap3A_421] {strides = array<i32>} : memref<128x128xf32, #tpu.memory_space<vmem>>, vector<1x16xf32>,
      %swap3A_423 = vector.shape_cast %swap3A_422 : vector<1x16xf32> to vector<16xf32>
      %swap3A_424 = vector.shape_cast %div3A_393 : vector<16xf32> to vector<1x16xf32>
      tpu.vector_store %arg15[%swap3A_420, %swap3A_421], %swap3A_424 {strides = array<i32>} : memref<128x128xf32, #tpu.memory_space<vmem>>, vector<1x16xf32>,
      %mul3A_425 = arith.mulf %convert_element_type3A, %get3A_16 : vector<16xf32>
      %sub3A_426 = arith.subf %scan3A_268#4, %mul3A_425 : vector<16xf32>
      %div3A_427 = arith.divf %sub3A_426, %max3A_274 : vector<16xf32>
      %mul3A_428 = arith.mulf %convert_element_type3A_270, %get3A_16 : vector<16xf32>
      %sub3A_429 = arith.subf %scan3A_268#12, %mul3A_428 : vector<16xf32>
      %div3A_430 = arith.divf %sub3A_429, %max3A_278 : vector<16xf32>
      %sub3A_431 = arith.subf %div3A_430, %div3A_427 : vector<16xf32>
      %get3A_432 = arith.constant 52 : i32
      %get3A_433 = arith.index_cast %get3A_432 : i32 to index
      %get3A_434 = arith.constant 64 : index
      %get3A_435 = tpu.vector_load %arg8[%get3A_433, %get3A_434] {strides = array<i32>} : memref<104x128xf32, #tpu.memory_space<vmem>>, vector<1x16xf32>,
      %get3A_436 = vector.shape_cast %get3A_435 : vector<1x16xf32> to vector<16xf32>
      %get3A_437 = arith.constant 0 : i32
      %get3A_438 = arith.index_cast %get3A_437 : i32 to index
      %get3A_439 = arith.constant 64 : index
      %get3A_440 = tpu.vector_load %arg8[%get3A_438, %get3A_439] {strides = array<i32>} : memref<104x128xf32, #tpu.memory_space<vmem>>, vector<1x16xf32>,
      %get3A_441 = vector.shape_cast %get3A_440 : vector<1x16xf32> to vector<16xf32>
      %sub3A_442 = arith.subf %get3A_436, %get3A_441 : vector<16xf32>
      %mul3A_443 = arith.constant 1.000000e-01 : f32
      %mul3A_444 = vector.broadcast %mul3A_443 : f32 to vector<16xf32>
      %mul3A_445 = arith.mulf %mul3A_444, %sub3A_442 : vector<16xf32>
      %add3A_446 = arith.addf %sub3A_431, %mul3A_445 : vector<16xf32>
      %swap3A_447 = arith.index_cast %add3A_78 : i32 to index
      %swap3A_448 = arith.constant 64 : index
      %swap3A_449 = tpu.vector_load %arg13[%swap3A_447, %swap3A_448] {strides = array<i32>} : memref<128x128xf32, #tpu.memory_space<vmem>>, vector<1x16xf32>,
      %swap3A_450 = vector.shape_cast %swap3A_449 : vector<1x16xf32> to vector<16xf32>
      %swap3A_451 = vector.shape_cast %add3A_446 : vector<16xf32> to vector<1x16xf32>
      tpu.vector_store %arg13[%swap3A_447, %swap3A_448], %swap3A_451 {strides = array<i32>} : memref<128x128xf32, #tpu.memory_space<vmem>>, vector<1x16xf32>,
      %swap3A_452 = arith.index_cast %add3A_78 : i32 to index
      %swap3A_453 = arith.constant 64 : index
      %swap3A_454 = tpu.vector_load %arg14[%swap3A_452, %swap3A_453] {strides = array<i32>} : memref<128x128xf32, #tpu.memory_space<vmem>>, vector<1x16xf32>,
      %swap3A_455 = vector.shape_cast %swap3A_454 : vector<1x16xf32> to vector<16xf32>
      %swap3A_456 = vector.shape_cast %div3A_427 : vector<16xf32> to vector<1x16xf32>
      tpu.vector_store %arg14[%swap3A_452, %swap3A_453], %swap3A_456 {strides = array<i32>} : memref<128x128xf32, #tpu.memory_space<vmem>>, vector<1x16xf32>,
      %swap3A_457 = arith.index_cast %add3A_78 : i32 to index
      %swap3A_458 = arith.constant 64 : index
      %swap3A_459 = tpu.vector_load %arg15[%swap3A_457, %swap3A_458] {strides = array<i32>} : memref<128x128xf32, #tpu.memory_space<vmem>>, vector<1x16xf32>,
      %swap3A_460 = vector.shape_cast %swap3A_459 : vector<1x16xf32> to vector<16xf32>
      %swap3A_461 = vector.shape_cast %div3A_430 : vector<16xf32> to vector<1x16xf32>
      tpu.vector_store %arg15[%swap3A_457, %swap3A_458], %swap3A_461 {strides = array<i32>} : memref<128x128xf32, #tpu.memory_space<vmem>>, vector<1x16xf32>,
      %mul3A_462 = arith.mulf %convert_element_type3A, %get3A_19 : vector<16xf32>
      %sub3A_463 = arith.subf %scan3A_268#5, %mul3A_462 : vector<16xf32>
      %div3A_464 = arith.divf %sub3A_463, %max3A_274 : vector<16xf32>
      %mul3A_465 = arith.mulf %convert_element_type3A_270, %get3A_19 : vector<16xf32>
      %sub3A_466 = arith.subf %scan3A_268#13, %mul3A_465 : vector<16xf32>
      %div3A_467 = arith.divf %sub3A_466, %max3A_278 : vector<16xf32>
      %sub3A_468 = arith.subf %div3A_467, %div3A_464 : vector<16xf32>
      %get3A_469 = arith.constant 52 : i32
      %get3A_470 = arith.index_cast %get3A_469 : i32 to index
      %get3A_471 = arith.constant 80 : index
      %get3A_472 = tpu.vector_load %arg8[%get3A_470, %get3A_471] {strides = array<i32>} : memref<104x128xf32, #tpu.memory_space<vmem>>, vector<1x16xf32>,
      %get3A_473 = vector.shape_cast %get3A_472 : vector<1x16xf32> to vector<16xf32>
      %get3A_474 = arith.constant 0 : i32
      %get3A_475 = arith.index_cast %get3A_474 : i32 to index
      %get3A_476 = arith.constant 80 : index
      %get3A_477 = tpu.vector_load %arg8[%get3A_475, %get3A_476] {strides = array<i32>} : memref<104x128xf32, #tpu.memory_space<vmem>>, vector<1x16xf32>,
      %get3A_478 = vector.shape_cast %get3A_477 : vector<1x16xf32> to vector<16xf32>
      %sub3A_479 = arith.subf %get3A_473, %get3A_478 : vector<16xf32>
      %mul3A_480 = arith.constant 1.000000e-01 : f32
      %mul3A_481 = vector.broadcast %mul3A_480 : f32 to vector<16xf32>
      %mul3A_482 = arith.mulf %mul3A_481, %sub3A_479 : vector<16xf32>
      %add3A_483 = arith.addf %sub3A_468, %mul3A_482 : vector<16xf32>
      %swap3A_484 = arith.index_cast %add3A_78 : i32 to index
      %swap3A_485 = arith.constant 80 : index
      %swap3A_486 = tpu.vector_load %arg13[%swap3A_484, %swap3A_485] {strides = array<i32>} : memref<128x128xf32, #tpu.memory_space<vmem>>, vector<1x16xf32>,
      %swap3A_487 = vector.shape_cast %swap3A_486 : vector<1x16xf32> to vector<16xf32>
      %swap3A_488 = vector.shape_cast %add3A_483 : vector<16xf32> to vector<1x16xf32>
      tpu.vector_store %arg13[%swap3A_484, %swap3A_485], %swap3A_488 {strides = array<i32>} : memref<128x128xf32, #tpu.memory_space<vmem>>, vector<1x16xf32>,
      %swap3A_489 = arith.index_cast %add3A_78 : i32 to index
      %swap3A_490 = arith.constant 80 : index
      %swap3A_491 = tpu.vector_load %arg14[%swap3A_489, %swap3A_490] {strides = array<i32>} : memref<128x128xf32, #tpu.memory_space<vmem>>, vector<1x16xf32>,
      %swap3A_492 = vector.shape_cast %swap3A_491 : vector<1x16xf32> to vector<16xf32>
      %swap3A_493 = vector.shape_cast %div3A_464 : vector<16xf32> to vector<1x16xf32>
      tpu.vector_store %arg14[%swap3A_489, %swap3A_490], %swap3A_493 {strides = array<i32>} : memref<128x128xf32, #tpu.memory_space<vmem>>, vector<1x16xf32>,
      %swap3A_494 = arith.index_cast %add3A_78 : i32 to index
      %swap3A_495 = arith.constant 80 : index
      %swap3A_496 = tpu.vector_load %arg15[%swap3A_494, %swap3A_495] {strides = array<i32>} : memref<128x128xf32, #tpu.memory_space<vmem>>, vector<1x16xf32>,
      %swap3A_497 = vector.shape_cast %swap3A_496 : vector<1x16xf32> to vector<16xf32>
      %swap3A_498 = vector.shape_cast %div3A_467 : vector<16xf32> to vector<1x16xf32>
      tpu.vector_store %arg15[%swap3A_494, %swap3A_495], %swap3A_498 {strides = array<i32>} : memref<128x128xf32, #tpu.memory_space<vmem>>, vector<1x16xf32>,
      %mul3A_499 = arith.mulf %convert_element_type3A, %get3A_22 : vector<16xf32>
      %sub3A_500 = arith.subf %scan3A_268#6, %mul3A_499 : vector<16xf32>
      %div3A_501 = arith.divf %sub3A_500, %max3A_274 : vector<16xf32>
      %mul3A_502 = arith.mulf %convert_element_type3A_270, %get3A_22 : vector<16xf32>
      %sub3A_503 = arith.subf %scan3A_268#14, %mul3A_502 : vector<16xf32>
      %div3A_504 = arith.divf %sub3A_503, %max3A_278 : vector<16xf32>
      %sub3A_505 = arith.subf %div3A_504, %div3A_501 : vector<16xf32>
      %get3A_506 = arith.constant 52 : i32
      %get3A_507 = arith.index_cast %get3A_506 : i32 to index
      %get3A_508 = arith.constant 96 : index
      %get3A_509 = tpu.vector_load %arg8[%get3A_507, %get3A_508] {strides = array<i32>} : memref<104x128xf32, #tpu.memory_space<vmem>>, vector<1x16xf32>,
      %get3A_510 = vector.shape_cast %get3A_509 : vector<1x16xf32> to vector<16xf32>
      %get3A_511 = arith.constant 0 : i32
      %get3A_512 = arith.index_cast %get3A_511 : i32 to index
      %get3A_513 = arith.constant 96 : index
      %get3A_514 = tpu.vector_load %arg8[%get3A_512, %get3A_513] {strides = array<i32>} : memref<104x128xf32, #tpu.memory_space<vmem>>, vector<1x16xf32>,
      %get3A_515 = vector.shape_cast %get3A_514 : vector<1x16xf32> to vector<16xf32>
      %sub3A_516 = arith.subf %get3A_510, %get3A_515 : vector<16xf32>
      %mul3A_517 = arith.constant 1.000000e-01 : f32
      %mul3A_518 = vector.broadcast %mul3A_517 : f32 to vector<16xf32>
      %mul3A_519 = arith.mulf %mul3A_518, %sub3A_516 : vector<16xf32>
      %add3A_520 = arith.addf %sub3A_505, %mul3A_519 : vector<16xf32>
      %swap3A_521 = arith.index_cast %add3A_78 : i32 to index
      %swap3A_522 = arith.constant 96 : index
      %swap3A_523 = tpu.vector_load %arg13[%swap3A_521, %swap3A_522] {strides = array<i32>} : memref<128x128xf32, #tpu.memory_space<vmem>>, vector<1x16xf32>,
      %swap3A_524 = vector.shape_cast %swap3A_523 : vector<1x16xf32> to vector<16xf32>
      %swap3A_525 = vector.shape_cast %add3A_520 : vector<16xf32> to vector<1x16xf32>
      tpu.vector_store %arg13[%swap3A_521, %swap3A_522], %swap3A_525 {strides = array<i32>} : memref<128x128xf32, #tpu.memory_space<vmem>>, vector<1x16xf32>,
      %swap3A_526 = arith.index_cast %add3A_78 : i32 to index
      %swap3A_527 = arith.constant 96 : index
      %swap3A_528 = tpu.vector_load %arg14[%swap3A_526, %swap3A_527] {strides = array<i32>} : memref<128x128xf32, #tpu.memory_space<vmem>>, vector<1x16xf32>,
      %swap3A_529 = vector.shape_cast %swap3A_528 : vector<1x16xf32> to vector<16xf32>
      %swap3A_530 = vector.shape_cast %div3A_501 : vector<16xf32> to vector<1x16xf32>
      tpu.vector_store %arg14[%swap3A_526, %swap3A_527], %swap3A_530 {strides = array<i32>} : memref<128x128xf32, #tpu.memory_space<vmem>>, vector<1x16xf32>,
      %swap3A_531 = arith.index_cast %add3A_78 : i32 to index
      %swap3A_532 = arith.constant 96 : index
      %swap3A_533 = tpu.vector_load %arg15[%swap3A_531, %swap3A_532] {strides = array<i32>} : memref<128x128xf32, #tpu.memory_space<vmem>>, vector<1x16xf32>,
      %swap3A_534 = vector.shape_cast %swap3A_533 : vector<1x16xf32> to vector<16xf32>
      %swap3A_535 = vector.shape_cast %div3A_504 : vector<16xf32> to vector<1x16xf32>
      tpu.vector_store %arg15[%swap3A_531, %swap3A_532], %swap3A_535 {strides = array<i32>} : memref<128x128xf32, #tpu.memory_space<vmem>>, vector<1x16xf32>,
      %mul3A_536 = arith.mulf %convert_element_type3A, %get3A_25 : vector<16xf32>
      %sub3A_537 = arith.subf %scan3A_268#7, %mul3A_536 : vector<16xf32>
      %div3A_538 = arith.divf %sub3A_537, %max3A_274 : vector<16xf32>
      %mul3A_539 = arith.mulf %convert_element_type3A_270, %get3A_25 : vector<16xf32>
      %sub3A_540 = arith.subf %scan3A_268#15, %mul3A_539 : vector<16xf32>
      %div3A_541 = arith.divf %sub3A_540, %max3A_278 : vector<16xf32>
      %sub3A_542 = arith.subf %div3A_541, %div3A_538 : vector<16xf32>
      %get3A_543 = arith.constant 52 : i32
      %get3A_544 = arith.index_cast %get3A_543 : i32 to index
      %get3A_545 = arith.constant 112 : index
      %get3A_546 = tpu.vector_load %arg8[%get3A_544, %get3A_545] {strides = array<i32>} : memref<104x128xf32, #tpu.memory_space<vmem>>, vector<1x16xf32>,
      %get3A_547 = vector.shape_cast %get3A_546 : vector<1x16xf32> to vector<16xf32>
      %get3A_548 = arith.constant 0 : i32
      %get3A_549 = arith.index_cast %get3A_548 : i32 to index
      %get3A_550 = arith.constant 112 : index
      %get3A_551 = tpu.vector_load %arg8[%get3A_549, %get3A_550] {strides = array<i32>} : memref<104x128xf32, #tpu.memory_space<vmem>>, vector<1x16xf32>,
      %get3A_552 = vector.shape_cast %get3A_551 : vector<1x16xf32> to vector<16xf32>
      %sub3A_553 = arith.subf %get3A_547, %get3A_552 : vector<16xf32>
      %mul3A_554 = arith.constant 1.000000e-01 : f32
      %mul3A_555 = vector.broadcast %mul3A_554 : f32 to vector<16xf32>
      %mul3A_556 = arith.mulf %mul3A_555, %sub3A_553 : vector<16xf32>
      %add3A_557 = arith.addf %sub3A_542, %mul3A_556 : vector<16xf32>
      %swap3A_558 = arith.index_cast %add3A_78 : i32 to index
      %swap3A_559 = arith.constant 112 : index
      %swap3A_560 = tpu.vector_load %arg13[%swap3A_558, %swap3A_559] {strides = array<i32>} : memref<128x128xf32, #tpu.memory_space<vmem>>, vector<1x16xf32>,
      %swap3A_561 = vector.shape_cast %swap3A_560 : vector<1x16xf32> to vector<16xf32>
      %swap3A_562 = vector.shape_cast %add3A_557 : vector<16xf32> to vector<1x16xf32>
      tpu.vector_store %arg13[%swap3A_558, %swap3A_559], %swap3A_562 {strides = array<i32>} : memref<128x128xf32, #tpu.memory_space<vmem>>, vector<1x16xf32>,
      %swap3A_563 = arith.index_cast %add3A_78 : i32 to index
      %swap3A_564 = arith.constant 112 : index
      %swap3A_565 = tpu.vector_load %arg14[%swap3A_563, %swap3A_564] {strides = array<i32>} : memref<128x128xf32, #tpu.memory_space<vmem>>, vector<1x16xf32>,
      %swap3A_566 = vector.shape_cast %swap3A_565 : vector<1x16xf32> to vector<16xf32>
      %swap3A_567 = vector.shape_cast %div3A_538 : vector<16xf32> to vector<1x16xf32>
      tpu.vector_store %arg14[%swap3A_563, %swap3A_564], %swap3A_567 {strides = array<i32>} : memref<128x128xf32, #tpu.memory_space<vmem>>, vector<1x16xf32>,
      %swap3A_568 = arith.index_cast %add3A_78 : i32 to index
      %swap3A_569 = arith.constant 112 : index
      %swap3A_570 = tpu.vector_load %arg15[%swap3A_568, %swap3A_569] {strides = array<i32>} : memref<128x128xf32, #tpu.memory_space<vmem>>, vector<1x16xf32>,
      %swap3A_571 = vector.shape_cast %swap3A_570 : vector<1x16xf32> to vector<16xf32>
      %swap3A_572 = vector.shape_cast %div3A_541 : vector<16xf32> to vector<1x16xf32>
      tpu.vector_store %arg15[%swap3A_568, %swap3A_569], %swap3A_572 {strides = array<i32>} : memref<128x128xf32, #tpu.memory_space<vmem>>, vector<1x16xf32>,
      %lt3A_573 = arith.constant 31 : i32
      %lt3A_574 = arith.cmpi slt, %scan3A_74, %lt3A_573 : i32
      %convert_element_type3A_575 = arith.extui %lt3A_574 : i1 to i32
      %cond3A = arith.constant 0 : i32
      %cond3A_576 = arith.cmpi ne, %convert_element_type3A_575, %cond3A : i32
      scf.if %cond3A_576 {
        %add3A_2110 = arith.constant 4 : i32
        %add3A_2111 = arith.addi %add3A_78, %add3A_2110 : i32
        %dma_start3A_2112 = arith.constant 0 : i32
        %dma_start3A_2113 = tpu.memref_slice %arg7[%add3A_2111, %dma_start3A_2112] : memref<128x104xi32, #tpu.memory_space<vmem>> -> memref<1x104xi32, #tpu.memory_space<vmem>>
        %dma_start3A_2114 = tpu.memref_squeeze %dma_start3A_2113 : memref<1x104xi32, #tpu.memory_space<vmem>> -> memref<104xi32, #tpu.memory_space<vmem>>
        %dma_start3A_2115 = arith.constant 0 : i32
        %dma_start3A_2116 = arith.constant 0 : i32
        %dma_start3A_2117 = tpu.memref_slice %arg3[%dma_start3A_2115, %dma_start3A_2116] : memref<100000x128xf32, #tpu.memory_space<hbm>> -> memref<100000x128xf32, #tpu.memory_space<hbm>>
        tpu.enqueue_indirect_dma source(%dma_start3A_2117 : memref<100000x128xf32, #tpu.memory_space<hbm>>) target(%arg8 : memref<104x128xf32, #tpu.memory_space<vmem>>) offsets(%dma_start3A_2114 : memref<104xi32, #tpu.memory_space<vmem>>) semaphore(%arg16 : memref<!tpu.dma_semaphore, #tpu.memory_space<semaphore_mem>>)
      } else {
      }
      %mul3A_577 = arith.constant 4 : i32
      %mul3A_578 = arith.muli %mul3A_577, %scan3A_74 : i32
      %add3A_579 = arith.constant 1 : i32
      %add3A_580 = arith.addi %mul3A_578, %add3A_579 : i32
      %dma_wait3A_581 = arith.constant 0 : i32
      %dma_wait3A_582 = tpu.memref_slice %arg7[%add3A_580, %dma_wait3A_581] : memref<128x104xi32, #tpu.memory_space<vmem>> -> memref<1x104xi32, #tpu.memory_space<vmem>>
      %dma_wait3A_583 = tpu.memref_squeeze %dma_wait3A_582 : memref<1x104xi32, #tpu.memory_space<vmem>> -> memref<104xi32, #tpu.memory_space<vmem>>
      %dma_wait3A_584 = arith.constant 0 : i32
      %dma_wait3A_585 = arith.constant 0 : i32
      %dma_wait3A_586 = tpu.memref_slice %arg3[%dma_wait3A_584, %dma_wait3A_585] : memref<100000x128xf32, #tpu.memory_space<hbm>> -> memref<100000x128xf32, #tpu.memory_space<hbm>>
      tpu.wait_indirect_dma semaphore(%arg17 : memref<!tpu.dma_semaphore, #tpu.memory_space<semaphore_mem>>) src(%dma_wait3A_586 : memref<100000x128xf32, #tpu.memory_space<hbm>>) dst(%arg9 : memref<104x128xf32, #tpu.memory_space<vmem>>)
      %get3A_587 = arith.index_cast %add3A_580 : i32 to index
      %get3A_588 = arith.constant 0 : index
      %get3A_589 = tpu.vector_load %arg7[%get3A_587, %get3A_588] {strides = array<i32>} : memref<128x104xi32, #tpu.memory_space<vmem>>, vector<1x16xi32>,
      %get3A_590 = vector.shape_cast %get3A_589 : vector<1x16xi32> to vector<16xi32>
      %min3A_591 = arith.constant 1 : i32
      %min3A_592 = vector.broadcast %min3A_591 : i32 to vector<16xi32>
      %min3A_593 = arith.minsi %get3A_590, %min3A_592 : vector<16xi32>
      %get3A_594 = arith.index_cast %add3A_580 : i32 to index
      %get3A_595 = arith.constant 16 : index
      %get3A_596 = tpu.vector_load %arg7[%get3A_594, %get3A_595] {strides = array<i32>} : memref<128x104xi32, #tpu.memory_space<vmem>>, vector<1x16xi32>,
      %get3A_597 = vector.shape_cast %get3A_596 : vector<1x16xi32> to vector<16xi32>
      %min3A_598 = arith.constant 1 : i32
      %min3A_599 = vector.broadcast %min3A_598 : i32 to vector<16xi32>
      %min3A_600 = arith.minsi %get3A_597, %min3A_599 : vector<16xi32>
      %get3A_601 = arith.index_cast %add3A_580 : i32 to index
      %get3A_602 = arith.constant 32 : index
      %get3A_603 = tpu.vector_load %arg7[%get3A_601, %get3A_602] {strides = array<i32>} : memref<128x104xi32, #tpu.memory_space<vmem>>, vector<1x16xi32>,
      %get3A_604 = vector.shape_cast %get3A_603 : vector<1x16xi32> to vector<16xi32>
      %min3A_605 = arith.constant 1 : i32
      %min3A_606 = vector.broadcast %min3A_605 : i32 to vector<16xi32>
      %min3A_607 = arith.minsi %get3A_604, %min3A_606 : vector<16xi32>
      %get3A_608 = arith.index_cast %add3A_580 : i32 to index
      %get3A_609 = arith.constant 48 : index
      %get3A_610 = tpu.vector_load %arg7[%get3A_608, %get3A_609] {strides = array<i32>} : memref<128x104xi32, #tpu.memory_space<vmem>>, vector<1x16xi32>,
      %get3A_611 = vector.shape_cast %get3A_610 : vector<1x16xi32> to vector<16xi32>
      %min3A_612 = arith.constant 1 : i32
      %min3A_613 = vector.broadcast %min3A_612 : i32 to vector<16xi32>
      %min3A_614 = arith.minsi %get3A_611, %min3A_613 : vector<16xi32>
      %get3A_615 = arith.index_cast %add3A_580 : i32 to index
      %get3A_616 = arith.constant 64 : index
      %get3A_617 = tpu.vector_load %arg7[%get3A_615, %get3A_616] {strides = array<i32>} : memref<128x104xi32, #tpu.memory_space<vmem>>, vector<1x16xi32>,
      %get3A_618 = vector.shape_cast %get3A_617 : vector<1x16xi32> to vector<16xi32>
      %min3A_619 = arith.constant 1 : i32
      %min3A_620 = vector.broadcast %min3A_619 : i32 to vector<16xi32>
      %min3A_621 = arith.minsi %get3A_618, %min3A_620 : vector<16xi32>
      %get3A_622 = arith.index_cast %add3A_580 : i32 to index
      %get3A_623 = arith.constant 80 : index
      %get3A_624 = tpu.vector_load %arg7[%get3A_622, %get3A_623] {strides = array<i32>} : memref<128x104xi32, #tpu.memory_space<vmem>>, vector<1x16xi32>,
      %get3A_625 = vector.shape_cast %get3A_624 : vector<1x16xi32> to vector<16xi32>
      %min3A_626 = arith.constant 1 : i32
      %min3A_627 = vector.broadcast %min3A_626 : i32 to vector<16xi32>
      %min3A_628 = arith.minsi %get3A_625, %min3A_627 : vector<16xi32>
      %get3A_629 = arith.index_cast %add3A_580 : i32 to index
      %get3A_630 = arith.constant 88 : index
      %get3A_631 = tpu.vector_load %arg7[%get3A_629, %get3A_630] {strides = array<i32>} : memref<128x104xi32, #tpu.memory_space<vmem>>, vector<1x16xi32>,
      %get3A_632 = vector.shape_cast %get3A_631 : vector<1x16xi32> to vector<16xi32>
      %min3A_633 = arith.constant 1 : i32
      %min3A_634 = vector.broadcast %min3A_633 : i32 to vector<16xi32>
      %min3A_635 = arith.minsi %get3A_632, %min3A_634 : vector<16xi32>
      %mul3A_636 = arith.muli %min3A_635, %min3A_40 : vector<16xi32>
      %mul3A_637 = arith.muli %min3A_614, %min3A_31 : vector<16xi32>
      %add3A_638 = arith.addi %min3A_593, %min3A_600 : vector<16xi32>
      %add3A_639 = arith.addi %add3A_638, %min3A_607 : vector<16xi32>
      %add3A_640 = arith.addi %add3A_639, %mul3A_637 : vector<16xi32>
      %iota3A_641 = tpu.iota {dimensions = array<i32: 0>} : vector<16xi32>
      %xor3A_642 = arith.constant 8 : i32
      %xor3A_643 = vector.broadcast %xor3A_642 : i32 to vector<16xi32>
      %xor3A_644 = arith.xori %iota3A_641, %xor3A_643 : vector<16xi32>
      %lt3A_645 = arith.constant 0 : i32
      %lt3A_646 = vector.broadcast %lt3A_645 : i32 to vector<16xi32>
      %lt3A_647 = arith.cmpi slt, %xor3A_644, %lt3A_646 : vector<16xi32>
      %add3A_648 = arith.constant 16 : i32
      %add3A_649 = vector.broadcast %add3A_648 : i32 to vector<16xi32>
      %add3A_650 = arith.addi %xor3A_644, %add3A_649 : vector<16xi32>
      %select_n3A_651 = arith.select %lt3A_647, %add3A_650, %xor3A_644 : vector<16xi1>, vector<16xi32>
      %broadcast_in_dim3A_652 = vector.shape_cast %select_n3A_651 : vector<16xi32> to vector<16x1xi32>
      %gather3A_653 = vector.shape_cast %broadcast_in_dim3A_652 : vector<16x1xi32> to vector<16xi32>
      %gather3A_654 = tpu.dynamic_gather %add3A_640[%gather3A_653] in [0] : vector<16xi32>, vector<16xi32> -> vector<16xi32>
      %add3A_655 = arith.addi %add3A_640, %gather3A_654 : vector<16xi32>
      %iota3A_656 = tpu.iota {dimensions = array<i32: 0>} : vector<16xi32>
      %xor3A_657 = arith.constant 4 : i32
      %xor3A_658 = vector.broadcast %xor3A_657 : i32 to vector<16xi32>
      %xor3A_659 = arith.xori %iota3A_656, %xor3A_658 : vector<16xi32>
      %lt3A_660 = arith.constant 0 : i32
      %lt3A_661 = vector.broadcast %lt3A_660 : i32 to vector<16xi32>
      %lt3A_662 = arith.cmpi slt, %xor3A_659, %lt3A_661 : vector<16xi32>
      %add3A_663 = arith.constant 16 : i32
      %add3A_664 = vector.broadcast %add3A_663 : i32 to vector<16xi32>
      %add3A_665 = arith.addi %xor3A_659, %add3A_664 : vector<16xi32>
      %select_n3A_666 = arith.select %lt3A_662, %add3A_665, %xor3A_659 : vector<16xi1>, vector<16xi32>
      %broadcast_in_dim3A_667 = vector.shape_cast %select_n3A_666 : vector<16xi32> to vector<16x1xi32>
      %gather3A_668 = vector.shape_cast %broadcast_in_dim3A_667 : vector<16x1xi32> to vector<16xi32>
      %gather3A_669 = tpu.dynamic_gather %add3A_655[%gather3A_668] in [0] : vector<16xi32>, vector<16xi32> -> vector<16xi32>
      %add3A_670 = arith.addi %add3A_655, %gather3A_669 : vector<16xi32>
      %iota3A_671 = tpu.iota {dimensions = array<i32: 0>} : vector<16xi32>
      %xor3A_672 = arith.constant 2 : i32
      %xor3A_673 = vector.broadcast %xor3A_672 : i32 to vector<16xi32>
      %xor3A_674 = arith.xori %iota3A_671, %xor3A_673 : vector<16xi32>
      %lt3A_675 = arith.constant 0 : i32
      %lt3A_676 = vector.broadcast %lt3A_675 : i32 to vector<16xi32>
      %lt3A_677 = arith.cmpi slt, %xor3A_674, %lt3A_676 : vector<16xi32>
      %add3A_678 = arith.constant 16 : i32
      %add3A_679 = vector.broadcast %add3A_678 : i32 to vector<16xi32>
      %add3A_680 = arith.addi %xor3A_674, %add3A_679 : vector<16xi32>
      %select_n3A_681 = arith.select %lt3A_677, %add3A_680, %xor3A_674 : vector<16xi1>, vector<16xi32>
      %broadcast_in_dim3A_682 = vector.shape_cast %select_n3A_681 : vector<16xi32> to vector<16x1xi32>
      %gather3A_683 = vector.shape_cast %broadcast_in_dim3A_682 : vector<16x1xi32> to vector<16xi32>
      %gather3A_684 = tpu.dynamic_gather %add3A_670[%gather3A_683] in [0] : vector<16xi32>, vector<16xi32> -> vector<16xi32>
      %add3A_685 = arith.addi %add3A_670, %gather3A_684 : vector<16xi32>
      %iota3A_686 = tpu.iota {dimensions = array<i32: 0>} : vector<16xi32>
      %xor3A_687 = arith.constant 1 : i32
      %xor3A_688 = vector.broadcast %xor3A_687 : i32 to vector<16xi32>
      %xor3A_689 = arith.xori %iota3A_686, %xor3A_688 : vector<16xi32>
      %lt3A_690 = arith.constant 0 : i32
      %lt3A_691 = vector.broadcast %lt3A_690 : i32 to vector<16xi32>
      %lt3A_692 = arith.cmpi slt, %xor3A_689, %lt3A_691 : vector<16xi32>
      %add3A_693 = arith.constant 16 : i32
      %add3A_694 = vector.broadcast %add3A_693 : i32 to vector<16xi32>
      %add3A_695 = arith.addi %xor3A_689, %add3A_694 : vector<16xi32>
      %select_n3A_696 = arith.select %lt3A_692, %add3A_695, %xor3A_689 : vector<16xi1>, vector<16xi32>
      %broadcast_in_dim3A_697 = vector.shape_cast %select_n3A_696 : vector<16xi32> to vector<16x1xi32>
      %gather3A_698 = vector.shape_cast %broadcast_in_dim3A_697 : vector<16x1xi32> to vector<16xi32>
      %gather3A_699 = tpu.dynamic_gather %add3A_685[%gather3A_698] in [0] : vector<16xi32>, vector<16xi32> -> vector<16xi32>
      %add3A_700 = arith.addi %add3A_685, %gather3A_699 : vector<16xi32>
      %sub3A_701 = arith.subi %min3A_614, %mul3A_637 : vector<16xi32>
      %add3A_702 = arith.addi %sub3A_701, %min3A_621 : vector<16xi32>
      %add3A_703 = arith.addi %add3A_702, %min3A_628 : vector<16xi32>
      %add3A_704 = arith.addi %add3A_703, %mul3A_636 : vector<16xi32>
      %iota3A_705 = tpu.iota {dimensions = array<i32: 0>} : vector<16xi32>
      %xor3A_706 = arith.constant 8 : i32
      %xor3A_707 = vector.broadcast %xor3A_706 : i32 to vector<16xi32>
      %xor3A_708 = arith.xori %iota3A_705, %xor3A_707 : vector<16xi32>
      %lt3A_709 = arith.constant 0 : i32
      %lt3A_710 = vector.broadcast %lt3A_709 : i32 to vector<16xi32>
      %lt3A_711 = arith.cmpi slt, %xor3A_708, %lt3A_710 : vector<16xi32>
      %add3A_712 = arith.constant 16 : i32
      %add3A_713 = vector.broadcast %add3A_712 : i32 to vector<16xi32>
      %add3A_714 = arith.addi %xor3A_708, %add3A_713 : vector<16xi32>
      %select_n3A_715 = arith.select %lt3A_711, %add3A_714, %xor3A_708 : vector<16xi1>, vector<16xi32>
      %broadcast_in_dim3A_716 = vector.shape_cast %select_n3A_715 : vector<16xi32> to vector<16x1xi32>
      %gather3A_717 = vector.shape_cast %broadcast_in_dim3A_716 : vector<16x1xi32> to vector<16xi32>
      %gather3A_718 = tpu.dynamic_gather %add3A_704[%gather3A_717] in [0] : vector<16xi32>, vector<16xi32> -> vector<16xi32>
      %add3A_719 = arith.addi %add3A_704, %gather3A_718 : vector<16xi32>
      %iota3A_720 = tpu.iota {dimensions = array<i32: 0>} : vector<16xi32>
      %xor3A_721 = arith.constant 4 : i32
      %xor3A_722 = vector.broadcast %xor3A_721 : i32 to vector<16xi32>
      %xor3A_723 = arith.xori %iota3A_720, %xor3A_722 : vector<16xi32>
      %lt3A_724 = arith.constant 0 : i32
      %lt3A_725 = vector.broadcast %lt3A_724 : i32 to vector<16xi32>
      %lt3A_726 = arith.cmpi slt, %xor3A_723, %lt3A_725 : vector<16xi32>
      %add3A_727 = arith.constant 16 : i32
      %add3A_728 = vector.broadcast %add3A_727 : i32 to vector<16xi32>
      %add3A_729 = arith.addi %xor3A_723, %add3A_728 : vector<16xi32>
      %select_n3A_730 = arith.select %lt3A_726, %add3A_729, %xor3A_723 : vector<16xi1>, vector<16xi32>
      %broadcast_in_dim3A_731 = vector.shape_cast %select_n3A_730 : vector<16xi32> to vector<16x1xi32>
      %gather3A_732 = vector.shape_cast %broadcast_in_dim3A_731 : vector<16x1xi32> to vector<16xi32>
      %gather3A_733 = tpu.dynamic_gather %add3A_719[%gather3A_732] in [0] : vector<16xi32>, vector<16xi32> -> vector<16xi32>
      %add3A_734 = arith.addi %add3A_719, %gather3A_733 : vector<16xi32>
      %iota3A_735 = tpu.iota {dimensions = array<i32: 0>} : vector<16xi32>
      %xor3A_736 = arith.constant 2 : i32
      %xor3A_737 = vector.broadcast %xor3A_736 : i32 to vector<16xi32>
      %xor3A_738 = arith.xori %iota3A_735, %xor3A_737 : vector<16xi32>
      %lt3A_739 = arith.constant 0 : i32
      %lt3A_740 = vector.broadcast %lt3A_739 : i32 to vector<16xi32>
      %lt3A_741 = arith.cmpi slt, %xor3A_738, %lt3A_740 : vector<16xi32>
      %add3A_742 = arith.constant 16 : i32
      %add3A_743 = vector.broadcast %add3A_742 : i32 to vector<16xi32>
      %add3A_744 = arith.addi %xor3A_738, %add3A_743 : vector<16xi32>
      %select_n3A_745 = arith.select %lt3A_741, %add3A_744, %xor3A_738 : vector<16xi1>, vector<16xi32>
      %broadcast_in_dim3A_746 = vector.shape_cast %select_n3A_745 : vector<16xi32> to vector<16x1xi32>
      %gather3A_747 = vector.shape_cast %broadcast_in_dim3A_746 : vector<16x1xi32> to vector<16xi32>
      %gather3A_748 = tpu.dynamic_gather %add3A_734[%gather3A_747] in [0] : vector<16xi32>, vector<16xi32> -> vector<16xi32>
      %add3A_749 = arith.addi %add3A_734, %gather3A_748 : vector<16xi32>
      %iota3A_750 = tpu.iota {dimensions = array<i32: 0>} : vector<16xi32>
      %xor3A_751 = arith.constant 1 : i32
      %xor3A_752 = vector.broadcast %xor3A_751 : i32 to vector<16xi32>
      %xor3A_753 = arith.xori %iota3A_750, %xor3A_752 : vector<16xi32>
      %lt3A_754 = arith.constant 0 : i32
      %lt3A_755 = vector.broadcast %lt3A_754 : i32 to vector<16xi32>
      %lt3A_756 = arith.cmpi slt, %xor3A_753, %lt3A_755 : vector<16xi32>
      %add3A_757 = arith.constant 16 : i32
      %add3A_758 = vector.broadcast %add3A_757 : i32 to vector<16xi32>
      %add3A_759 = arith.addi %xor3A_753, %add3A_758 : vector<16xi32>
      %select_n3A_760 = arith.select %lt3A_756, %add3A_759, %xor3A_753 : vector<16xi1>, vector<16xi32>
      %broadcast_in_dim3A_761 = vector.shape_cast %select_n3A_760 : vector<16xi32> to vector<16x1xi32>
      %gather3A_762 = vector.shape_cast %broadcast_in_dim3A_761 : vector<16x1xi32> to vector<16xi32>
      %gather3A_763 = tpu.dynamic_gather %add3A_749[%gather3A_762] in [0] : vector<16xi32>, vector<16xi32> -> vector<16xi32>
      %add3A_764 = arith.addi %add3A_749, %gather3A_763 : vector<16xi32>
      %sub3A_765 = arith.constant 52 : i32
      %sub3A_766 = vector.broadcast %sub3A_765 : i32 to vector<16xi32>
      %sub3A_767 = arith.subi %sub3A_766, %add3A_700 : vector<16xi32>
      %sub3A_768 = arith.constant 52 : i32
      %sub3A_769 = vector.broadcast %sub3A_768 : i32 to vector<16xi32>
      %sub3A_770 = arith.subi %sub3A_769, %add3A_764 : vector<16xi32>
      %scan3A_771 = arith.constant 0 : i32
      %scan3A_772 = arith.constant 52 : i32
      %scan3A_773 = arith.addi %scan3A_771, %scan3A_772 : i32
      %scan3A_774 = arith.constant 1 : i32
      %scan3A_775:16 = scf.for %scan3A_2110 = %scan3A_771 to %scan3A_773 step %scan3A_774 iter_args(%scan3A_2111 = %broadcast_in_dim3A_41, %scan3A_2112 = %broadcast_in_dim3A_41, %scan3A_2113 = %broadcast_in_dim3A_41, %scan3A_2114 = %broadcast_in_dim3A_41, %scan3A_2115 = %broadcast_in_dim3A_41, %scan3A_2116 = %broadcast_in_dim3A_41, %scan3A_2117 = %broadcast_in_dim3A_41, %scan3A_2118 = %broadcast_in_dim3A_41, %scan3A_2119 = %broadcast_in_dim3A_41, %scan3A_2120 = %broadcast_in_dim3A_41, %scan3A_2121 = %broadcast_in_dim3A_41, %scan3A_2122 = %broadcast_in_dim3A_41, %scan3A_2123 = %broadcast_in_dim3A_41, %scan3A_2124 = %broadcast_in_dim3A_41, %scan3A_2125 = %broadcast_in_dim3A_41, %scan3A_2126 = %broadcast_in_dim3A_41) -> (vector<16xf32>, vector<16xf32>, vector<16xf32>, vector<16xf32>, vector<16xf32>, vector<16xf32>, vector<16xf32>, vector<16xf32>, vector<16xf32>, vector<16xf32>, vector<16xf32>, vector<16xf32>, vector<16xf32>, vector<16xf32>, vector<16xf32>, vector<16xf32>)  : i32 {
        %get3A_2127 = arith.index_cast %scan3A_2110 : i32 to index
        %get3A_2128 = arith.constant 0 : index
        %get3A_2129 = tpu.vector_load %arg9[%get3A_2127, %get3A_2128] {strides = array<i32>} : memref<104x128xf32, #tpu.memory_space<vmem>>, vector<1x16xf32>,
        %get3A_2130 = vector.shape_cast %get3A_2129 : vector<1x16xf32> to vector<16xf32>
        %add3A_2131 = arith.addf %scan3A_2111, %get3A_2130 : vector<16xf32>
        %get3A_2132 = arith.index_cast %scan3A_2110 : i32 to index
        %get3A_2133 = arith.constant 16 : index
        %get3A_2134 = tpu.vector_load %arg9[%get3A_2132, %get3A_2133] {strides = array<i32>} : memref<104x128xf32, #tpu.memory_space<vmem>>, vector<1x16xf32>,
        %get3A_2135 = vector.shape_cast %get3A_2134 : vector<1x16xf32> to vector<16xf32>
        %add3A_2136 = arith.addf %scan3A_2112, %get3A_2135 : vector<16xf32>
        %get3A_2137 = arith.index_cast %scan3A_2110 : i32 to index
        %get3A_2138 = arith.constant 32 : index
        %get3A_2139 = tpu.vector_load %arg9[%get3A_2137, %get3A_2138] {strides = array<i32>} : memref<104x128xf32, #tpu.memory_space<vmem>>, vector<1x16xf32>,
        %get3A_2140 = vector.shape_cast %get3A_2139 : vector<1x16xf32> to vector<16xf32>
        %add3A_2141 = arith.addf %scan3A_2113, %get3A_2140 : vector<16xf32>
        %get3A_2142 = arith.index_cast %scan3A_2110 : i32 to index
        %get3A_2143 = arith.constant 48 : index
        %get3A_2144 = tpu.vector_load %arg9[%get3A_2142, %get3A_2143] {strides = array<i32>} : memref<104x128xf32, #tpu.memory_space<vmem>>, vector<1x16xf32>,
        %get3A_2145 = vector.shape_cast %get3A_2144 : vector<1x16xf32> to vector<16xf32>
        %add3A_2146 = arith.addf %scan3A_2114, %get3A_2145 : vector<16xf32>
        %get3A_2147 = arith.index_cast %scan3A_2110 : i32 to index
        %get3A_2148 = arith.constant 64 : index
        %get3A_2149 = tpu.vector_load %arg9[%get3A_2147, %get3A_2148] {strides = array<i32>} : memref<104x128xf32, #tpu.memory_space<vmem>>, vector<1x16xf32>,
        %get3A_2150 = vector.shape_cast %get3A_2149 : vector<1x16xf32> to vector<16xf32>
        %add3A_2151 = arith.addf %scan3A_2115, %get3A_2150 : vector<16xf32>
        %get3A_2152 = arith.index_cast %scan3A_2110 : i32 to index
        %get3A_2153 = arith.constant 80 : index
        %get3A_2154 = tpu.vector_load %arg9[%get3A_2152, %get3A_2153] {strides = array<i32>} : memref<104x128xf32, #tpu.memory_space<vmem>>, vector<1x16xf32>,
        %get3A_2155 = vector.shape_cast %get3A_2154 : vector<1x16xf32> to vector<16xf32>
        %add3A_2156 = arith.addf %scan3A_2116, %get3A_2155 : vector<16xf32>
        %get3A_2157 = arith.index_cast %scan3A_2110 : i32 to index
        %get3A_2158 = arith.constant 96 : index
        %get3A_2159 = tpu.vector_load %arg9[%get3A_2157, %get3A_2158] {strides = array<i32>} : memref<104x128xf32, #tpu.memory_space<vmem>>, vector<1x16xf32>,
        %get3A_2160 = vector.shape_cast %get3A_2159 : vector<1x16xf32> to vector<16xf32>
        %add3A_2161 = arith.addf %scan3A_2117, %get3A_2160 : vector<16xf32>
        %get3A_2162 = arith.index_cast %scan3A_2110 : i32 to index
        %get3A_2163 = arith.constant 112 : index
        %get3A_2164 = tpu.vector_load %arg9[%get3A_2162, %get3A_2163] {strides = array<i32>} : memref<104x128xf32, #tpu.memory_space<vmem>>, vector<1x16xf32>,
        %get3A_2165 = vector.shape_cast %get3A_2164 : vector<1x16xf32> to vector<16xf32>
        %add3A_2166 = arith.addf %scan3A_2118, %get3A_2165 : vector<16xf32>
        %add3A_2167 = arith.constant 52 : i32
        %add3A_2168 = arith.addi %add3A_2167, %scan3A_2110 : i32
        %get3A_2169 = arith.index_cast %add3A_2168 : i32 to index
        %get3A_2170 = arith.constant 0 : index
        %get3A_2171 = tpu.vector_load %arg9[%get3A_2169, %get3A_2170] {strides = array<i32>} : memref<104x128xf32, #tpu.memory_space<vmem>>, vector<1x16xf32>,
        %get3A_2172 = vector.shape_cast %get3A_2171 : vector<1x16xf32> to vector<16xf32>
        %add3A_2173 = arith.addf %scan3A_2119, %get3A_2172 : vector<16xf32>
        %add3A_2174 = arith.constant 52 : i32
        %add3A_2175 = arith.addi %add3A_2174, %scan3A_2110 : i32
        %get3A_2176 = arith.index_cast %add3A_2175 : i32 to index
        %get3A_2177 = arith.constant 16 : index
        %get3A_2178 = tpu.vector_load %arg9[%get3A_2176, %get3A_2177] {strides = array<i32>} : memref<104x128xf32, #tpu.memory_space<vmem>>, vector<1x16xf32>,
        %get3A_2179 = vector.shape_cast %get3A_2178 : vector<1x16xf32> to vector<16xf32>
        %add3A_2180 = arith.addf %scan3A_2120, %get3A_2179 : vector<16xf32>
        %add3A_2181 = arith.constant 52 : i32
        %add3A_2182 = arith.addi %add3A_2181, %scan3A_2110 : i32
        %get3A_2183 = arith.index_cast %add3A_2182 : i32 to index
        %get3A_2184 = arith.constant 32 : index
        %get3A_2185 = tpu.vector_load %arg9[%get3A_2183, %get3A_2184] {strides = array<i32>} : memref<104x128xf32, #tpu.memory_space<vmem>>, vector<1x16xf32>,
        %get3A_2186 = vector.shape_cast %get3A_2185 : vector<1x16xf32> to vector<16xf32>
        %add3A_2187 = arith.addf %scan3A_2121, %get3A_2186 : vector<16xf32>
        %add3A_2188 = arith.constant 52 : i32
        %add3A_2189 = arith.addi %add3A_2188, %scan3A_2110 : i32
        %get3A_2190 = arith.index_cast %add3A_2189 : i32 to index
        %get3A_2191 = arith.constant 48 : index
        %get3A_2192 = tpu.vector_load %arg9[%get3A_2190, %get3A_2191] {strides = array<i32>} : memref<104x128xf32, #tpu.memory_space<vmem>>, vector<1x16xf32>,
        %get3A_2193 = vector.shape_cast %get3A_2192 : vector<1x16xf32> to vector<16xf32>
        %add3A_2194 = arith.addf %scan3A_2122, %get3A_2193 : vector<16xf32>
        %add3A_2195 = arith.constant 52 : i32
        %add3A_2196 = arith.addi %add3A_2195, %scan3A_2110 : i32
        %get3A_2197 = arith.index_cast %add3A_2196 : i32 to index
        %get3A_2198 = arith.constant 64 : index
        %get3A_2199 = tpu.vector_load %arg9[%get3A_2197, %get3A_2198] {strides = array<i32>} : memref<104x128xf32, #tpu.memory_space<vmem>>, vector<1x16xf32>,
        %get3A_2200 = vector.shape_cast %get3A_2199 : vector<1x16xf32> to vector<16xf32>
        %add3A_2201 = arith.addf %scan3A_2123, %get3A_2200 : vector<16xf32>
        %add3A_2202 = arith.constant 52 : i32
        %add3A_2203 = arith.addi %add3A_2202, %scan3A_2110 : i32
        %get3A_2204 = arith.index_cast %add3A_2203 : i32 to index
        %get3A_2205 = arith.constant 80 : index
        %get3A_2206 = tpu.vector_load %arg9[%get3A_2204, %get3A_2205] {strides = array<i32>} : memref<104x128xf32, #tpu.memory_space<vmem>>, vector<1x16xf32>,
        %get3A_2207 = vector.shape_cast %get3A_2206 : vector<1x16xf32> to vector<16xf32>
        %add3A_2208 = arith.addf %scan3A_2124, %get3A_2207 : vector<16xf32>
        %add3A_2209 = arith.constant 52 : i32
        %add3A_2210 = arith.addi %add3A_2209, %scan3A_2110 : i32
        %get3A_2211 = arith.index_cast %add3A_2210 : i32 to index
        %get3A_2212 = arith.constant 96 : index
        %get3A_2213 = tpu.vector_load %arg9[%get3A_2211, %get3A_2212] {strides = array<i32>} : memref<104x128xf32, #tpu.memory_space<vmem>>, vector<1x16xf32>,
        %get3A_2214 = vector.shape_cast %get3A_2213 : vector<1x16xf32> to vector<16xf32>
        %add3A_2215 = arith.addf %scan3A_2125, %get3A_2214 : vector<16xf32>
        %add3A_2216 = arith.constant 52 : i32
        %add3A_2217 = arith.addi %add3A_2216, %scan3A_2110 : i32
        %get3A_2218 = arith.index_cast %add3A_2217 : i32 to index
        %get3A_2219 = arith.constant 112 : index
        %get3A_2220 = tpu.vector_load %arg9[%get3A_2218, %get3A_2219] {strides = array<i32>} : memref<104x128xf32, #tpu.memory_space<vmem>>, vector<1x16xf32>,
        %get3A_2221 = vector.shape_cast %get3A_2220 : vector<1x16xf32> to vector<16xf32>
        %add3A_2222 = arith.addf %scan3A_2126, %get3A_2221 : vector<16xf32>
        scf.yield %add3A_2131, %add3A_2136, %add3A_2141, %add3A_2146, %add3A_2151, %add3A_2156, %add3A_2161, %add3A_2166, %add3A_2173, %add3A_2180, %add3A_2187, %add3A_2194, %add3A_2201, %add3A_2208, %add3A_2215, %add3A_2222 : vector<16xf32>, vector<16xf32>, vector<16xf32>, vector<16xf32>, vector<16xf32>, vector<16xf32>, vector<16xf32>, vector<16xf32>, vector<16xf32>, vector<16xf32>, vector<16xf32>, vector<16xf32>, vector<16xf32>, vector<16xf32>, vector<16xf32>, vector<16xf32>
      }
      %scan3A_776 = arith.constant 52 : i32
      %convert_element_type3A_777 = arith.sitofp %sub3A_767 : vector<16xi32> to vector<16xf32>
      %convert_element_type3A_778 = arith.sitofp %sub3A_770 : vector<16xi32> to vector<16xf32>
      %convert_element_type3A_779 = arith.sitofp %add3A_700 : vector<16xi32> to vector<16xf32>
      %max3A_780 = arith.constant 1.000000e+00 : f32
      %max3A_781 = vector.broadcast %max3A_780 : f32 to vector<16xf32>
      %max3A_782 = arith.maximumf %convert_element_type3A_779, %max3A_781 : vector<16xf32>
      %convert_element_type3A_783 = arith.sitofp %add3A_764 : vector<16xi32> to vector<16xf32>
      %max3A_784 = arith.constant 1.000000e+00 : f32
      %max3A_785 = vector.broadcast %max3A_784 : f32 to vector<16xf32>
      %max3A_786 = arith.maximumf %convert_element_type3A_783, %max3A_785 : vector<16xf32>
      %mul3A_787 = arith.mulf %convert_element_type3A_777, %get3A_4 : vector<16xf32>
      %sub3A_788 = arith.subf %scan3A_775#0, %mul3A_787 : vector<16xf32>
      %div3A_789 = arith.divf %sub3A_788, %max3A_782 : vector<16xf32>
      %mul3A_790 = arith.mulf %convert_element_type3A_778, %get3A_4 : vector<16xf32>
      %sub3A_791 = arith.subf %scan3A_775#8, %mul3A_790 : vector<16xf32>
      %div3A_792 = arith.divf %sub3A_791, %max3A_786 : vector<16xf32>
      %sub3A_793 = arith.subf %div3A_792, %div3A_789 : vector<16xf32>
      %get3A_794 = arith.constant 52 : i32
      %get3A_795 = arith.index_cast %get3A_794 : i32 to index
      %get3A_796 = arith.constant 0 : index
      %get3A_797 = tpu.vector_load %arg9[%get3A_795, %get3A_796] {strides = array<i32>} : memref<104x128xf32, #tpu.memory_space<vmem>>, vector<1x16xf32>,
      %get3A_798 = vector.shape_cast %get3A_797 : vector<1x16xf32> to vector<16xf32>
      %get3A_799 = arith.constant 0 : i32
      %get3A_800 = arith.index_cast %get3A_799 : i32 to index
      %get3A_801 = arith.constant 0 : index
      %get3A_802 = tpu.vector_load %arg9[%get3A_800, %get3A_801] {strides = array<i32>} : memref<104x128xf32, #tpu.memory_space<vmem>>, vector<1x16xf32>,
      %get3A_803 = vector.shape_cast %get3A_802 : vector<1x16xf32> to vector<16xf32>
      %sub3A_804 = arith.subf %get3A_798, %get3A_803 : vector<16xf32>
      %mul3A_805 = arith.constant 1.000000e-01 : f32
      %mul3A_806 = vector.broadcast %mul3A_805 : f32 to vector<16xf32>
      %mul3A_807 = arith.mulf %mul3A_806, %sub3A_804 : vector<16xf32>
      %add3A_808 = arith.addf %sub3A_793, %mul3A_807 : vector<16xf32>
      %swap3A_809 = arith.index_cast %add3A_580 : i32 to index
      %swap3A_810 = arith.constant 0 : index
      %swap3A_811 = tpu.vector_load %arg13[%swap3A_809, %swap3A_810] {strides = array<i32>} : memref<128x128xf32, #tpu.memory_space<vmem>>, vector<1x16xf32>,
      %swap3A_812 = vector.shape_cast %swap3A_811 : vector<1x16xf32> to vector<16xf32>
      %swap3A_813 = vector.shape_cast %add3A_808 : vector<16xf32> to vector<1x16xf32>
      tpu.vector_store %arg13[%swap3A_809, %swap3A_810], %swap3A_813 {strides = array<i32>} : memref<128x128xf32, #tpu.memory_space<vmem>>, vector<1x16xf32>,
      %swap3A_814 = arith.index_cast %add3A_580 : i32 to index
      %swap3A_815 = arith.constant 0 : index
      %swap3A_816 = tpu.vector_load %arg14[%swap3A_814, %swap3A_815] {strides = array<i32>} : memref<128x128xf32, #tpu.memory_space<vmem>>, vector<1x16xf32>,
      %swap3A_817 = vector.shape_cast %swap3A_816 : vector<1x16xf32> to vector<16xf32>
      %swap3A_818 = vector.shape_cast %div3A_789 : vector<16xf32> to vector<1x16xf32>
      tpu.vector_store %arg14[%swap3A_814, %swap3A_815], %swap3A_818 {strides = array<i32>} : memref<128x128xf32, #tpu.memory_space<vmem>>, vector<1x16xf32>,
      %swap3A_819 = arith.index_cast %add3A_580 : i32 to index
      %swap3A_820 = arith.constant 0 : index
      %swap3A_821 = tpu.vector_load %arg15[%swap3A_819, %swap3A_820] {strides = array<i32>} : memref<128x128xf32, #tpu.memory_space<vmem>>, vector<1x16xf32>,
      %swap3A_822 = vector.shape_cast %swap3A_821 : vector<1x16xf32> to vector<16xf32>
      %swap3A_823 = vector.shape_cast %div3A_792 : vector<16xf32> to vector<1x16xf32>
      tpu.vector_store %arg15[%swap3A_819, %swap3A_820], %swap3A_823 {strides = array<i32>} : memref<128x128xf32, #tpu.memory_space<vmem>>, vector<1x16xf32>,
      %mul3A_824 = arith.mulf %convert_element_type3A_777, %get3A_7 : vector<16xf32>
      %sub3A_825 = arith.subf %scan3A_775#1, %mul3A_824 : vector<16xf32>
      %div3A_826 = arith.divf %sub3A_825, %max3A_782 : vector<16xf32>
      %mul3A_827 = arith.mulf %convert_element_type3A_778, %get3A_7 : vector<16xf32>
      %sub3A_828 = arith.subf %scan3A_775#9, %mul3A_827 : vector<16xf32>
      %div3A_829 = arith.divf %sub3A_828, %max3A_786 : vector<16xf32>
      %sub3A_830 = arith.subf %div3A_829, %div3A_826 : vector<16xf32>
      %get3A_831 = arith.constant 52 : i32
      %get3A_832 = arith.index_cast %get3A_831 : i32 to index
      %get3A_833 = arith.constant 16 : index
      %get3A_834 = tpu.vector_load %arg9[%get3A_832, %get3A_833] {strides = array<i32>} : memref<104x128xf32, #tpu.memory_space<vmem>>, vector<1x16xf32>,
      %get3A_835 = vector.shape_cast %get3A_834 : vector<1x16xf32> to vector<16xf32>
      %get3A_836 = arith.constant 0 : i32
      %get3A_837 = arith.index_cast %get3A_836 : i32 to index
      %get3A_838 = arith.constant 16 : index
      %get3A_839 = tpu.vector_load %arg9[%get3A_837, %get3A_838] {strides = array<i32>} : memref<104x128xf32, #tpu.memory_space<vmem>>, vector<1x16xf32>,
      %get3A_840 = vector.shape_cast %get3A_839 : vector<1x16xf32> to vector<16xf32>
      %sub3A_841 = arith.subf %get3A_835, %get3A_840 : vector<16xf32>
      %mul3A_842 = arith.constant 1.000000e-01 : f32
      %mul3A_843 = vector.broadcast %mul3A_842 : f32 to vector<16xf32>
      %mul3A_844 = arith.mulf %mul3A_843, %sub3A_841 : vector<16xf32>
      %add3A_845 = arith.addf %sub3A_830, %mul3A_844 : vector<16xf32>
      %swap3A_846 = arith.index_cast %add3A_580 : i32 to index
      %swap3A_847 = arith.constant 16 : index
      %swap3A_848 = tpu.vector_load %arg13[%swap3A_846, %swap3A_847] {strides = array<i32>} : memref<128x128xf32, #tpu.memory_space<vmem>>, vector<1x16xf32>,
      %swap3A_849 = vector.shape_cast %swap3A_848 : vector<1x16xf32> to vector<16xf32>
      %swap3A_850 = vector.shape_cast %add3A_845 : vector<16xf32> to vector<1x16xf32>
      tpu.vector_store %arg13[%swap3A_846, %swap3A_847], %swap3A_850 {strides = array<i32>} : memref<128x128xf32, #tpu.memory_space<vmem>>, vector<1x16xf32>,
      %swap3A_851 = arith.index_cast %add3A_580 : i32 to index
      %swap3A_852 = arith.constant 16 : index
      %swap3A_853 = tpu.vector_load %arg14[%swap3A_851, %swap3A_852] {strides = array<i32>} : memref<128x128xf32, #tpu.memory_space<vmem>>, vector<1x16xf32>,
      %swap3A_854 = vector.shape_cast %swap3A_853 : vector<1x16xf32> to vector<16xf32>
      %swap3A_855 = vector.shape_cast %div3A_826 : vector<16xf32> to vector<1x16xf32>
      tpu.vector_store %arg14[%swap3A_851, %swap3A_852], %swap3A_855 {strides = array<i32>} : memref<128x128xf32, #tpu.memory_space<vmem>>, vector<1x16xf32>,
      %swap3A_856 = arith.index_cast %add3A_580 : i32 to index
      %swap3A_857 = arith.constant 16 : index
      %swap3A_858 = tpu.vector_load %arg15[%swap3A_856, %swap3A_857] {strides = array<i32>} : memref<128x128xf32, #tpu.memory_space<vmem>>, vector<1x16xf32>,
      %swap3A_859 = vector.shape_cast %swap3A_858 : vector<1x16xf32> to vector<16xf32>
      %swap3A_860 = vector.shape_cast %div3A_829 : vector<16xf32> to vector<1x16xf32>
      tpu.vector_store %arg15[%swap3A_856, %swap3A_857], %swap3A_860 {strides = array<i32>} : memref<128x128xf32, #tpu.memory_space<vmem>>, vector<1x16xf32>,
      %mul3A_861 = arith.mulf %convert_element_type3A_777, %get3A_10 : vector<16xf32>
      %sub3A_862 = arith.subf %scan3A_775#2, %mul3A_861 : vector<16xf32>
      %div3A_863 = arith.divf %sub3A_862, %max3A_782 : vector<16xf32>
      %mul3A_864 = arith.mulf %convert_element_type3A_778, %get3A_10 : vector<16xf32>
      %sub3A_865 = arith.subf %scan3A_775#10, %mul3A_864 : vector<16xf32>
      %div3A_866 = arith.divf %sub3A_865, %max3A_786 : vector<16xf32>
      %sub3A_867 = arith.subf %div3A_866, %div3A_863 : vector<16xf32>
      %get3A_868 = arith.constant 52 : i32
      %get3A_869 = arith.index_cast %get3A_868 : i32 to index
      %get3A_870 = arith.constant 32 : index
      %get3A_871 = tpu.vector_load %arg9[%get3A_869, %get3A_870] {strides = array<i32>} : memref<104x128xf32, #tpu.memory_space<vmem>>, vector<1x16xf32>,
      %get3A_872 = vector.shape_cast %get3A_871 : vector<1x16xf32> to vector<16xf32>
      %get3A_873 = arith.constant 0 : i32
      %get3A_874 = arith.index_cast %get3A_873 : i32 to index
      %get3A_875 = arith.constant 32 : index
      %get3A_876 = tpu.vector_load %arg9[%get3A_874, %get3A_875] {strides = array<i32>} : memref<104x128xf32, #tpu.memory_space<vmem>>, vector<1x16xf32>,
      %get3A_877 = vector.shape_cast %get3A_876 : vector<1x16xf32> to vector<16xf32>
      %sub3A_878 = arith.subf %get3A_872, %get3A_877 : vector<16xf32>
      %mul3A_879 = arith.constant 1.000000e-01 : f32
      %mul3A_880 = vector.broadcast %mul3A_879 : f32 to vector<16xf32>
      %mul3A_881 = arith.mulf %mul3A_880, %sub3A_878 : vector<16xf32>
      %add3A_882 = arith.addf %sub3A_867, %mul3A_881 : vector<16xf32>
      %swap3A_883 = arith.index_cast %add3A_580 : i32 to index
      %swap3A_884 = arith.constant 32 : index
      %swap3A_885 = tpu.vector_load %arg13[%swap3A_883, %swap3A_884] {strides = array<i32>} : memref<128x128xf32, #tpu.memory_space<vmem>>, vector<1x16xf32>,
      %swap3A_886 = vector.shape_cast %swap3A_885 : vector<1x16xf32> to vector<16xf32>
      %swap3A_887 = vector.shape_cast %add3A_882 : vector<16xf32> to vector<1x16xf32>
      tpu.vector_store %arg13[%swap3A_883, %swap3A_884], %swap3A_887 {strides = array<i32>} : memref<128x128xf32, #tpu.memory_space<vmem>>, vector<1x16xf32>,
      %swap3A_888 = arith.index_cast %add3A_580 : i32 to index
      %swap3A_889 = arith.constant 32 : index
      %swap3A_890 = tpu.vector_load %arg14[%swap3A_888, %swap3A_889] {strides = array<i32>} : memref<128x128xf32, #tpu.memory_space<vmem>>, vector<1x16xf32>,
      %swap3A_891 = vector.shape_cast %swap3A_890 : vector<1x16xf32> to vector<16xf32>
      %swap3A_892 = vector.shape_cast %div3A_863 : vector<16xf32> to vector<1x16xf32>
      tpu.vector_store %arg14[%swap3A_888, %swap3A_889], %swap3A_892 {strides = array<i32>} : memref<128x128xf32, #tpu.memory_space<vmem>>, vector<1x16xf32>,
      %swap3A_893 = arith.index_cast %add3A_580 : i32 to index
      %swap3A_894 = arith.constant 32 : index
      %swap3A_895 = tpu.vector_load %arg15[%swap3A_893, %swap3A_894] {strides = array<i32>} : memref<128x128xf32, #tpu.memory_space<vmem>>, vector<1x16xf32>,
      %swap3A_896 = vector.shape_cast %swap3A_895 : vector<1x16xf32> to vector<16xf32>
      %swap3A_897 = vector.shape_cast %div3A_866 : vector<16xf32> to vector<1x16xf32>
      tpu.vector_store %arg15[%swap3A_893, %swap3A_894], %swap3A_897 {strides = array<i32>} : memref<128x128xf32, #tpu.memory_space<vmem>>, vector<1x16xf32>,
      %mul3A_898 = arith.mulf %convert_element_type3A_777, %get3A_13 : vector<16xf32>
      %sub3A_899 = arith.subf %scan3A_775#3, %mul3A_898 : vector<16xf32>
      %div3A_900 = arith.divf %sub3A_899, %max3A_782 : vector<16xf32>
      %mul3A_901 = arith.mulf %convert_element_type3A_778, %get3A_13 : vector<16xf32>
      %sub3A_902 = arith.subf %scan3A_775#11, %mul3A_901 : vector<16xf32>
      %div3A_903 = arith.divf %sub3A_902, %max3A_786 : vector<16xf32>
      %sub3A_904 = arith.subf %div3A_903, %div3A_900 : vector<16xf32>
      %get3A_905 = arith.constant 52 : i32
      %get3A_906 = arith.index_cast %get3A_905 : i32 to index
      %get3A_907 = arith.constant 48 : index
      %get3A_908 = tpu.vector_load %arg9[%get3A_906, %get3A_907] {strides = array<i32>} : memref<104x128xf32, #tpu.memory_space<vmem>>, vector<1x16xf32>,
      %get3A_909 = vector.shape_cast %get3A_908 : vector<1x16xf32> to vector<16xf32>
      %get3A_910 = arith.constant 0 : i32
      %get3A_911 = arith.index_cast %get3A_910 : i32 to index
      %get3A_912 = arith.constant 48 : index
      %get3A_913 = tpu.vector_load %arg9[%get3A_911, %get3A_912] {strides = array<i32>} : memref<104x128xf32, #tpu.memory_space<vmem>>, vector<1x16xf32>,
      %get3A_914 = vector.shape_cast %get3A_913 : vector<1x16xf32> to vector<16xf32>
      %sub3A_915 = arith.subf %get3A_909, %get3A_914 : vector<16xf32>
      %mul3A_916 = arith.constant 1.000000e-01 : f32
      %mul3A_917 = vector.broadcast %mul3A_916 : f32 to vector<16xf32>
      %mul3A_918 = arith.mulf %mul3A_917, %sub3A_915 : vector<16xf32>
      %add3A_919 = arith.addf %sub3A_904, %mul3A_918 : vector<16xf32>
      %swap3A_920 = arith.index_cast %add3A_580 : i32 to index
      %swap3A_921 = arith.constant 48 : index
      %swap3A_922 = tpu.vector_load %arg13[%swap3A_920, %swap3A_921] {strides = array<i32>} : memref<128x128xf32, #tpu.memory_space<vmem>>, vector<1x16xf32>,
      %swap3A_923 = vector.shape_cast %swap3A_922 : vector<1x16xf32> to vector<16xf32>
      %swap3A_924 = vector.shape_cast %add3A_919 : vector<16xf32> to vector<1x16xf32>
      tpu.vector_store %arg13[%swap3A_920, %swap3A_921], %swap3A_924 {strides = array<i32>} : memref<128x128xf32, #tpu.memory_space<vmem>>, vector<1x16xf32>,
      %swap3A_925 = arith.index_cast %add3A_580 : i32 to index
      %swap3A_926 = arith.constant 48 : index
      %swap3A_927 = tpu.vector_load %arg14[%swap3A_925, %swap3A_926] {strides = array<i32>} : memref<128x128xf32, #tpu.memory_space<vmem>>, vector<1x16xf32>,
      %swap3A_928 = vector.shape_cast %swap3A_927 : vector<1x16xf32> to vector<16xf32>
      %swap3A_929 = vector.shape_cast %div3A_900 : vector<16xf32> to vector<1x16xf32>
      tpu.vector_store %arg14[%swap3A_925, %swap3A_926], %swap3A_929 {strides = array<i32>} : memref<128x128xf32, #tpu.memory_space<vmem>>, vector<1x16xf32>,
      %swap3A_930 = arith.index_cast %add3A_580 : i32 to index
      %swap3A_931 = arith.constant 48 : index
      %swap3A_932 = tpu.vector_load %arg15[%swap3A_930, %swap3A_931] {strides = array<i32>} : memref<128x128xf32, #tpu.memory_space<vmem>>, vector<1x16xf32>,
      %swap3A_933 = vector.shape_cast %swap3A_932 : vector<1x16xf32> to vector<16xf32>
      %swap3A_934 = vector.shape_cast %div3A_903 : vector<16xf32> to vector<1x16xf32>
      tpu.vector_store %arg15[%swap3A_930, %swap3A_931], %swap3A_934 {strides = array<i32>} : memref<128x128xf32, #tpu.memory_space<vmem>>, vector<1x16xf32>,
      %mul3A_935 = arith.mulf %convert_element_type3A_777, %get3A_16 : vector<16xf32>
      %sub3A_936 = arith.subf %scan3A_775#4, %mul3A_935 : vector<16xf32>
      %div3A_937 = arith.divf %sub3A_936, %max3A_782 : vector<16xf32>
      %mul3A_938 = arith.mulf %convert_element_type3A_778, %get3A_16 : vector<16xf32>
      %sub3A_939 = arith.subf %scan3A_775#12, %mul3A_938 : vector<16xf32>
      %div3A_940 = arith.divf %sub3A_939, %max3A_786 : vector<16xf32>
      %sub3A_941 = arith.subf %div3A_940, %div3A_937 : vector<16xf32>
      %get3A_942 = arith.constant 52 : i32
      %get3A_943 = arith.index_cast %get3A_942 : i32 to index
      %get3A_944 = arith.constant 64 : index
      %get3A_945 = tpu.vector_load %arg9[%get3A_943, %get3A_944] {strides = array<i32>} : memref<104x128xf32, #tpu.memory_space<vmem>>, vector<1x16xf32>,
      %get3A_946 = vector.shape_cast %get3A_945 : vector<1x16xf32> to vector<16xf32>
      %get3A_947 = arith.constant 0 : i32
      %get3A_948 = arith.index_cast %get3A_947 : i32 to index
      %get3A_949 = arith.constant 64 : index
      %get3A_950 = tpu.vector_load %arg9[%get3A_948, %get3A_949] {strides = array<i32>} : memref<104x128xf32, #tpu.memory_space<vmem>>, vector<1x16xf32>,
      %get3A_951 = vector.shape_cast %get3A_950 : vector<1x16xf32> to vector<16xf32>
      %sub3A_952 = arith.subf %get3A_946, %get3A_951 : vector<16xf32>
      %mul3A_953 = arith.constant 1.000000e-01 : f32
      %mul3A_954 = vector.broadcast %mul3A_953 : f32 to vector<16xf32>
      %mul3A_955 = arith.mulf %mul3A_954, %sub3A_952 : vector<16xf32>
      %add3A_956 = arith.addf %sub3A_941, %mul3A_955 : vector<16xf32>
      %swap3A_957 = arith.index_cast %add3A_580 : i32 to index
      %swap3A_958 = arith.constant 64 : index
      %swap3A_959 = tpu.vector_load %arg13[%swap3A_957, %swap3A_958] {strides = array<i32>} : memref<128x128xf32, #tpu.memory_space<vmem>>, vector<1x16xf32>,
      %swap3A_960 = vector.shape_cast %swap3A_959 : vector<1x16xf32> to vector<16xf32>
      %swap3A_961 = vector.shape_cast %add3A_956 : vector<16xf32> to vector<1x16xf32>
      tpu.vector_store %arg13[%swap3A_957, %swap3A_958], %swap3A_961 {strides = array<i32>} : memref<128x128xf32, #tpu.memory_space<vmem>>, vector<1x16xf32>,
      %swap3A_962 = arith.index_cast %add3A_580 : i32 to index
      %swap3A_963 = arith.constant 64 : index
      %swap3A_964 = tpu.vector_load %arg14[%swap3A_962, %swap3A_963] {strides = array<i32>} : memref<128x128xf32, #tpu.memory_space<vmem>>, vector<1x16xf32>,
      %swap3A_965 = vector.shape_cast %swap3A_964 : vector<1x16xf32> to vector<16xf32>
      %swap3A_966 = vector.shape_cast %div3A_937 : vector<16xf32> to vector<1x16xf32>
      tpu.vector_store %arg14[%swap3A_962, %swap3A_963], %swap3A_966 {strides = array<i32>} : memref<128x128xf32, #tpu.memory_space<vmem>>, vector<1x16xf32>,
      %swap3A_967 = arith.index_cast %add3A_580 : i32 to index
      %swap3A_968 = arith.constant 64 : index
      %swap3A_969 = tpu.vector_load %arg15[%swap3A_967, %swap3A_968] {strides = array<i32>} : memref<128x128xf32, #tpu.memory_space<vmem>>, vector<1x16xf32>,
      %swap3A_970 = vector.shape_cast %swap3A_969 : vector<1x16xf32> to vector<16xf32>
      %swap3A_971 = vector.shape_cast %div3A_940 : vector<16xf32> to vector<1x16xf32>
      tpu.vector_store %arg15[%swap3A_967, %swap3A_968], %swap3A_971 {strides = array<i32>} : memref<128x128xf32, #tpu.memory_space<vmem>>, vector<1x16xf32>,
      %mul3A_972 = arith.mulf %convert_element_type3A_777, %get3A_19 : vector<16xf32>
      %sub3A_973 = arith.subf %scan3A_775#5, %mul3A_972 : vector<16xf32>
      %div3A_974 = arith.divf %sub3A_973, %max3A_782 : vector<16xf32>
      %mul3A_975 = arith.mulf %convert_element_type3A_778, %get3A_19 : vector<16xf32>
      %sub3A_976 = arith.subf %scan3A_775#13, %mul3A_975 : vector<16xf32>
      %div3A_977 = arith.divf %sub3A_976, %max3A_786 : vector<16xf32>
      %sub3A_978 = arith.subf %div3A_977, %div3A_974 : vector<16xf32>
      %get3A_979 = arith.constant 52 : i32
      %get3A_980 = arith.index_cast %get3A_979 : i32 to index
      %get3A_981 = arith.constant 80 : index
      %get3A_982 = tpu.vector_load %arg9[%get3A_980, %get3A_981] {strides = array<i32>} : memref<104x128xf32, #tpu.memory_space<vmem>>, vector<1x16xf32>,
      %get3A_983 = vector.shape_cast %get3A_982 : vector<1x16xf32> to vector<16xf32>
      %get3A_984 = arith.constant 0 : i32
      %get3A_985 = arith.index_cast %get3A_984 : i32 to index
      %get3A_986 = arith.constant 80 : index
      %get3A_987 = tpu.vector_load %arg9[%get3A_985, %get3A_986] {strides = array<i32>} : memref<104x128xf32, #tpu.memory_space<vmem>>, vector<1x16xf32>,
      %get3A_988 = vector.shape_cast %get3A_987 : vector<1x16xf32> to vector<16xf32>
      %sub3A_989 = arith.subf %get3A_983, %get3A_988 : vector<16xf32>
      %mul3A_990 = arith.constant 1.000000e-01 : f32
      %mul3A_991 = vector.broadcast %mul3A_990 : f32 to vector<16xf32>
      %mul3A_992 = arith.mulf %mul3A_991, %sub3A_989 : vector<16xf32>
      %add3A_993 = arith.addf %sub3A_978, %mul3A_992 : vector<16xf32>
      %swap3A_994 = arith.index_cast %add3A_580 : i32 to index
      %swap3A_995 = arith.constant 80 : index
      %swap3A_996 = tpu.vector_load %arg13[%swap3A_994, %swap3A_995] {strides = array<i32>} : memref<128x128xf32, #tpu.memory_space<vmem>>, vector<1x16xf32>,
      %swap3A_997 = vector.shape_cast %swap3A_996 : vector<1x16xf32> to vector<16xf32>
      %swap3A_998 = vector.shape_cast %add3A_993 : vector<16xf32> to vector<1x16xf32>
      tpu.vector_store %arg13[%swap3A_994, %swap3A_995], %swap3A_998 {strides = array<i32>} : memref<128x128xf32, #tpu.memory_space<vmem>>, vector<1x16xf32>,
      %swap3A_999 = arith.index_cast %add3A_580 : i32 to index
      %swap3A_1000 = arith.constant 80 : index
      %swap3A_1001 = tpu.vector_load %arg14[%swap3A_999, %swap3A_1000] {strides = array<i32>} : memref<128x128xf32, #tpu.memory_space<vmem>>, vector<1x16xf32>,
      %swap3A_1002 = vector.shape_cast %swap3A_1001 : vector<1x16xf32> to vector<16xf32>
      %swap3A_1003 = vector.shape_cast %div3A_974 : vector<16xf32> to vector<1x16xf32>
      tpu.vector_store %arg14[%swap3A_999, %swap3A_1000], %swap3A_1003 {strides = array<i32>} : memref<128x128xf32, #tpu.memory_space<vmem>>, vector<1x16xf32>,
      %swap3A_1004 = arith.index_cast %add3A_580 : i32 to index
      %swap3A_1005 = arith.constant 80 : index
      %swap3A_1006 = tpu.vector_load %arg15[%swap3A_1004, %swap3A_1005] {strides = array<i32>} : memref<128x128xf32, #tpu.memory_space<vmem>>, vector<1x16xf32>,
      %swap3A_1007 = vector.shape_cast %swap3A_1006 : vector<1x16xf32> to vector<16xf32>
      %swap3A_1008 = vector.shape_cast %div3A_977 : vector<16xf32> to vector<1x16xf32>
      tpu.vector_store %arg15[%swap3A_1004, %swap3A_1005], %swap3A_1008 {strides = array<i32>} : memref<128x128xf32, #tpu.memory_space<vmem>>, vector<1x16xf32>,
      %mul3A_1009 = arith.mulf %convert_element_type3A_777, %get3A_22 : vector<16xf32>
      %sub3A_1010 = arith.subf %scan3A_775#6, %mul3A_1009 : vector<16xf32>
      %div3A_1011 = arith.divf %sub3A_1010, %max3A_782 : vector<16xf32>
      %mul3A_1012 = arith.mulf %convert_element_type3A_778, %get3A_22 : vector<16xf32>
      %sub3A_1013 = arith.subf %scan3A_775#14, %mul3A_1012 : vector<16xf32>
      %div3A_1014 = arith.divf %sub3A_1013, %max3A_786 : vector<16xf32>
      %sub3A_1015 = arith.subf %div3A_1014, %div3A_1011 : vector<16xf32>
      %get3A_1016 = arith.constant 52 : i32
      %get3A_1017 = arith.index_cast %get3A_1016 : i32 to index
      %get3A_1018 = arith.constant 96 : index
      %get3A_1019 = tpu.vector_load %arg9[%get3A_1017, %get3A_1018] {strides = array<i32>} : memref<104x128xf32, #tpu.memory_space<vmem>>, vector<1x16xf32>,
      %get3A_1020 = vector.shape_cast %get3A_1019 : vector<1x16xf32> to vector<16xf32>
      %get3A_1021 = arith.constant 0 : i32
      %get3A_1022 = arith.index_cast %get3A_1021 : i32 to index
      %get3A_1023 = arith.constant 96 : index
      %get3A_1024 = tpu.vector_load %arg9[%get3A_1022, %get3A_1023] {strides = array<i32>} : memref<104x128xf32, #tpu.memory_space<vmem>>, vector<1x16xf32>,
      %get3A_1025 = vector.shape_cast %get3A_1024 : vector<1x16xf32> to vector<16xf32>
      %sub3A_1026 = arith.subf %get3A_1020, %get3A_1025 : vector<16xf32>
      %mul3A_1027 = arith.constant 1.000000e-01 : f32
      %mul3A_1028 = vector.broadcast %mul3A_1027 : f32 to vector<16xf32>
      %mul3A_1029 = arith.mulf %mul3A_1028, %sub3A_1026 : vector<16xf32>
      %add3A_1030 = arith.addf %sub3A_1015, %mul3A_1029 : vector<16xf32>
      %swap3A_1031 = arith.index_cast %add3A_580 : i32 to index
      %swap3A_1032 = arith.constant 96 : index
      %swap3A_1033 = tpu.vector_load %arg13[%swap3A_1031, %swap3A_1032] {strides = array<i32>} : memref<128x128xf32, #tpu.memory_space<vmem>>, vector<1x16xf32>,
      %swap3A_1034 = vector.shape_cast %swap3A_1033 : vector<1x16xf32> to vector<16xf32>
      %swap3A_1035 = vector.shape_cast %add3A_1030 : vector<16xf32> to vector<1x16xf32>
      tpu.vector_store %arg13[%swap3A_1031, %swap3A_1032], %swap3A_1035 {strides = array<i32>} : memref<128x128xf32, #tpu.memory_space<vmem>>, vector<1x16xf32>,
      %swap3A_1036 = arith.index_cast %add3A_580 : i32 to index
      %swap3A_1037 = arith.constant 96 : index
      %swap3A_1038 = tpu.vector_load %arg14[%swap3A_1036, %swap3A_1037] {strides = array<i32>} : memref<128x128xf32, #tpu.memory_space<vmem>>, vector<1x16xf32>,
      %swap3A_1039 = vector.shape_cast %swap3A_1038 : vector<1x16xf32> to vector<16xf32>
      %swap3A_1040 = vector.shape_cast %div3A_1011 : vector<16xf32> to vector<1x16xf32>
      tpu.vector_store %arg14[%swap3A_1036, %swap3A_1037], %swap3A_1040 {strides = array<i32>} : memref<128x128xf32, #tpu.memory_space<vmem>>, vector<1x16xf32>,
      %swap3A_1041 = arith.index_cast %add3A_580 : i32 to index
      %swap3A_1042 = arith.constant 96 : index
      %swap3A_1043 = tpu.vector_load %arg15[%swap3A_1041, %swap3A_1042] {strides = array<i32>} : memref<128x128xf32, #tpu.memory_space<vmem>>, vector<1x16xf32>,
      %swap3A_1044 = vector.shape_cast %swap3A_1043 : vector<1x16xf32> to vector<16xf32>
      %swap3A_1045 = vector.shape_cast %div3A_1014 : vector<16xf32> to vector<1x16xf32>
      tpu.vector_store %arg15[%swap3A_1041, %swap3A_1042], %swap3A_1045 {strides = array<i32>} : memref<128x128xf32, #tpu.memory_space<vmem>>, vector<1x16xf32>,
      %mul3A_1046 = arith.mulf %convert_element_type3A_777, %get3A_25 : vector<16xf32>
      %sub3A_1047 = arith.subf %scan3A_775#7, %mul3A_1046 : vector<16xf32>
      %div3A_1048 = arith.divf %sub3A_1047, %max3A_782 : vector<16xf32>
      %mul3A_1049 = arith.mulf %convert_element_type3A_778, %get3A_25 : vector<16xf32>
      %sub3A_1050 = arith.subf %scan3A_775#15, %mul3A_1049 : vector<16xf32>
      %div3A_1051 = arith.divf %sub3A_1050, %max3A_786 : vector<16xf32>
      %sub3A_1052 = arith.subf %div3A_1051, %div3A_1048 : vector<16xf32>
      %get3A_1053 = arith.constant 52 : i32
      %get3A_1054 = arith.index_cast %get3A_1053 : i32 to index
      %get3A_1055 = arith.constant 112 : index
      %get3A_1056 = tpu.vector_load %arg9[%get3A_1054, %get3A_1055] {strides = array<i32>} : memref<104x128xf32, #tpu.memory_space<vmem>>, vector<1x16xf32>,
      %get3A_1057 = vector.shape_cast %get3A_1056 : vector<1x16xf32> to vector<16xf32>
      %get3A_1058 = arith.constant 0 : i32
      %get3A_1059 = arith.index_cast %get3A_1058 : i32 to index
      %get3A_1060 = arith.constant 112 : index
      %get3A_1061 = tpu.vector_load %arg9[%get3A_1059, %get3A_1060] {strides = array<i32>} : memref<104x128xf32, #tpu.memory_space<vmem>>, vector<1x16xf32>,
      %get3A_1062 = vector.shape_cast %get3A_1061 : vector<1x16xf32> to vector<16xf32>
      %sub3A_1063 = arith.subf %get3A_1057, %get3A_1062 : vector<16xf32>
      %mul3A_1064 = arith.constant 1.000000e-01 : f32
      %mul3A_1065 = vector.broadcast %mul3A_1064 : f32 to vector<16xf32>
      %mul3A_1066 = arith.mulf %mul3A_1065, %sub3A_1063 : vector<16xf32>
      %add3A_1067 = arith.addf %sub3A_1052, %mul3A_1066 : vector<16xf32>
      %swap3A_1068 = arith.index_cast %add3A_580 : i32 to index
      %swap3A_1069 = arith.constant 112 : index
      %swap3A_1070 = tpu.vector_load %arg13[%swap3A_1068, %swap3A_1069] {strides = array<i32>} : memref<128x128xf32, #tpu.memory_space<vmem>>, vector<1x16xf32>,
      %swap3A_1071 = vector.shape_cast %swap3A_1070 : vector<1x16xf32> to vector<16xf32>
      %swap3A_1072 = vector.shape_cast %add3A_1067 : vector<16xf32> to vector<1x16xf32>
      tpu.vector_store %arg13[%swap3A_1068, %swap3A_1069], %swap3A_1072 {strides = array<i32>} : memref<128x128xf32, #tpu.memory_space<vmem>>, vector<1x16xf32>,
      %swap3A_1073 = arith.index_cast %add3A_580 : i32 to index
      %swap3A_1074 = arith.constant 112 : index
      %swap3A_1075 = tpu.vector_load %arg14[%swap3A_1073, %swap3A_1074] {strides = array<i32>} : memref<128x128xf32, #tpu.memory_space<vmem>>, vector<1x16xf32>,
      %swap3A_1076 = vector.shape_cast %swap3A_1075 : vector<1x16xf32> to vector<16xf32>
      %swap3A_1077 = vector.shape_cast %div3A_1048 : vector<16xf32> to vector<1x16xf32>
      tpu.vector_store %arg14[%swap3A_1073, %swap3A_1074], %swap3A_1077 {strides = array<i32>} : memref<128x128xf32, #tpu.memory_space<vmem>>, vector<1x16xf32>,
      %swap3A_1078 = arith.index_cast %add3A_580 : i32 to index
      %swap3A_1079 = arith.constant 112 : index
      %swap3A_1080 = tpu.vector_load %arg15[%swap3A_1078, %swap3A_1079] {strides = array<i32>} : memref<128x128xf32, #tpu.memory_space<vmem>>, vector<1x16xf32>,
      %swap3A_1081 = vector.shape_cast %swap3A_1080 : vector<1x16xf32> to vector<16xf32>
      %swap3A_1082 = vector.shape_cast %div3A_1051 : vector<16xf32> to vector<1x16xf32>
      tpu.vector_store %arg15[%swap3A_1078, %swap3A_1079], %swap3A_1082 {strides = array<i32>} : memref<128x128xf32, #tpu.memory_space<vmem>>, vector<1x16xf32>,
      %lt3A_1083 = arith.constant 31 : i32
      %lt3A_1084 = arith.cmpi slt, %scan3A_74, %lt3A_1083 : i32
      %convert_element_type3A_1085 = arith.extui %lt3A_1084 : i1 to i32
      %cond3A_1086 = arith.constant 0 : i32
      %cond3A_1087 = arith.cmpi ne, %convert_element_type3A_1085, %cond3A_1086 : i32
      scf.if %cond3A_1087 {
        %add3A_2110 = arith.constant 4 : i32
        %add3A_2111 = arith.addi %add3A_580, %add3A_2110 : i32
        %dma_start3A_2112 = arith.constant 0 : i32
        %dma_start3A_2113 = tpu.memref_slice %arg7[%add3A_2111, %dma_start3A_2112] : memref<128x104xi32, #tpu.memory_space<vmem>> -> memref<1x104xi32, #tpu.memory_space<vmem>>
        %dma_start3A_2114 = tpu.memref_squeeze %dma_start3A_2113 : memref<1x104xi32, #tpu.memory_space<vmem>> -> memref<104xi32, #tpu.memory_space<vmem>>
        %dma_start3A_2115 = arith.constant 0 : i32
        %dma_start3A_2116 = arith.constant 0 : i32
        %dma_start3A_2117 = tpu.memref_slice %arg3[%dma_start3A_2115, %dma_start3A_2116] : memref<100000x128xf32, #tpu.memory_space<hbm>> -> memref<100000x128xf32, #tpu.memory_space<hbm>>
        tpu.enqueue_indirect_dma source(%dma_start3A_2117 : memref<100000x128xf32, #tpu.memory_space<hbm>>) target(%arg9 : memref<104x128xf32, #tpu.memory_space<vmem>>) offsets(%dma_start3A_2114 : memref<104xi32, #tpu.memory_space<vmem>>) semaphore(%arg17 : memref<!tpu.dma_semaphore, #tpu.memory_space<semaphore_mem>>)
      } else {
      }
      %mul3A_1088 = arith.constant 4 : i32
      %mul3A_1089 = arith.muli %mul3A_1088, %scan3A_74 : i32
      %add3A_1090 = arith.constant 2 : i32
      %add3A_1091 = arith.addi %mul3A_1089, %add3A_1090 : i32
      %dma_wait3A_1092 = arith.constant 0 : i32
      %dma_wait3A_1093 = tpu.memref_slice %arg7[%add3A_1091, %dma_wait3A_1092] : memref<128x104xi32, #tpu.memory_space<vmem>> -> memref<1x104xi32, #tpu.memory_space<vmem>>
      %dma_wait3A_1094 = tpu.memref_squeeze %dma_wait3A_1093 : memref<1x104xi32, #tpu.memory_space<vmem>> -> memref<104xi32, #tpu.memory_space<vmem>>
      %dma_wait3A_1095 = arith.constant 0 : i32
      %dma_wait3A_1096 = arith.constant 0 : i32
      %dma_wait3A_1097 = tpu.memref_slice %arg3[%dma_wait3A_1095, %dma_wait3A_1096] : memref<100000x128xf32, #tpu.memory_space<hbm>> -> memref<100000x128xf32, #tpu.memory_space<hbm>>
      tpu.wait_indirect_dma semaphore(%arg18 : memref<!tpu.dma_semaphore, #tpu.memory_space<semaphore_mem>>) src(%dma_wait3A_1097 : memref<100000x128xf32, #tpu.memory_space<hbm>>) dst(%arg10 : memref<104x128xf32, #tpu.memory_space<vmem>>)
      %get3A_1098 = arith.index_cast %add3A_1091 : i32 to index
      %get3A_1099 = arith.constant 0 : index
      %get3A_1100 = tpu.vector_load %arg7[%get3A_1098, %get3A_1099] {strides = array<i32>} : memref<128x104xi32, #tpu.memory_space<vmem>>, vector<1x16xi32>,
      %get3A_1101 = vector.shape_cast %get3A_1100 : vector<1x16xi32> to vector<16xi32>
      %min3A_1102 = arith.constant 1 : i32
      %min3A_1103 = vector.broadcast %min3A_1102 : i32 to vector<16xi32>
      %min3A_1104 = arith.minsi %get3A_1101, %min3A_1103 : vector<16xi32>
      %get3A_1105 = arith.index_cast %add3A_1091 : i32 to index
      %get3A_1106 = arith.constant 16 : index
      %get3A_1107 = tpu.vector_load %arg7[%get3A_1105, %get3A_1106] {strides = array<i32>} : memref<128x104xi32, #tpu.memory_space<vmem>>, vector<1x16xi32>,
      %get3A_1108 = vector.shape_cast %get3A_1107 : vector<1x16xi32> to vector<16xi32>
      %min3A_1109 = arith.constant 1 : i32
      %min3A_1110 = vector.broadcast %min3A_1109 : i32 to vector<16xi32>
      %min3A_1111 = arith.minsi %get3A_1108, %min3A_1110 : vector<16xi32>
      %get3A_1112 = arith.index_cast %add3A_1091 : i32 to index
      %get3A_1113 = arith.constant 32 : index
      %get3A_1114 = tpu.vector_load %arg7[%get3A_1112, %get3A_1113] {strides = array<i32>} : memref<128x104xi32, #tpu.memory_space<vmem>>, vector<1x16xi32>,
      %get3A_1115 = vector.shape_cast %get3A_1114 : vector<1x16xi32> to vector<16xi32>
      %min3A_1116 = arith.constant 1 : i32
      %min3A_1117 = vector.broadcast %min3A_1116 : i32 to vector<16xi32>
      %min3A_1118 = arith.minsi %get3A_1115, %min3A_1117 : vector<16xi32>
      %get3A_1119 = arith.index_cast %add3A_1091 : i32 to index
      %get3A_1120 = arith.constant 48 : index
      %get3A_1121 = tpu.vector_load %arg7[%get3A_1119, %get3A_1120] {strides = array<i32>} : memref<128x104xi32, #tpu.memory_space<vmem>>, vector<1x16xi32>,
      %get3A_1122 = vector.shape_cast %get3A_1121 : vector<1x16xi32> to vector<16xi32>
      %min3A_1123 = arith.constant 1 : i32
      %min3A_1124 = vector.broadcast %min3A_1123 : i32 to vector<16xi32>
      %min3A_1125 = arith.minsi %get3A_1122, %min3A_1124 : vector<16xi32>
      %get3A_1126 = arith.index_cast %add3A_1091 : i32 to index
      %get3A_1127 = arith.constant 64 : index
      %get3A_1128 = tpu.vector_load %arg7[%get3A_1126, %get3A_1127] {strides = array<i32>} : memref<128x104xi32, #tpu.memory_space<vmem>>, vector<1x16xi32>,
      %get3A_1129 = vector.shape_cast %get3A_1128 : vector<1x16xi32> to vector<16xi32>
      %min3A_1130 = arith.constant 1 : i32
      %min3A_1131 = vector.broadcast %min3A_1130 : i32 to vector<16xi32>
      %min3A_1132 = arith.minsi %get3A_1129, %min3A_1131 : vector<16xi32>
      %get3A_1133 = arith.index_cast %add3A_1091 : i32 to index
      %get3A_1134 = arith.constant 80 : index
      %get3A_1135 = tpu.vector_load %arg7[%get3A_1133, %get3A_1134] {strides = array<i32>} : memref<128x104xi32, #tpu.memory_space<vmem>>, vector<1x16xi32>,
      %get3A_1136 = vector.shape_cast %get3A_1135 : vector<1x16xi32> to vector<16xi32>
      %min3A_1137 = arith.constant 1 : i32
      %min3A_1138 = vector.broadcast %min3A_1137 : i32 to vector<16xi32>
      %min3A_1139 = arith.minsi %get3A_1136, %min3A_1138 : vector<16xi32>
      %get3A_1140 = arith.index_cast %add3A_1091 : i32 to index
      %get3A_1141 = arith.constant 88 : index
      %get3A_1142 = tpu.vector_load %arg7[%get3A_1140, %get3A_1141] {strides = array<i32>} : memref<128x104xi32, #tpu.memory_space<vmem>>, vector<1x16xi32>,
      %get3A_1143 = vector.shape_cast %get3A_1142 : vector<1x16xi32> to vector<16xi32>
      %min3A_1144 = arith.constant 1 : i32
      %min3A_1145 = vector.broadcast %min3A_1144 : i32 to vector<16xi32>
      %min3A_1146 = arith.minsi %get3A_1143, %min3A_1145 : vector<16xi32>
      %mul3A_1147 = arith.muli %min3A_1146, %min3A_40 : vector<16xi32>
      %mul3A_1148 = arith.muli %min3A_1125, %min3A_31 : vector<16xi32>
      %add3A_1149 = arith.addi %min3A_1104, %min3A_1111 : vector<16xi32>
      %add3A_1150 = arith.addi %add3A_1149, %min3A_1118 : vector<16xi32>
      %add3A_1151 = arith.addi %add3A_1150, %mul3A_1148 : vector<16xi32>
      %iota3A_1152 = tpu.iota {dimensions = array<i32: 0>} : vector<16xi32>
      %xor3A_1153 = arith.constant 8 : i32
      %xor3A_1154 = vector.broadcast %xor3A_1153 : i32 to vector<16xi32>
      %xor3A_1155 = arith.xori %iota3A_1152, %xor3A_1154 : vector<16xi32>
      %lt3A_1156 = arith.constant 0 : i32
      %lt3A_1157 = vector.broadcast %lt3A_1156 : i32 to vector<16xi32>
      %lt3A_1158 = arith.cmpi slt, %xor3A_1155, %lt3A_1157 : vector<16xi32>
      %add3A_1159 = arith.constant 16 : i32
      %add3A_1160 = vector.broadcast %add3A_1159 : i32 to vector<16xi32>
      %add3A_1161 = arith.addi %xor3A_1155, %add3A_1160 : vector<16xi32>
      %select_n3A_1162 = arith.select %lt3A_1158, %add3A_1161, %xor3A_1155 : vector<16xi1>, vector<16xi32>
      %broadcast_in_dim3A_1163 = vector.shape_cast %select_n3A_1162 : vector<16xi32> to vector<16x1xi32>
      %gather3A_1164 = vector.shape_cast %broadcast_in_dim3A_1163 : vector<16x1xi32> to vector<16xi32>
      %gather3A_1165 = tpu.dynamic_gather %add3A_1151[%gather3A_1164] in [0] : vector<16xi32>, vector<16xi32> -> vector<16xi32>
      %add3A_1166 = arith.addi %add3A_1151, %gather3A_1165 : vector<16xi32>
      %iota3A_1167 = tpu.iota {dimensions = array<i32: 0>} : vector<16xi32>
      %xor3A_1168 = arith.constant 4 : i32
      %xor3A_1169 = vector.broadcast %xor3A_1168 : i32 to vector<16xi32>
      %xor3A_1170 = arith.xori %iota3A_1167, %xor3A_1169 : vector<16xi32>
      %lt3A_1171 = arith.constant 0 : i32
      %lt3A_1172 = vector.broadcast %lt3A_1171 : i32 to vector<16xi32>
      %lt3A_1173 = arith.cmpi slt, %xor3A_1170, %lt3A_1172 : vector<16xi32>
      %add3A_1174 = arith.constant 16 : i32
      %add3A_1175 = vector.broadcast %add3A_1174 : i32 to vector<16xi32>
      %add3A_1176 = arith.addi %xor3A_1170, %add3A_1175 : vector<16xi32>
      %select_n3A_1177 = arith.select %lt3A_1173, %add3A_1176, %xor3A_1170 : vector<16xi1>, vector<16xi32>
      %broadcast_in_dim3A_1178 = vector.shape_cast %select_n3A_1177 : vector<16xi32> to vector<16x1xi32>
      %gather3A_1179 = vector.shape_cast %broadcast_in_dim3A_1178 : vector<16x1xi32> to vector<16xi32>
      %gather3A_1180 = tpu.dynamic_gather %add3A_1166[%gather3A_1179] in [0] : vector<16xi32>, vector<16xi32> -> vector<16xi32>
      %add3A_1181 = arith.addi %add3A_1166, %gather3A_1180 : vector<16xi32>
      %iota3A_1182 = tpu.iota {dimensions = array<i32: 0>} : vector<16xi32>
      %xor3A_1183 = arith.constant 2 : i32
      %xor3A_1184 = vector.broadcast %xor3A_1183 : i32 to vector<16xi32>
      %xor3A_1185 = arith.xori %iota3A_1182, %xor3A_1184 : vector<16xi32>
      %lt3A_1186 = arith.constant 0 : i32
      %lt3A_1187 = vector.broadcast %lt3A_1186 : i32 to vector<16xi32>
      %lt3A_1188 = arith.cmpi slt, %xor3A_1185, %lt3A_1187 : vector<16xi32>
      %add3A_1189 = arith.constant 16 : i32
      %add3A_1190 = vector.broadcast %add3A_1189 : i32 to vector<16xi32>
      %add3A_1191 = arith.addi %xor3A_1185, %add3A_1190 : vector<16xi32>
      %select_n3A_1192 = arith.select %lt3A_1188, %add3A_1191, %xor3A_1185 : vector<16xi1>, vector<16xi32>
      %broadcast_in_dim3A_1193 = vector.shape_cast %select_n3A_1192 : vector<16xi32> to vector<16x1xi32>
      %gather3A_1194 = vector.shape_cast %broadcast_in_dim3A_1193 : vector<16x1xi32> to vector<16xi32>
      %gather3A_1195 = tpu.dynamic_gather %add3A_1181[%gather3A_1194] in [0] : vector<16xi32>, vector<16xi32> -> vector<16xi32>
      %add3A_1196 = arith.addi %add3A_1181, %gather3A_1195 : vector<16xi32>
      %iota3A_1197 = tpu.iota {dimensions = array<i32: 0>} : vector<16xi32>
      %xor3A_1198 = arith.constant 1 : i32
      %xor3A_1199 = vector.broadcast %xor3A_1198 : i32 to vector<16xi32>
      %xor3A_1200 = arith.xori %iota3A_1197, %xor3A_1199 : vector<16xi32>
      %lt3A_1201 = arith.constant 0 : i32
      %lt3A_1202 = vector.broadcast %lt3A_1201 : i32 to vector<16xi32>
      %lt3A_1203 = arith.cmpi slt, %xor3A_1200, %lt3A_1202 : vector<16xi32>
      %add3A_1204 = arith.constant 16 : i32
      %add3A_1205 = vector.broadcast %add3A_1204 : i32 to vector<16xi32>
      %add3A_1206 = arith.addi %xor3A_1200, %add3A_1205 : vector<16xi32>
      %select_n3A_1207 = arith.select %lt3A_1203, %add3A_1206, %xor3A_1200 : vector<16xi1>, vector<16xi32>
      %broadcast_in_dim3A_1208 = vector.shape_cast %select_n3A_1207 : vector<16xi32> to vector<16x1xi32>
      %gather3A_1209 = vector.shape_cast %broadcast_in_dim3A_1208 : vector<16x1xi32> to vector<16xi32>
      %gather3A_1210 = tpu.dynamic_gather %add3A_1196[%gather3A_1209] in [0] : vector<16xi32>, vector<16xi32> -> vector<16xi32>
      %add3A_1211 = arith.addi %add3A_1196, %gather3A_1210 : vector<16xi32>
      %sub3A_1212 = arith.subi %min3A_1125, %mul3A_1148 : vector<16xi32>
      %add3A_1213 = arith.addi %sub3A_1212, %min3A_1132 : vector<16xi32>
      %add3A_1214 = arith.addi %add3A_1213, %min3A_1139 : vector<16xi32>
      %add3A_1215 = arith.addi %add3A_1214, %mul3A_1147 : vector<16xi32>
      %iota3A_1216 = tpu.iota {dimensions = array<i32: 0>} : vector<16xi32>
      %xor3A_1217 = arith.constant 8 : i32
      %xor3A_1218 = vector.broadcast %xor3A_1217 : i32 to vector<16xi32>
      %xor3A_1219 = arith.xori %iota3A_1216, %xor3A_1218 : vector<16xi32>
      %lt3A_1220 = arith.constant 0 : i32
      %lt3A_1221 = vector.broadcast %lt3A_1220 : i32 to vector<16xi32>
      %lt3A_1222 = arith.cmpi slt, %xor3A_1219, %lt3A_1221 : vector<16xi32>
      %add3A_1223 = arith.constant 16 : i32
      %add3A_1224 = vector.broadcast %add3A_1223 : i32 to vector<16xi32>
      %add3A_1225 = arith.addi %xor3A_1219, %add3A_1224 : vector<16xi32>
      %select_n3A_1226 = arith.select %lt3A_1222, %add3A_1225, %xor3A_1219 : vector<16xi1>, vector<16xi32>
      %broadcast_in_dim3A_1227 = vector.shape_cast %select_n3A_1226 : vector<16xi32> to vector<16x1xi32>
      %gather3A_1228 = vector.shape_cast %broadcast_in_dim3A_1227 : vector<16x1xi32> to vector<16xi32>
      %gather3A_1229 = tpu.dynamic_gather %add3A_1215[%gather3A_1228] in [0] : vector<16xi32>, vector<16xi32> -> vector<16xi32>
      %add3A_1230 = arith.addi %add3A_1215, %gather3A_1229 : vector<16xi32>
      %iota3A_1231 = tpu.iota {dimensions = array<i32: 0>} : vector<16xi32>
      %xor3A_1232 = arith.constant 4 : i32
      %xor3A_1233 = vector.broadcast %xor3A_1232 : i32 to vector<16xi32>
      %xor3A_1234 = arith.xori %iota3A_1231, %xor3A_1233 : vector<16xi32>
      %lt3A_1235 = arith.constant 0 : i32
      %lt3A_1236 = vector.broadcast %lt3A_1235 : i32 to vector<16xi32>
      %lt3A_1237 = arith.cmpi slt, %xor3A_1234, %lt3A_1236 : vector<16xi32>
      %add3A_1238 = arith.constant 16 : i32
      %add3A_1239 = vector.broadcast %add3A_1238 : i32 to vector<16xi32>
      %add3A_1240 = arith.addi %xor3A_1234, %add3A_1239 : vector<16xi32>
      %select_n3A_1241 = arith.select %lt3A_1237, %add3A_1240, %xor3A_1234 : vector<16xi1>, vector<16xi32>
      %broadcast_in_dim3A_1242 = vector.shape_cast %select_n3A_1241 : vector<16xi32> to vector<16x1xi32>
      %gather3A_1243 = vector.shape_cast %broadcast_in_dim3A_1242 : vector<16x1xi32> to vector<16xi32>
      %gather3A_1244 = tpu.dynamic_gather %add3A_1230[%gather3A_1243] in [0] : vector<16xi32>, vector<16xi32> -> vector<16xi32>
      %add3A_1245 = arith.addi %add3A_1230, %gather3A_1244 : vector<16xi32>
      %iota3A_1246 = tpu.iota {dimensions = array<i32: 0>} : vector<16xi32>
      %xor3A_1247 = arith.constant 2 : i32
      %xor3A_1248 = vector.broadcast %xor3A_1247 : i32 to vector<16xi32>
      %xor3A_1249 = arith.xori %iota3A_1246, %xor3A_1248 : vector<16xi32>
      %lt3A_1250 = arith.constant 0 : i32
      %lt3A_1251 = vector.broadcast %lt3A_1250 : i32 to vector<16xi32>
      %lt3A_1252 = arith.cmpi slt, %xor3A_1249, %lt3A_1251 : vector<16xi32>
      %add3A_1253 = arith.constant 16 : i32
      %add3A_1254 = vector.broadcast %add3A_1253 : i32 to vector<16xi32>
      %add3A_1255 = arith.addi %xor3A_1249, %add3A_1254 : vector<16xi32>
      %select_n3A_1256 = arith.select %lt3A_1252, %add3A_1255, %xor3A_1249 : vector<16xi1>, vector<16xi32>
      %broadcast_in_dim3A_1257 = vector.shape_cast %select_n3A_1256 : vector<16xi32> to vector<16x1xi32>
      %gather3A_1258 = vector.shape_cast %broadcast_in_dim3A_1257 : vector<16x1xi32> to vector<16xi32>
      %gather3A_1259 = tpu.dynamic_gather %add3A_1245[%gather3A_1258] in [0] : vector<16xi32>, vector<16xi32> -> vector<16xi32>
      %add3A_1260 = arith.addi %add3A_1245, %gather3A_1259 : vector<16xi32>
      %iota3A_1261 = tpu.iota {dimensions = array<i32: 0>} : vector<16xi32>
      %xor3A_1262 = arith.constant 1 : i32
      %xor3A_1263 = vector.broadcast %xor3A_1262 : i32 to vector<16xi32>
      %xor3A_1264 = arith.xori %iota3A_1261, %xor3A_1263 : vector<16xi32>
      %lt3A_1265 = arith.constant 0 : i32
      %lt3A_1266 = vector.broadcast %lt3A_1265 : i32 to vector<16xi32>
      %lt3A_1267 = arith.cmpi slt, %xor3A_1264, %lt3A_1266 : vector<16xi32>
      %add3A_1268 = arith.constant 16 : i32
      %add3A_1269 = vector.broadcast %add3A_1268 : i32 to vector<16xi32>
      %add3A_1270 = arith.addi %xor3A_1264, %add3A_1269 : vector<16xi32>
      %select_n3A_1271 = arith.select %lt3A_1267, %add3A_1270, %xor3A_1264 : vector<16xi1>, vector<16xi32>
      %broadcast_in_dim3A_1272 = vector.shape_cast %select_n3A_1271 : vector<16xi32> to vector<16x1xi32>
      %gather3A_1273 = vector.shape_cast %broadcast_in_dim3A_1272 : vector<16x1xi32> to vector<16xi32>
      %gather3A_1274 = tpu.dynamic_gather %add3A_1260[%gather3A_1273] in [0] : vector<16xi32>, vector<16xi32> -> vector<16xi32>
      %add3A_1275 = arith.addi %add3A_1260, %gather3A_1274 : vector<16xi32>
      %sub3A_1276 = arith.constant 52 : i32
      %sub3A_1277 = vector.broadcast %sub3A_1276 : i32 to vector<16xi32>
      %sub3A_1278 = arith.subi %sub3A_1277, %add3A_1211 : vector<16xi32>
      %sub3A_1279 = arith.constant 52 : i32
      %sub3A_1280 = vector.broadcast %sub3A_1279 : i32 to vector<16xi32>
      %sub3A_1281 = arith.subi %sub3A_1280, %add3A_1275 : vector<16xi32>
      %scan3A_1282 = arith.constant 0 : i32
      %scan3A_1283 = arith.constant 52 : i32
      %scan3A_1284 = arith.addi %scan3A_1282, %scan3A_1283 : i32
      %scan3A_1285 = arith.constant 1 : i32
      %scan3A_1286:16 = scf.for %scan3A_2110 = %scan3A_1282 to %scan3A_1284 step %scan3A_1285 iter_args(%scan3A_2111 = %broadcast_in_dim3A_41, %scan3A_2112 = %broadcast_in_dim3A_41, %scan3A_2113 = %broadcast_in_dim3A_41, %scan3A_2114 = %broadcast_in_dim3A_41, %scan3A_2115 = %broadcast_in_dim3A_41, %scan3A_2116 = %broadcast_in_dim3A_41, %scan3A_2117 = %broadcast_in_dim3A_41, %scan3A_2118 = %broadcast_in_dim3A_41, %scan3A_2119 = %broadcast_in_dim3A_41, %scan3A_2120 = %broadcast_in_dim3A_41, %scan3A_2121 = %broadcast_in_dim3A_41, %scan3A_2122 = %broadcast_in_dim3A_41, %scan3A_2123 = %broadcast_in_dim3A_41, %scan3A_2124 = %broadcast_in_dim3A_41, %scan3A_2125 = %broadcast_in_dim3A_41, %scan3A_2126 = %broadcast_in_dim3A_41) -> (vector<16xf32>, vector<16xf32>, vector<16xf32>, vector<16xf32>, vector<16xf32>, vector<16xf32>, vector<16xf32>, vector<16xf32>, vector<16xf32>, vector<16xf32>, vector<16xf32>, vector<16xf32>, vector<16xf32>, vector<16xf32>, vector<16xf32>, vector<16xf32>)  : i32 {
        %get3A_2127 = arith.index_cast %scan3A_2110 : i32 to index
        %get3A_2128 = arith.constant 0 : index
        %get3A_2129 = tpu.vector_load %arg10[%get3A_2127, %get3A_2128] {strides = array<i32>} : memref<104x128xf32, #tpu.memory_space<vmem>>, vector<1x16xf32>,
        %get3A_2130 = vector.shape_cast %get3A_2129 : vector<1x16xf32> to vector<16xf32>
        %add3A_2131 = arith.addf %scan3A_2111, %get3A_2130 : vector<16xf32>
        %get3A_2132 = arith.index_cast %scan3A_2110 : i32 to index
        %get3A_2133 = arith.constant 16 : index
        %get3A_2134 = tpu.vector_load %arg10[%get3A_2132, %get3A_2133] {strides = array<i32>} : memref<104x128xf32, #tpu.memory_space<vmem>>, vector<1x16xf32>,
        %get3A_2135 = vector.shape_cast %get3A_2134 : vector<1x16xf32> to vector<16xf32>
        %add3A_2136 = arith.addf %scan3A_2112, %get3A_2135 : vector<16xf32>
        %get3A_2137 = arith.index_cast %scan3A_2110 : i32 to index
        %get3A_2138 = arith.constant 32 : index
        %get3A_2139 = tpu.vector_load %arg10[%get3A_2137, %get3A_2138] {strides = array<i32>} : memref<104x128xf32, #tpu.memory_space<vmem>>, vector<1x16xf32>,
        %get3A_2140 = vector.shape_cast %get3A_2139 : vector<1x16xf32> to vector<16xf32>
        %add3A_2141 = arith.addf %scan3A_2113, %get3A_2140 : vector<16xf32>
        %get3A_2142 = arith.index_cast %scan3A_2110 : i32 to index
        %get3A_2143 = arith.constant 48 : index
        %get3A_2144 = tpu.vector_load %arg10[%get3A_2142, %get3A_2143] {strides = array<i32>} : memref<104x128xf32, #tpu.memory_space<vmem>>, vector<1x16xf32>,
        %get3A_2145 = vector.shape_cast %get3A_2144 : vector<1x16xf32> to vector<16xf32>
        %add3A_2146 = arith.addf %scan3A_2114, %get3A_2145 : vector<16xf32>
        %get3A_2147 = arith.index_cast %scan3A_2110 : i32 to index
        %get3A_2148 = arith.constant 64 : index
        %get3A_2149 = tpu.vector_load %arg10[%get3A_2147, %get3A_2148] {strides = array<i32>} : memref<104x128xf32, #tpu.memory_space<vmem>>, vector<1x16xf32>,
        %get3A_2150 = vector.shape_cast %get3A_2149 : vector<1x16xf32> to vector<16xf32>
        %add3A_2151 = arith.addf %scan3A_2115, %get3A_2150 : vector<16xf32>
        %get3A_2152 = arith.index_cast %scan3A_2110 : i32 to index
        %get3A_2153 = arith.constant 80 : index
        %get3A_2154 = tpu.vector_load %arg10[%get3A_2152, %get3A_2153] {strides = array<i32>} : memref<104x128xf32, #tpu.memory_space<vmem>>, vector<1x16xf32>,
        %get3A_2155 = vector.shape_cast %get3A_2154 : vector<1x16xf32> to vector<16xf32>
        %add3A_2156 = arith.addf %scan3A_2116, %get3A_2155 : vector<16xf32>
        %get3A_2157 = arith.index_cast %scan3A_2110 : i32 to index
        %get3A_2158 = arith.constant 96 : index
        %get3A_2159 = tpu.vector_load %arg10[%get3A_2157, %get3A_2158] {strides = array<i32>} : memref<104x128xf32, #tpu.memory_space<vmem>>, vector<1x16xf32>,
        %get3A_2160 = vector.shape_cast %get3A_2159 : vector<1x16xf32> to vector<16xf32>
        %add3A_2161 = arith.addf %scan3A_2117, %get3A_2160 : vector<16xf32>
        %get3A_2162 = arith.index_cast %scan3A_2110 : i32 to index
        %get3A_2163 = arith.constant 112 : index
        %get3A_2164 = tpu.vector_load %arg10[%get3A_2162, %get3A_2163] {strides = array<i32>} : memref<104x128xf32, #tpu.memory_space<vmem>>, vector<1x16xf32>,
        %get3A_2165 = vector.shape_cast %get3A_2164 : vector<1x16xf32> to vector<16xf32>
        %add3A_2166 = arith.addf %scan3A_2118, %get3A_2165 : vector<16xf32>
        %add3A_2167 = arith.constant 52 : i32
        %add3A_2168 = arith.addi %add3A_2167, %scan3A_2110 : i32
        %get3A_2169 = arith.index_cast %add3A_2168 : i32 to index
        %get3A_2170 = arith.constant 0 : index
        %get3A_2171 = tpu.vector_load %arg10[%get3A_2169, %get3A_2170] {strides = array<i32>} : memref<104x128xf32, #tpu.memory_space<vmem>>, vector<1x16xf32>,
        %get3A_2172 = vector.shape_cast %get3A_2171 : vector<1x16xf32> to vector<16xf32>
        %add3A_2173 = arith.addf %scan3A_2119, %get3A_2172 : vector<16xf32>
        %add3A_2174 = arith.constant 52 : i32
        %add3A_2175 = arith.addi %add3A_2174, %scan3A_2110 : i32
        %get3A_2176 = arith.index_cast %add3A_2175 : i32 to index
        %get3A_2177 = arith.constant 16 : index
        %get3A_2178 = tpu.vector_load %arg10[%get3A_2176, %get3A_2177] {strides = array<i32>} : memref<104x128xf32, #tpu.memory_space<vmem>>, vector<1x16xf32>,
        %get3A_2179 = vector.shape_cast %get3A_2178 : vector<1x16xf32> to vector<16xf32>
        %add3A_2180 = arith.addf %scan3A_2120, %get3A_2179 : vector<16xf32>
        %add3A_2181 = arith.constant 52 : i32
        %add3A_2182 = arith.addi %add3A_2181, %scan3A_2110 : i32
        %get3A_2183 = arith.index_cast %add3A_2182 : i32 to index
        %get3A_2184 = arith.constant 32 : index
        %get3A_2185 = tpu.vector_load %arg10[%get3A_2183, %get3A_2184] {strides = array<i32>} : memref<104x128xf32, #tpu.memory_space<vmem>>, vector<1x16xf32>,
        %get3A_2186 = vector.shape_cast %get3A_2185 : vector<1x16xf32> to vector<16xf32>
        %add3A_2187 = arith.addf %scan3A_2121, %get3A_2186 : vector<16xf32>
        %add3A_2188 = arith.constant 52 : i32
        %add3A_2189 = arith.addi %add3A_2188, %scan3A_2110 : i32
        %get3A_2190 = arith.index_cast %add3A_2189 : i32 to index
        %get3A_2191 = arith.constant 48 : index
        %get3A_2192 = tpu.vector_load %arg10[%get3A_2190, %get3A_2191] {strides = array<i32>} : memref<104x128xf32, #tpu.memory_space<vmem>>, vector<1x16xf32>,
        %get3A_2193 = vector.shape_cast %get3A_2192 : vector<1x16xf32> to vector<16xf32>
        %add3A_2194 = arith.addf %scan3A_2122, %get3A_2193 : vector<16xf32>
        %add3A_2195 = arith.constant 52 : i32
        %add3A_2196 = arith.addi %add3A_2195, %scan3A_2110 : i32
        %get3A_2197 = arith.index_cast %add3A_2196 : i32 to index
        %get3A_2198 = arith.constant 64 : index
        %get3A_2199 = tpu.vector_load %arg10[%get3A_2197, %get3A_2198] {strides = array<i32>} : memref<104x128xf32, #tpu.memory_space<vmem>>, vector<1x16xf32>,
        %get3A_2200 = vector.shape_cast %get3A_2199 : vector<1x16xf32> to vector<16xf32>
        %add3A_2201 = arith.addf %scan3A_2123, %get3A_2200 : vector<16xf32>
        %add3A_2202 = arith.constant 52 : i32
        %add3A_2203 = arith.addi %add3A_2202, %scan3A_2110 : i32
        %get3A_2204 = arith.index_cast %add3A_2203 : i32 to index
        %get3A_2205 = arith.constant 80 : index
        %get3A_2206 = tpu.vector_load %arg10[%get3A_2204, %get3A_2205] {strides = array<i32>} : memref<104x128xf32, #tpu.memory_space<vmem>>, vector<1x16xf32>,
        %get3A_2207 = vector.shape_cast %get3A_2206 : vector<1x16xf32> to vector<16xf32>
        %add3A_2208 = arith.addf %scan3A_2124, %get3A_2207 : vector<16xf32>
        %add3A_2209 = arith.constant 52 : i32
        %add3A_2210 = arith.addi %add3A_2209, %scan3A_2110 : i32
        %get3A_2211 = arith.index_cast %add3A_2210 : i32 to index
        %get3A_2212 = arith.constant 96 : index
        %get3A_2213 = tpu.vector_load %arg10[%get3A_2211, %get3A_2212] {strides = array<i32>} : memref<104x128xf32, #tpu.memory_space<vmem>>, vector<1x16xf32>,
        %get3A_2214 = vector.shape_cast %get3A_2213 : vector<1x16xf32> to vector<16xf32>
        %add3A_2215 = arith.addf %scan3A_2125, %get3A_2214 : vector<16xf32>
        %add3A_2216 = arith.constant 52 : i32
        %add3A_2217 = arith.addi %add3A_2216, %scan3A_2110 : i32
        %get3A_2218 = arith.index_cast %add3A_2217 : i32 to index
        %get3A_2219 = arith.constant 112 : index
        %get3A_2220 = tpu.vector_load %arg10[%get3A_2218, %get3A_2219] {strides = array<i32>} : memref<104x128xf32, #tpu.memory_space<vmem>>, vector<1x16xf32>,
        %get3A_2221 = vector.shape_cast %get3A_2220 : vector<1x16xf32> to vector<16xf32>
        %add3A_2222 = arith.addf %scan3A_2126, %get3A_2221 : vector<16xf32>
        scf.yield %add3A_2131, %add3A_2136, %add3A_2141, %add3A_2146, %add3A_2151, %add3A_2156, %add3A_2161, %add3A_2166, %add3A_2173, %add3A_2180, %add3A_2187, %add3A_2194, %add3A_2201, %add3A_2208, %add3A_2215, %add3A_2222 : vector<16xf32>, vector<16xf32>, vector<16xf32>, vector<16xf32>, vector<16xf32>, vector<16xf32>, vector<16xf32>, vector<16xf32>, vector<16xf32>, vector<16xf32>, vector<16xf32>, vector<16xf32>, vector<16xf32>, vector<16xf32>, vector<16xf32>, vector<16xf32>
      }
      %scan3A_1287 = arith.constant 52 : i32
      %convert_element_type3A_1288 = arith.sitofp %sub3A_1278 : vector<16xi32> to vector<16xf32>
      %convert_element_type3A_1289 = arith.sitofp %sub3A_1281 : vector<16xi32> to vector<16xf32>
      %convert_element_type3A_1290 = arith.sitofp %add3A_1211 : vector<16xi32> to vector<16xf32>
      %max3A_1291 = arith.constant 1.000000e+00 : f32
      %max3A_1292 = vector.broadcast %max3A_1291 : f32 to vector<16xf32>
      %max3A_1293 = arith.maximumf %convert_element_type3A_1290, %max3A_1292 : vector<16xf32>
      %convert_element_type3A_1294 = arith.sitofp %add3A_1275 : vector<16xi32> to vector<16xf32>
      %max3A_1295 = arith.constant 1.000000e+00 : f32
      %max3A_1296 = vector.broadcast %max3A_1295 : f32 to vector<16xf32>
      %max3A_1297 = arith.maximumf %convert_element_type3A_1294, %max3A_1296 : vector<16xf32>
      %mul3A_1298 = arith.mulf %convert_element_type3A_1288, %get3A_4 : vector<16xf32>
      %sub3A_1299 = arith.subf %scan3A_1286#0, %mul3A_1298 : vector<16xf32>
      %div3A_1300 = arith.divf %sub3A_1299, %max3A_1293 : vector<16xf32>
      %mul3A_1301 = arith.mulf %convert_element_type3A_1289, %get3A_4 : vector<16xf32>
      %sub3A_1302 = arith.subf %scan3A_1286#8, %mul3A_1301 : vector<16xf32>
      %div3A_1303 = arith.divf %sub3A_1302, %max3A_1297 : vector<16xf32>
      %sub3A_1304 = arith.subf %div3A_1303, %div3A_1300 : vector<16xf32>
      %get3A_1305 = arith.constant 52 : i32
      %get3A_1306 = arith.index_cast %get3A_1305 : i32 to index
      %get3A_1307 = arith.constant 0 : index
      %get3A_1308 = tpu.vector_load %arg10[%get3A_1306, %get3A_1307] {strides = array<i32>} : memref<104x128xf32, #tpu.memory_space<vmem>>, vector<1x16xf32>,
      %get3A_1309 = vector.shape_cast %get3A_1308 : vector<1x16xf32> to vector<16xf32>
      %get3A_1310 = arith.constant 0 : i32
      %get3A_1311 = arith.index_cast %get3A_1310 : i32 to index
      %get3A_1312 = arith.constant 0 : index
      %get3A_1313 = tpu.vector_load %arg10[%get3A_1311, %get3A_1312] {strides = array<i32>} : memref<104x128xf32, #tpu.memory_space<vmem>>, vector<1x16xf32>,
      %get3A_1314 = vector.shape_cast %get3A_1313 : vector<1x16xf32> to vector<16xf32>
      %sub3A_1315 = arith.subf %get3A_1309, %get3A_1314 : vector<16xf32>
      %mul3A_1316 = arith.constant 1.000000e-01 : f32
      %mul3A_1317 = vector.broadcast %mul3A_1316 : f32 to vector<16xf32>
      %mul3A_1318 = arith.mulf %mul3A_1317, %sub3A_1315 : vector<16xf32>
      %add3A_1319 = arith.addf %sub3A_1304, %mul3A_1318 : vector<16xf32>
      %swap3A_1320 = arith.index_cast %add3A_1091 : i32 to index
      %swap3A_1321 = arith.constant 0 : index
      %swap3A_1322 = tpu.vector_load %arg13[%swap3A_1320, %swap3A_1321] {strides = array<i32>} : memref<128x128xf32, #tpu.memory_space<vmem>>, vector<1x16xf32>,
      %swap3A_1323 = vector.shape_cast %swap3A_1322 : vector<1x16xf32> to vector<16xf32>
      %swap3A_1324 = vector.shape_cast %add3A_1319 : vector<16xf32> to vector<1x16xf32>
      tpu.vector_store %arg13[%swap3A_1320, %swap3A_1321], %swap3A_1324 {strides = array<i32>} : memref<128x128xf32, #tpu.memory_space<vmem>>, vector<1x16xf32>,
      %swap3A_1325 = arith.index_cast %add3A_1091 : i32 to index
      %swap3A_1326 = arith.constant 0 : index
      %swap3A_1327 = tpu.vector_load %arg14[%swap3A_1325, %swap3A_1326] {strides = array<i32>} : memref<128x128xf32, #tpu.memory_space<vmem>>, vector<1x16xf32>,
      %swap3A_1328 = vector.shape_cast %swap3A_1327 : vector<1x16xf32> to vector<16xf32>
      %swap3A_1329 = vector.shape_cast %div3A_1300 : vector<16xf32> to vector<1x16xf32>
      tpu.vector_store %arg14[%swap3A_1325, %swap3A_1326], %swap3A_1329 {strides = array<i32>} : memref<128x128xf32, #tpu.memory_space<vmem>>, vector<1x16xf32>,
      %swap3A_1330 = arith.index_cast %add3A_1091 : i32 to index
      %swap3A_1331 = arith.constant 0 : index
      %swap3A_1332 = tpu.vector_load %arg15[%swap3A_1330, %swap3A_1331] {strides = array<i32>} : memref<128x128xf32, #tpu.memory_space<vmem>>, vector<1x16xf32>,
      %swap3A_1333 = vector.shape_cast %swap3A_1332 : vector<1x16xf32> to vector<16xf32>
      %swap3A_1334 = vector.shape_cast %div3A_1303 : vector<16xf32> to vector<1x16xf32>
      tpu.vector_store %arg15[%swap3A_1330, %swap3A_1331], %swap3A_1334 {strides = array<i32>} : memref<128x128xf32, #tpu.memory_space<vmem>>, vector<1x16xf32>,
      %mul3A_1335 = arith.mulf %convert_element_type3A_1288, %get3A_7 : vector<16xf32>
      %sub3A_1336 = arith.subf %scan3A_1286#1, %mul3A_1335 : vector<16xf32>
      %div3A_1337 = arith.divf %sub3A_1336, %max3A_1293 : vector<16xf32>
      %mul3A_1338 = arith.mulf %convert_element_type3A_1289, %get3A_7 : vector<16xf32>
      %sub3A_1339 = arith.subf %scan3A_1286#9, %mul3A_1338 : vector<16xf32>
      %div3A_1340 = arith.divf %sub3A_1339, %max3A_1297 : vector<16xf32>
      %sub3A_1341 = arith.subf %div3A_1340, %div3A_1337 : vector<16xf32>
      %get3A_1342 = arith.constant 52 : i32
      %get3A_1343 = arith.index_cast %get3A_1342 : i32 to index
      %get3A_1344 = arith.constant 16 : index
      %get3A_1345 = tpu.vector_load %arg10[%get3A_1343, %get3A_1344] {strides = array<i32>} : memref<104x128xf32, #tpu.memory_space<vmem>>, vector<1x16xf32>,
      %get3A_1346 = vector.shape_cast %get3A_1345 : vector<1x16xf32> to vector<16xf32>
      %get3A_1347 = arith.constant 0 : i32
      %get3A_1348 = arith.index_cast %get3A_1347 : i32 to index
      %get3A_1349 = arith.constant 16 : index
      %get3A_1350 = tpu.vector_load %arg10[%get3A_1348, %get3A_1349] {strides = array<i32>} : memref<104x128xf32, #tpu.memory_space<vmem>>, vector<1x16xf32>,
      %get3A_1351 = vector.shape_cast %get3A_1350 : vector<1x16xf32> to vector<16xf32>
      %sub3A_1352 = arith.subf %get3A_1346, %get3A_1351 : vector<16xf32>
      %mul3A_1353 = arith.constant 1.000000e-01 : f32
      %mul3A_1354 = vector.broadcast %mul3A_1353 : f32 to vector<16xf32>
      %mul3A_1355 = arith.mulf %mul3A_1354, %sub3A_1352 : vector<16xf32>
      %add3A_1356 = arith.addf %sub3A_1341, %mul3A_1355 : vector<16xf32>
      %swap3A_1357 = arith.index_cast %add3A_1091 : i32 to index
      %swap3A_1358 = arith.constant 16 : index
      %swap3A_1359 = tpu.vector_load %arg13[%swap3A_1357, %swap3A_1358] {strides = array<i32>} : memref<128x128xf32, #tpu.memory_space<vmem>>, vector<1x16xf32>,
      %swap3A_1360 = vector.shape_cast %swap3A_1359 : vector<1x16xf32> to vector<16xf32>
      %swap3A_1361 = vector.shape_cast %add3A_1356 : vector<16xf32> to vector<1x16xf32>
      tpu.vector_store %arg13[%swap3A_1357, %swap3A_1358], %swap3A_1361 {strides = array<i32>} : memref<128x128xf32, #tpu.memory_space<vmem>>, vector<1x16xf32>,
      %swap3A_1362 = arith.index_cast %add3A_1091 : i32 to index
      %swap3A_1363 = arith.constant 16 : index
      %swap3A_1364 = tpu.vector_load %arg14[%swap3A_1362, %swap3A_1363] {strides = array<i32>} : memref<128x128xf32, #tpu.memory_space<vmem>>, vector<1x16xf32>,
      %swap3A_1365 = vector.shape_cast %swap3A_1364 : vector<1x16xf32> to vector<16xf32>
      %swap3A_1366 = vector.shape_cast %div3A_1337 : vector<16xf32> to vector<1x16xf32>
      tpu.vector_store %arg14[%swap3A_1362, %swap3A_1363], %swap3A_1366 {strides = array<i32>} : memref<128x128xf32, #tpu.memory_space<vmem>>, vector<1x16xf32>,
      %swap3A_1367 = arith.index_cast %add3A_1091 : i32 to index
      %swap3A_1368 = arith.constant 16 : index
      %swap3A_1369 = tpu.vector_load %arg15[%swap3A_1367, %swap3A_1368] {strides = array<i32>} : memref<128x128xf32, #tpu.memory_space<vmem>>, vector<1x16xf32>,
      %swap3A_1370 = vector.shape_cast %swap3A_1369 : vector<1x16xf32> to vector<16xf32>
      %swap3A_1371 = vector.shape_cast %div3A_1340 : vector<16xf32> to vector<1x16xf32>
      tpu.vector_store %arg15[%swap3A_1367, %swap3A_1368], %swap3A_1371 {strides = array<i32>} : memref<128x128xf32, #tpu.memory_space<vmem>>, vector<1x16xf32>,
      %mul3A_1372 = arith.mulf %convert_element_type3A_1288, %get3A_10 : vector<16xf32>
      %sub3A_1373 = arith.subf %scan3A_1286#2, %mul3A_1372 : vector<16xf32>
      %div3A_1374 = arith.divf %sub3A_1373, %max3A_1293 : vector<16xf32>
      %mul3A_1375 = arith.mulf %convert_element_type3A_1289, %get3A_10 : vector<16xf32>
      %sub3A_1376 = arith.subf %scan3A_1286#10, %mul3A_1375 : vector<16xf32>
      %div3A_1377 = arith.divf %sub3A_1376, %max3A_1297 : vector<16xf32>
      %sub3A_1378 = arith.subf %div3A_1377, %div3A_1374 : vector<16xf32>
      %get3A_1379 = arith.constant 52 : i32
      %get3A_1380 = arith.index_cast %get3A_1379 : i32 to index
      %get3A_1381 = arith.constant 32 : index
      %get3A_1382 = tpu.vector_load %arg10[%get3A_1380, %get3A_1381] {strides = array<i32>} : memref<104x128xf32, #tpu.memory_space<vmem>>, vector<1x16xf32>,
      %get3A_1383 = vector.shape_cast %get3A_1382 : vector<1x16xf32> to vector<16xf32>
      %get3A_1384 = arith.constant 0 : i32
      %get3A_1385 = arith.index_cast %get3A_1384 : i32 to index
      %get3A_1386 = arith.constant 32 : index
      %get3A_1387 = tpu.vector_load %arg10[%get3A_1385, %get3A_1386] {strides = array<i32>} : memref<104x128xf32, #tpu.memory_space<vmem>>, vector<1x16xf32>,
      %get3A_1388 = vector.shape_cast %get3A_1387 : vector<1x16xf32> to vector<16xf32>
      %sub3A_1389 = arith.subf %get3A_1383, %get3A_1388 : vector<16xf32>
      %mul3A_1390 = arith.constant 1.000000e-01 : f32
      %mul3A_1391 = vector.broadcast %mul3A_1390 : f32 to vector<16xf32>
      %mul3A_1392 = arith.mulf %mul3A_1391, %sub3A_1389 : vector<16xf32>
      %add3A_1393 = arith.addf %sub3A_1378, %mul3A_1392 : vector<16xf32>
      %swap3A_1394 = arith.index_cast %add3A_1091 : i32 to index
      %swap3A_1395 = arith.constant 32 : index
      %swap3A_1396 = tpu.vector_load %arg13[%swap3A_1394, %swap3A_1395] {strides = array<i32>} : memref<128x128xf32, #tpu.memory_space<vmem>>, vector<1x16xf32>,
      %swap3A_1397 = vector.shape_cast %swap3A_1396 : vector<1x16xf32> to vector<16xf32>
      %swap3A_1398 = vector.shape_cast %add3A_1393 : vector<16xf32> to vector<1x16xf32>
      tpu.vector_store %arg13[%swap3A_1394, %swap3A_1395], %swap3A_1398 {strides = array<i32>} : memref<128x128xf32, #tpu.memory_space<vmem>>, vector<1x16xf32>,
      %swap3A_1399 = arith.index_cast %add3A_1091 : i32 to index
      %swap3A_1400 = arith.constant 32 : index
      %swap3A_1401 = tpu.vector_load %arg14[%swap3A_1399, %swap3A_1400] {strides = array<i32>} : memref<128x128xf32, #tpu.memory_space<vmem>>, vector<1x16xf32>,
      %swap3A_1402 = vector.shape_cast %swap3A_1401 : vector<1x16xf32> to vector<16xf32>
      %swap3A_1403 = vector.shape_cast %div3A_1374 : vector<16xf32> to vector<1x16xf32>
      tpu.vector_store %arg14[%swap3A_1399, %swap3A_1400], %swap3A_1403 {strides = array<i32>} : memref<128x128xf32, #tpu.memory_space<vmem>>, vector<1x16xf32>,
      %swap3A_1404 = arith.index_cast %add3A_1091 : i32 to index
      %swap3A_1405 = arith.constant 32 : index
      %swap3A_1406 = tpu.vector_load %arg15[%swap3A_1404, %swap3A_1405] {strides = array<i32>} : memref<128x128xf32, #tpu.memory_space<vmem>>, vector<1x16xf32>,
      %swap3A_1407 = vector.shape_cast %swap3A_1406 : vector<1x16xf32> to vector<16xf32>
      %swap3A_1408 = vector.shape_cast %div3A_1377 : vector<16xf32> to vector<1x16xf32>
      tpu.vector_store %arg15[%swap3A_1404, %swap3A_1405], %swap3A_1408 {strides = array<i32>} : memref<128x128xf32, #tpu.memory_space<vmem>>, vector<1x16xf32>,
      %mul3A_1409 = arith.mulf %convert_element_type3A_1288, %get3A_13 : vector<16xf32>
      %sub3A_1410 = arith.subf %scan3A_1286#3, %mul3A_1409 : vector<16xf32>
      %div3A_1411 = arith.divf %sub3A_1410, %max3A_1293 : vector<16xf32>
      %mul3A_1412 = arith.mulf %convert_element_type3A_1289, %get3A_13 : vector<16xf32>
      %sub3A_1413 = arith.subf %scan3A_1286#11, %mul3A_1412 : vector<16xf32>
      %div3A_1414 = arith.divf %sub3A_1413, %max3A_1297 : vector<16xf32>
      %sub3A_1415 = arith.subf %div3A_1414, %div3A_1411 : vector<16xf32>
      %get3A_1416 = arith.constant 52 : i32
      %get3A_1417 = arith.index_cast %get3A_1416 : i32 to index
      %get3A_1418 = arith.constant 48 : index
      %get3A_1419 = tpu.vector_load %arg10[%get3A_1417, %get3A_1418] {strides = array<i32>} : memref<104x128xf32, #tpu.memory_space<vmem>>, vector<1x16xf32>,
      %get3A_1420 = vector.shape_cast %get3A_1419 : vector<1x16xf32> to vector<16xf32>
      %get3A_1421 = arith.constant 0 : i32
      %get3A_1422 = arith.index_cast %get3A_1421 : i32 to index
      %get3A_1423 = arith.constant 48 : index
      %get3A_1424 = tpu.vector_load %arg10[%get3A_1422, %get3A_1423] {strides = array<i32>} : memref<104x128xf32, #tpu.memory_space<vmem>>, vector<1x16xf32>,
      %get3A_1425 = vector.shape_cast %get3A_1424 : vector<1x16xf32> to vector<16xf32>
      %sub3A_1426 = arith.subf %get3A_1420, %get3A_1425 : vector<16xf32>
      %mul3A_1427 = arith.constant 1.000000e-01 : f32
      %mul3A_1428 = vector.broadcast %mul3A_1427 : f32 to vector<16xf32>
      %mul3A_1429 = arith.mulf %mul3A_1428, %sub3A_1426 : vector<16xf32>
      %add3A_1430 = arith.addf %sub3A_1415, %mul3A_1429 : vector<16xf32>
      %swap3A_1431 = arith.index_cast %add3A_1091 : i32 to index
      %swap3A_1432 = arith.constant 48 : index
      %swap3A_1433 = tpu.vector_load %arg13[%swap3A_1431, %swap3A_1432] {strides = array<i32>} : memref<128x128xf32, #tpu.memory_space<vmem>>, vector<1x16xf32>,
      %swap3A_1434 = vector.shape_cast %swap3A_1433 : vector<1x16xf32> to vector<16xf32>
      %swap3A_1435 = vector.shape_cast %add3A_1430 : vector<16xf32> to vector<1x16xf32>
      tpu.vector_store %arg13[%swap3A_1431, %swap3A_1432], %swap3A_1435 {strides = array<i32>} : memref<128x128xf32, #tpu.memory_space<vmem>>, vector<1x16xf32>,
      %swap3A_1436 = arith.index_cast %add3A_1091 : i32 to index
      %swap3A_1437 = arith.constant 48 : index
      %swap3A_1438 = tpu.vector_load %arg14[%swap3A_1436, %swap3A_1437] {strides = array<i32>} : memref<128x128xf32, #tpu.memory_space<vmem>>, vector<1x16xf32>,
      %swap3A_1439 = vector.shape_cast %swap3A_1438 : vector<1x16xf32> to vector<16xf32>
      %swap3A_1440 = vector.shape_cast %div3A_1411 : vector<16xf32> to vector<1x16xf32>
      tpu.vector_store %arg14[%swap3A_1436, %swap3A_1437], %swap3A_1440 {strides = array<i32>} : memref<128x128xf32, #tpu.memory_space<vmem>>, vector<1x16xf32>,
      %swap3A_1441 = arith.index_cast %add3A_1091 : i32 to index
      %swap3A_1442 = arith.constant 48 : index
      %swap3A_1443 = tpu.vector_load %arg15[%swap3A_1441, %swap3A_1442] {strides = array<i32>} : memref<128x128xf32, #tpu.memory_space<vmem>>, vector<1x16xf32>,
      %swap3A_1444 = vector.shape_cast %swap3A_1443 : vector<1x16xf32> to vector<16xf32>
      %swap3A_1445 = vector.shape_cast %div3A_1414 : vector<16xf32> to vector<1x16xf32>
      tpu.vector_store %arg15[%swap3A_1441, %swap3A_1442], %swap3A_1445 {strides = array<i32>} : memref<128x128xf32, #tpu.memory_space<vmem>>, vector<1x16xf32>,
      %mul3A_1446 = arith.mulf %convert_element_type3A_1288, %get3A_16 : vector<16xf32>
      %sub3A_1447 = arith.subf %scan3A_1286#4, %mul3A_1446 : vector<16xf32>
      %div3A_1448 = arith.divf %sub3A_1447, %max3A_1293 : vector<16xf32>
      %mul3A_1449 = arith.mulf %convert_element_type3A_1289, %get3A_16 : vector<16xf32>
      %sub3A_1450 = arith.subf %scan3A_1286#12, %mul3A_1449 : vector<16xf32>
      %div3A_1451 = arith.divf %sub3A_1450, %max3A_1297 : vector<16xf32>
      %sub3A_1452 = arith.subf %div3A_1451, %div3A_1448 : vector<16xf32>
      %get3A_1453 = arith.constant 52 : i32
      %get3A_1454 = arith.index_cast %get3A_1453 : i32 to index
      %get3A_1455 = arith.constant 64 : index
      %get3A_1456 = tpu.vector_load %arg10[%get3A_1454, %get3A_1455] {strides = array<i32>} : memref<104x128xf32, #tpu.memory_space<vmem>>, vector<1x16xf32>,
      %get3A_1457 = vector.shape_cast %get3A_1456 : vector<1x16xf32> to vector<16xf32>
      %get3A_1458 = arith.constant 0 : i32
      %get3A_1459 = arith.index_cast %get3A_1458 : i32 to index
      %get3A_1460 = arith.constant 64 : index
      %get3A_1461 = tpu.vector_load %arg10[%get3A_1459, %get3A_1460] {strides = array<i32>} : memref<104x128xf32, #tpu.memory_space<vmem>>, vector<1x16xf32>,
      %get3A_1462 = vector.shape_cast %get3A_1461 : vector<1x16xf32> to vector<16xf32>
      %sub3A_1463 = arith.subf %get3A_1457, %get3A_1462 : vector<16xf32>
      %mul3A_1464 = arith.constant 1.000000e-01 : f32
      %mul3A_1465 = vector.broadcast %mul3A_1464 : f32 to vector<16xf32>
      %mul3A_1466 = arith.mulf %mul3A_1465, %sub3A_1463 : vector<16xf32>
      %add3A_1467 = arith.addf %sub3A_1452, %mul3A_1466 : vector<16xf32>
      %swap3A_1468 = arith.index_cast %add3A_1091 : i32 to index
      %swap3A_1469 = arith.constant 64 : index
      %swap3A_1470 = tpu.vector_load %arg13[%swap3A_1468, %swap3A_1469] {strides = array<i32>} : memref<128x128xf32, #tpu.memory_space<vmem>>, vector<1x16xf32>,
      %swap3A_1471 = vector.shape_cast %swap3A_1470 : vector<1x16xf32> to vector<16xf32>
      %swap3A_1472 = vector.shape_cast %add3A_1467 : vector<16xf32> to vector<1x16xf32>
      tpu.vector_store %arg13[%swap3A_1468, %swap3A_1469], %swap3A_1472 {strides = array<i32>} : memref<128x128xf32, #tpu.memory_space<vmem>>, vector<1x16xf32>,
      %swap3A_1473 = arith.index_cast %add3A_1091 : i32 to index
      %swap3A_1474 = arith.constant 64 : index
      %swap3A_1475 = tpu.vector_load %arg14[%swap3A_1473, %swap3A_1474] {strides = array<i32>} : memref<128x128xf32, #tpu.memory_space<vmem>>, vector<1x16xf32>,
      %swap3A_1476 = vector.shape_cast %swap3A_1475 : vector<1x16xf32> to vector<16xf32>
      %swap3A_1477 = vector.shape_cast %div3A_1448 : vector<16xf32> to vector<1x16xf32>
      tpu.vector_store %arg14[%swap3A_1473, %swap3A_1474], %swap3A_1477 {strides = array<i32>} : memref<128x128xf32, #tpu.memory_space<vmem>>, vector<1x16xf32>,
      %swap3A_1478 = arith.index_cast %add3A_1091 : i32 to index
      %swap3A_1479 = arith.constant 64 : index
      %swap3A_1480 = tpu.vector_load %arg15[%swap3A_1478, %swap3A_1479] {strides = array<i32>} : memref<128x128xf32, #tpu.memory_space<vmem>>, vector<1x16xf32>,
      %swap3A_1481 = vector.shape_cast %swap3A_1480 : vector<1x16xf32> to vector<16xf32>
      %swap3A_1482 = vector.shape_cast %div3A_1451 : vector<16xf32> to vector<1x16xf32>
      tpu.vector_store %arg15[%swap3A_1478, %swap3A_1479], %swap3A_1482 {strides = array<i32>} : memref<128x128xf32, #tpu.memory_space<vmem>>, vector<1x16xf32>,
      %mul3A_1483 = arith.mulf %convert_element_type3A_1288, %get3A_19 : vector<16xf32>
      %sub3A_1484 = arith.subf %scan3A_1286#5, %mul3A_1483 : vector<16xf32>
      %div3A_1485 = arith.divf %sub3A_1484, %max3A_1293 : vector<16xf32>
      %mul3A_1486 = arith.mulf %convert_element_type3A_1289, %get3A_19 : vector<16xf32>
      %sub3A_1487 = arith.subf %scan3A_1286#13, %mul3A_1486 : vector<16xf32>
      %div3A_1488 = arith.divf %sub3A_1487, %max3A_1297 : vector<16xf32>
      %sub3A_1489 = arith.subf %div3A_1488, %div3A_1485 : vector<16xf32>
      %get3A_1490 = arith.constant 52 : i32
      %get3A_1491 = arith.index_cast %get3A_1490 : i32 to index
      %get3A_1492 = arith.constant 80 : index
      %get3A_1493 = tpu.vector_load %arg10[%get3A_1491, %get3A_1492] {strides = array<i32>} : memref<104x128xf32, #tpu.memory_space<vmem>>, vector<1x16xf32>,
      %get3A_1494 = vector.shape_cast %get3A_1493 : vector<1x16xf32> to vector<16xf32>
      %get3A_1495 = arith.constant 0 : i32
      %get3A_1496 = arith.index_cast %get3A_1495 : i32 to index
      %get3A_1497 = arith.constant 80 : index
      %get3A_1498 = tpu.vector_load %arg10[%get3A_1496, %get3A_1497] {strides = array<i32>} : memref<104x128xf32, #tpu.memory_space<vmem>>, vector<1x16xf32>,
      %get3A_1499 = vector.shape_cast %get3A_1498 : vector<1x16xf32> to vector<16xf32>
      %sub3A_1500 = arith.subf %get3A_1494, %get3A_1499 : vector<16xf32>
      %mul3A_1501 = arith.constant 1.000000e-01 : f32
      %mul3A_1502 = vector.broadcast %mul3A_1501 : f32 to vector<16xf32>
      %mul3A_1503 = arith.mulf %mul3A_1502, %sub3A_1500 : vector<16xf32>
      %add3A_1504 = arith.addf %sub3A_1489, %mul3A_1503 : vector<16xf32>
      %swap3A_1505 = arith.index_cast %add3A_1091 : i32 to index
      %swap3A_1506 = arith.constant 80 : index
      %swap3A_1507 = tpu.vector_load %arg13[%swap3A_1505, %swap3A_1506] {strides = array<i32>} : memref<128x128xf32, #tpu.memory_space<vmem>>, vector<1x16xf32>,
      %swap3A_1508 = vector.shape_cast %swap3A_1507 : vector<1x16xf32> to vector<16xf32>
      %swap3A_1509 = vector.shape_cast %add3A_1504 : vector<16xf32> to vector<1x16xf32>
      tpu.vector_store %arg13[%swap3A_1505, %swap3A_1506], %swap3A_1509 {strides = array<i32>} : memref<128x128xf32, #tpu.memory_space<vmem>>, vector<1x16xf32>,
      %swap3A_1510 = arith.index_cast %add3A_1091 : i32 to index
      %swap3A_1511 = arith.constant 80 : index
      %swap3A_1512 = tpu.vector_load %arg14[%swap3A_1510, %swap3A_1511] {strides = array<i32>} : memref<128x128xf32, #tpu.memory_space<vmem>>, vector<1x16xf32>,
      %swap3A_1513 = vector.shape_cast %swap3A_1512 : vector<1x16xf32> to vector<16xf32>
      %swap3A_1514 = vector.shape_cast %div3A_1485 : vector<16xf32> to vector<1x16xf32>
      tpu.vector_store %arg14[%swap3A_1510, %swap3A_1511], %swap3A_1514 {strides = array<i32>} : memref<128x128xf32, #tpu.memory_space<vmem>>, vector<1x16xf32>,
      %swap3A_1515 = arith.index_cast %add3A_1091 : i32 to index
      %swap3A_1516 = arith.constant 80 : index
      %swap3A_1517 = tpu.vector_load %arg15[%swap3A_1515, %swap3A_1516] {strides = array<i32>} : memref<128x128xf32, #tpu.memory_space<vmem>>, vector<1x16xf32>,
      %swap3A_1518 = vector.shape_cast %swap3A_1517 : vector<1x16xf32> to vector<16xf32>
      %swap3A_1519 = vector.shape_cast %div3A_1488 : vector<16xf32> to vector<1x16xf32>
      tpu.vector_store %arg15[%swap3A_1515, %swap3A_1516], %swap3A_1519 {strides = array<i32>} : memref<128x128xf32, #tpu.memory_space<vmem>>, vector<1x16xf32>,
      %mul3A_1520 = arith.mulf %convert_element_type3A_1288, %get3A_22 : vector<16xf32>
      %sub3A_1521 = arith.subf %scan3A_1286#6, %mul3A_1520 : vector<16xf32>
      %div3A_1522 = arith.divf %sub3A_1521, %max3A_1293 : vector<16xf32>
      %mul3A_1523 = arith.mulf %convert_element_type3A_1289, %get3A_22 : vector<16xf32>
      %sub3A_1524 = arith.subf %scan3A_1286#14, %mul3A_1523 : vector<16xf32>
      %div3A_1525 = arith.divf %sub3A_1524, %max3A_1297 : vector<16xf32>
      %sub3A_1526 = arith.subf %div3A_1525, %div3A_1522 : vector<16xf32>
      %get3A_1527 = arith.constant 52 : i32
      %get3A_1528 = arith.index_cast %get3A_1527 : i32 to index
      %get3A_1529 = arith.constant 96 : index
      %get3A_1530 = tpu.vector_load %arg10[%get3A_1528, %get3A_1529] {strides = array<i32>} : memref<104x128xf32, #tpu.memory_space<vmem>>, vector<1x16xf32>,
      %get3A_1531 = vector.shape_cast %get3A_1530 : vector<1x16xf32> to vector<16xf32>
      %get3A_1532 = arith.constant 0 : i32
      %get3A_1533 = arith.index_cast %get3A_1532 : i32 to index
      %get3A_1534 = arith.constant 96 : index
      %get3A_1535 = tpu.vector_load %arg10[%get3A_1533, %get3A_1534] {strides = array<i32>} : memref<104x128xf32, #tpu.memory_space<vmem>>, vector<1x16xf32>,
      %get3A_1536 = vector.shape_cast %get3A_1535 : vector<1x16xf32> to vector<16xf32>
      %sub3A_1537 = arith.subf %get3A_1531, %get3A_1536 : vector<16xf32>
      %mul3A_1538 = arith.constant 1.000000e-01 : f32
      %mul3A_1539 = vector.broadcast %mul3A_1538 : f32 to vector<16xf32>
      %mul3A_1540 = arith.mulf %mul3A_1539, %sub3A_1537 : vector<16xf32>
      %add3A_1541 = arith.addf %sub3A_1526, %mul3A_1540 : vector<16xf32>
      %swap3A_1542 = arith.index_cast %add3A_1091 : i32 to index
      %swap3A_1543 = arith.constant 96 : index
      %swap3A_1544 = tpu.vector_load %arg13[%swap3A_1542, %swap3A_1543] {strides = array<i32>} : memref<128x128xf32, #tpu.memory_space<vmem>>, vector<1x16xf32>,
      %swap3A_1545 = vector.shape_cast %swap3A_1544 : vector<1x16xf32> to vector<16xf32>
      %swap3A_1546 = vector.shape_cast %add3A_1541 : vector<16xf32> to vector<1x16xf32>
      tpu.vector_store %arg13[%swap3A_1542, %swap3A_1543], %swap3A_1546 {strides = array<i32>} : memref<128x128xf32, #tpu.memory_space<vmem>>, vector<1x16xf32>,
      %swap3A_1547 = arith.index_cast %add3A_1091 : i32 to index
      %swap3A_1548 = arith.constant 96 : index
      %swap3A_1549 = tpu.vector_load %arg14[%swap3A_1547, %swap3A_1548] {strides = array<i32>} : memref<128x128xf32, #tpu.memory_space<vmem>>, vector<1x16xf32>,
      %swap3A_1550 = vector.shape_cast %swap3A_1549 : vector<1x16xf32> to vector<16xf32>
      %swap3A_1551 = vector.shape_cast %div3A_1522 : vector<16xf32> to vector<1x16xf32>
      tpu.vector_store %arg14[%swap3A_1547, %swap3A_1548], %swap3A_1551 {strides = array<i32>} : memref<128x128xf32, #tpu.memory_space<vmem>>, vector<1x16xf32>,
      %swap3A_1552 = arith.index_cast %add3A_1091 : i32 to index
      %swap3A_1553 = arith.constant 96 : index
      %swap3A_1554 = tpu.vector_load %arg15[%swap3A_1552, %swap3A_1553] {strides = array<i32>} : memref<128x128xf32, #tpu.memory_space<vmem>>, vector<1x16xf32>,
      %swap3A_1555 = vector.shape_cast %swap3A_1554 : vector<1x16xf32> to vector<16xf32>
      %swap3A_1556 = vector.shape_cast %div3A_1525 : vector<16xf32> to vector<1x16xf32>
      tpu.vector_store %arg15[%swap3A_1552, %swap3A_1553], %swap3A_1556 {strides = array<i32>} : memref<128x128xf32, #tpu.memory_space<vmem>>, vector<1x16xf32>,
      %mul3A_1557 = arith.mulf %convert_element_type3A_1288, %get3A_25 : vector<16xf32>
      %sub3A_1558 = arith.subf %scan3A_1286#7, %mul3A_1557 : vector<16xf32>
      %div3A_1559 = arith.divf %sub3A_1558, %max3A_1293 : vector<16xf32>
      %mul3A_1560 = arith.mulf %convert_element_type3A_1289, %get3A_25 : vector<16xf32>
      %sub3A_1561 = arith.subf %scan3A_1286#15, %mul3A_1560 : vector<16xf32>
      %div3A_1562 = arith.divf %sub3A_1561, %max3A_1297 : vector<16xf32>
      %sub3A_1563 = arith.subf %div3A_1562, %div3A_1559 : vector<16xf32>
      %get3A_1564 = arith.constant 52 : i32
      %get3A_1565 = arith.index_cast %get3A_1564 : i32 to index
      %get3A_1566 = arith.constant 112 : index
      %get3A_1567 = tpu.vector_load %arg10[%get3A_1565, %get3A_1566] {strides = array<i32>} : memref<104x128xf32, #tpu.memory_space<vmem>>, vector<1x16xf32>,
      %get3A_1568 = vector.shape_cast %get3A_1567 : vector<1x16xf32> to vector<16xf32>
      %get3A_1569 = arith.constant 0 : i32
      %get3A_1570 = arith.index_cast %get3A_1569 : i32 to index
      %get3A_1571 = arith.constant 112 : index
      %get3A_1572 = tpu.vector_load %arg10[%get3A_1570, %get3A_1571] {strides = array<i32>} : memref<104x128xf32, #tpu.memory_space<vmem>>, vector<1x16xf32>,
      %get3A_1573 = vector.shape_cast %get3A_1572 : vector<1x16xf32> to vector<16xf32>
      %sub3A_1574 = arith.subf %get3A_1568, %get3A_1573 : vector<16xf32>
      %mul3A_1575 = arith.constant 1.000000e-01 : f32
      %mul3A_1576 = vector.broadcast %mul3A_1575 : f32 to vector<16xf32>
      %mul3A_1577 = arith.mulf %mul3A_1576, %sub3A_1574 : vector<16xf32>
      %add3A_1578 = arith.addf %sub3A_1563, %mul3A_1577 : vector<16xf32>
      %swap3A_1579 = arith.index_cast %add3A_1091 : i32 to index
      %swap3A_1580 = arith.constant 112 : index
      %swap3A_1581 = tpu.vector_load %arg13[%swap3A_1579, %swap3A_1580] {strides = array<i32>} : memref<128x128xf32, #tpu.memory_space<vmem>>, vector<1x16xf32>,
      %swap3A_1582 = vector.shape_cast %swap3A_1581 : vector<1x16xf32> to vector<16xf32>
      %swap3A_1583 = vector.shape_cast %add3A_1578 : vector<16xf32> to vector<1x16xf32>
      tpu.vector_store %arg13[%swap3A_1579, %swap3A_1580], %swap3A_1583 {strides = array<i32>} : memref<128x128xf32, #tpu.memory_space<vmem>>, vector<1x16xf32>,
      %swap3A_1584 = arith.index_cast %add3A_1091 : i32 to index
      %swap3A_1585 = arith.constant 112 : index
      %swap3A_1586 = tpu.vector_load %arg14[%swap3A_1584, %swap3A_1585] {strides = array<i32>} : memref<128x128xf32, #tpu.memory_space<vmem>>, vector<1x16xf32>,
      %swap3A_1587 = vector.shape_cast %swap3A_1586 : vector<1x16xf32> to vector<16xf32>
      %swap3A_1588 = vector.shape_cast %div3A_1559 : vector<16xf32> to vector<1x16xf32>
      tpu.vector_store %arg14[%swap3A_1584, %swap3A_1585], %swap3A_1588 {strides = array<i32>} : memref<128x128xf32, #tpu.memory_space<vmem>>, vector<1x16xf32>,
      %swap3A_1589 = arith.index_cast %add3A_1091 : i32 to index
      %swap3A_1590 = arith.constant 112 : index
      %swap3A_1591 = tpu.vector_load %arg15[%swap3A_1589, %swap3A_1590] {strides = array<i32>} : memref<128x128xf32, #tpu.memory_space<vmem>>, vector<1x16xf32>,
      %swap3A_1592 = vector.shape_cast %swap3A_1591 : vector<1x16xf32> to vector<16xf32>
      %swap3A_1593 = vector.shape_cast %div3A_1562 : vector<16xf32> to vector<1x16xf32>
      tpu.vector_store %arg15[%swap3A_1589, %swap3A_1590], %swap3A_1593 {strides = array<i32>} : memref<128x128xf32, #tpu.memory_space<vmem>>, vector<1x16xf32>,
      %lt3A_1594 = arith.constant 31 : i32
      %lt3A_1595 = arith.cmpi slt, %scan3A_74, %lt3A_1594 : i32
      %convert_element_type3A_1596 = arith.extui %lt3A_1595 : i1 to i32
      %cond3A_1597 = arith.constant 0 : i32
      %cond3A_1598 = arith.cmpi ne, %convert_element_type3A_1596, %cond3A_1597 : i32
      scf.if %cond3A_1598 {
        %add3A_2110 = arith.constant 4 : i32
        %add3A_2111 = arith.addi %add3A_1091, %add3A_2110 : i32
        %dma_start3A_2112 = arith.constant 0 : i32
        %dma_start3A_2113 = tpu.memref_slice %arg7[%add3A_2111, %dma_start3A_2112] : memref<128x104xi32, #tpu.memory_space<vmem>> -> memref<1x104xi32, #tpu.memory_space<vmem>>
        %dma_start3A_2114 = tpu.memref_squeeze %dma_start3A_2113 : memref<1x104xi32, #tpu.memory_space<vmem>> -> memref<104xi32, #tpu.memory_space<vmem>>
        %dma_start3A_2115 = arith.constant 0 : i32
        %dma_start3A_2116 = arith.constant 0 : i32
        %dma_start3A_2117 = tpu.memref_slice %arg3[%dma_start3A_2115, %dma_start3A_2116] : memref<100000x128xf32, #tpu.memory_space<hbm>> -> memref<100000x128xf32, #tpu.memory_space<hbm>>
        tpu.enqueue_indirect_dma source(%dma_start3A_2117 : memref<100000x128xf32, #tpu.memory_space<hbm>>) target(%arg10 : memref<104x128xf32, #tpu.memory_space<vmem>>) offsets(%dma_start3A_2114 : memref<104xi32, #tpu.memory_space<vmem>>) semaphore(%arg18 : memref<!tpu.dma_semaphore, #tpu.memory_space<semaphore_mem>>)
      } else {
      }
      %mul3A_1599 = arith.constant 4 : i32
      %mul3A_1600 = arith.muli %mul3A_1599, %scan3A_74 : i32
      %add3A_1601 = arith.constant 3 : i32
      %add3A_1602 = arith.addi %mul3A_1600, %add3A_1601 : i32
      %dma_wait3A_1603 = arith.constant 0 : i32
      %dma_wait3A_1604 = tpu.memref_slice %arg7[%add3A_1602, %dma_wait3A_1603] : memref<128x104xi32, #tpu.memory_space<vmem>> -> memref<1x104xi32, #tpu.memory_space<vmem>>
      %dma_wait3A_1605 = tpu.memref_squeeze %dma_wait3A_1604 : memref<1x104xi32, #tpu.memory_space<vmem>> -> memref<104xi32, #tpu.memory_space<vmem>>
      %dma_wait3A_1606 = arith.constant 0 : i32
      %dma_wait3A_1607 = arith.constant 0 : i32
      %dma_wait3A_1608 = tpu.memref_slice %arg3[%dma_wait3A_1606, %dma_wait3A_1607] : memref<100000x128xf32, #tpu.memory_space<hbm>> -> memref<100000x128xf32, #tpu.memory_space<hbm>>
      tpu.wait_indirect_dma semaphore(%arg19 : memref<!tpu.dma_semaphore, #tpu.memory_space<semaphore_mem>>) src(%dma_wait3A_1608 : memref<100000x128xf32, #tpu.memory_space<hbm>>) dst(%arg11 : memref<104x128xf32, #tpu.memory_space<vmem>>)
      %get3A_1609 = arith.index_cast %add3A_1602 : i32 to index
      %get3A_1610 = arith.constant 0 : index
      %get3A_1611 = tpu.vector_load %arg7[%get3A_1609, %get3A_1610] {strides = array<i32>} : memref<128x104xi32, #tpu.memory_space<vmem>>, vector<1x16xi32>,
      %get3A_1612 = vector.shape_cast %get3A_1611 : vector<1x16xi32> to vector<16xi32>
      %min3A_1613 = arith.constant 1 : i32
      %min3A_1614 = vector.broadcast %min3A_1613 : i32 to vector<16xi32>
      %min3A_1615 = arith.minsi %get3A_1612, %min3A_1614 : vector<16xi32>
      %get3A_1616 = arith.index_cast %add3A_1602 : i32 to index
      %get3A_1617 = arith.constant 16 : index
      %get3A_1618 = tpu.vector_load %arg7[%get3A_1616, %get3A_1617] {strides = array<i32>} : memref<128x104xi32, #tpu.memory_space<vmem>>, vector<1x16xi32>,
      %get3A_1619 = vector.shape_cast %get3A_1618 : vector<1x16xi32> to vector<16xi32>
      %min3A_1620 = arith.constant 1 : i32
      %min3A_1621 = vector.broadcast %min3A_1620 : i32 to vector<16xi32>
      %min3A_1622 = arith.minsi %get3A_1619, %min3A_1621 : vector<16xi32>
      %get3A_1623 = arith.index_cast %add3A_1602 : i32 to index
      %get3A_1624 = arith.constant 32 : index
      %get3A_1625 = tpu.vector_load %arg7[%get3A_1623, %get3A_1624] {strides = array<i32>} : memref<128x104xi32, #tpu.memory_space<vmem>>, vector<1x16xi32>,
      %get3A_1626 = vector.shape_cast %get3A_1625 : vector<1x16xi32> to vector<16xi32>
      %min3A_1627 = arith.constant 1 : i32
      %min3A_1628 = vector.broadcast %min3A_1627 : i32 to vector<16xi32>
      %min3A_1629 = arith.minsi %get3A_1626, %min3A_1628 : vector<16xi32>
      %get3A_1630 = arith.index_cast %add3A_1602 : i32 to index
      %get3A_1631 = arith.constant 48 : index
      %get3A_1632 = tpu.vector_load %arg7[%get3A_1630, %get3A_1631] {strides = array<i32>} : memref<128x104xi32, #tpu.memory_space<vmem>>, vector<1x16xi32>,
      %get3A_1633 = vector.shape_cast %get3A_1632 : vector<1x16xi32> to vector<16xi32>
      %min3A_1634 = arith.constant 1 : i32
      %min3A_1635 = vector.broadcast %min3A_1634 : i32 to vector<16xi32>
      %min3A_1636 = arith.minsi %get3A_1633, %min3A_1635 : vector<16xi32>
      %get3A_1637 = arith.index_cast %add3A_1602 : i32 to index
      %get3A_1638 = arith.constant 64 : index
      %get3A_1639 = tpu.vector_load %arg7[%get3A_1637, %get3A_1638] {strides = array<i32>} : memref<128x104xi32, #tpu.memory_space<vmem>>, vector<1x16xi32>,
      %get3A_1640 = vector.shape_cast %get3A_1639 : vector<1x16xi32> to vector<16xi32>
      %min3A_1641 = arith.constant 1 : i32
      %min3A_1642 = vector.broadcast %min3A_1641 : i32 to vector<16xi32>
      %min3A_1643 = arith.minsi %get3A_1640, %min3A_1642 : vector<16xi32>
      %get3A_1644 = arith.index_cast %add3A_1602 : i32 to index
      %get3A_1645 = arith.constant 80 : index
      %get3A_1646 = tpu.vector_load %arg7[%get3A_1644, %get3A_1645] {strides = array<i32>} : memref<128x104xi32, #tpu.memory_space<vmem>>, vector<1x16xi32>,
      %get3A_1647 = vector.shape_cast %get3A_1646 : vector<1x16xi32> to vector<16xi32>
      %min3A_1648 = arith.constant 1 : i32
      %min3A_1649 = vector.broadcast %min3A_1648 : i32 to vector<16xi32>
      %min3A_1650 = arith.minsi %get3A_1647, %min3A_1649 : vector<16xi32>
      %get3A_1651 = arith.index_cast %add3A_1602 : i32 to index
      %get3A_1652 = arith.constant 88 : index
      %get3A_1653 = tpu.vector_load %arg7[%get3A_1651, %get3A_1652] {strides = array<i32>} : memref<128x104xi32, #tpu.memory_space<vmem>>, vector<1x16xi32>,
      %get3A_1654 = vector.shape_cast %get3A_1653 : vector<1x16xi32> to vector<16xi32>
      %min3A_1655 = arith.constant 1 : i32
      %min3A_1656 = vector.broadcast %min3A_1655 : i32 to vector<16xi32>
      %min3A_1657 = arith.minsi %get3A_1654, %min3A_1656 : vector<16xi32>
      %mul3A_1658 = arith.muli %min3A_1657, %min3A_40 : vector<16xi32>
      %mul3A_1659 = arith.muli %min3A_1636, %min3A_31 : vector<16xi32>
      %add3A_1660 = arith.addi %min3A_1615, %min3A_1622 : vector<16xi32>
      %add3A_1661 = arith.addi %add3A_1660, %min3A_1629 : vector<16xi32>
      %add3A_1662 = arith.addi %add3A_1661, %mul3A_1659 : vector<16xi32>
      %iota3A_1663 = tpu.iota {dimensions = array<i32: 0>} : vector<16xi32>
      %xor3A_1664 = arith.constant 8 : i32
      %xor3A_1665 = vector.broadcast %xor3A_1664 : i32 to vector<16xi32>
      %xor3A_1666 = arith.xori %iota3A_1663, %xor3A_1665 : vector<16xi32>
      %lt3A_1667 = arith.constant 0 : i32
      %lt3A_1668 = vector.broadcast %lt3A_1667 : i32 to vector<16xi32>
      %lt3A_1669 = arith.cmpi slt, %xor3A_1666, %lt3A_1668 : vector<16xi32>
      %add3A_1670 = arith.constant 16 : i32
      %add3A_1671 = vector.broadcast %add3A_1670 : i32 to vector<16xi32>
      %add3A_1672 = arith.addi %xor3A_1666, %add3A_1671 : vector<16xi32>
      %select_n3A_1673 = arith.select %lt3A_1669, %add3A_1672, %xor3A_1666 : vector<16xi1>, vector<16xi32>
      %broadcast_in_dim3A_1674 = vector.shape_cast %select_n3A_1673 : vector<16xi32> to vector<16x1xi32>
      %gather3A_1675 = vector.shape_cast %broadcast_in_dim3A_1674 : vector<16x1xi32> to vector<16xi32>
      %gather3A_1676 = tpu.dynamic_gather %add3A_1662[%gather3A_1675] in [0] : vector<16xi32>, vector<16xi32> -> vector<16xi32>
      %add3A_1677 = arith.addi %add3A_1662, %gather3A_1676 : vector<16xi32>
      %iota3A_1678 = tpu.iota {dimensions = array<i32: 0>} : vector<16xi32>
      %xor3A_1679 = arith.constant 4 : i32
      %xor3A_1680 = vector.broadcast %xor3A_1679 : i32 to vector<16xi32>
      %xor3A_1681 = arith.xori %iota3A_1678, %xor3A_1680 : vector<16xi32>
      %lt3A_1682 = arith.constant 0 : i32
      %lt3A_1683 = vector.broadcast %lt3A_1682 : i32 to vector<16xi32>
      %lt3A_1684 = arith.cmpi slt, %xor3A_1681, %lt3A_1683 : vector<16xi32>
      %add3A_1685 = arith.constant 16 : i32
      %add3A_1686 = vector.broadcast %add3A_1685 : i32 to vector<16xi32>
      %add3A_1687 = arith.addi %xor3A_1681, %add3A_1686 : vector<16xi32>
      %select_n3A_1688 = arith.select %lt3A_1684, %add3A_1687, %xor3A_1681 : vector<16xi1>, vector<16xi32>
      %broadcast_in_dim3A_1689 = vector.shape_cast %select_n3A_1688 : vector<16xi32> to vector<16x1xi32>
      %gather3A_1690 = vector.shape_cast %broadcast_in_dim3A_1689 : vector<16x1xi32> to vector<16xi32>
      %gather3A_1691 = tpu.dynamic_gather %add3A_1677[%gather3A_1690] in [0] : vector<16xi32>, vector<16xi32> -> vector<16xi32>
      %add3A_1692 = arith.addi %add3A_1677, %gather3A_1691 : vector<16xi32>
      %iota3A_1693 = tpu.iota {dimensions = array<i32: 0>} : vector<16xi32>
      %xor3A_1694 = arith.constant 2 : i32
      %xor3A_1695 = vector.broadcast %xor3A_1694 : i32 to vector<16xi32>
      %xor3A_1696 = arith.xori %iota3A_1693, %xor3A_1695 : vector<16xi32>
      %lt3A_1697 = arith.constant 0 : i32
      %lt3A_1698 = vector.broadcast %lt3A_1697 : i32 to vector<16xi32>
      %lt3A_1699 = arith.cmpi slt, %xor3A_1696, %lt3A_1698 : vector<16xi32>
      %add3A_1700 = arith.constant 16 : i32
      %add3A_1701 = vector.broadcast %add3A_1700 : i32 to vector<16xi32>
      %add3A_1702 = arith.addi %xor3A_1696, %add3A_1701 : vector<16xi32>
      %select_n3A_1703 = arith.select %lt3A_1699, %add3A_1702, %xor3A_1696 : vector<16xi1>, vector<16xi32>
      %broadcast_in_dim3A_1704 = vector.shape_cast %select_n3A_1703 : vector<16xi32> to vector<16x1xi32>
      %gather3A_1705 = vector.shape_cast %broadcast_in_dim3A_1704 : vector<16x1xi32> to vector<16xi32>
      %gather3A_1706 = tpu.dynamic_gather %add3A_1692[%gather3A_1705] in [0] : vector<16xi32>, vector<16xi32> -> vector<16xi32>
      %add3A_1707 = arith.addi %add3A_1692, %gather3A_1706 : vector<16xi32>
      %iota3A_1708 = tpu.iota {dimensions = array<i32: 0>} : vector<16xi32>
      %xor3A_1709 = arith.constant 1 : i32
      %xor3A_1710 = vector.broadcast %xor3A_1709 : i32 to vector<16xi32>
      %xor3A_1711 = arith.xori %iota3A_1708, %xor3A_1710 : vector<16xi32>
      %lt3A_1712 = arith.constant 0 : i32
      %lt3A_1713 = vector.broadcast %lt3A_1712 : i32 to vector<16xi32>
      %lt3A_1714 = arith.cmpi slt, %xor3A_1711, %lt3A_1713 : vector<16xi32>
      %add3A_1715 = arith.constant 16 : i32
      %add3A_1716 = vector.broadcast %add3A_1715 : i32 to vector<16xi32>
      %add3A_1717 = arith.addi %xor3A_1711, %add3A_1716 : vector<16xi32>
      %select_n3A_1718 = arith.select %lt3A_1714, %add3A_1717, %xor3A_1711 : vector<16xi1>, vector<16xi32>
      %broadcast_in_dim3A_1719 = vector.shape_cast %select_n3A_1718 : vector<16xi32> to vector<16x1xi32>
      %gather3A_1720 = vector.shape_cast %broadcast_in_dim3A_1719 : vector<16x1xi32> to vector<16xi32>
      %gather3A_1721 = tpu.dynamic_gather %add3A_1707[%gather3A_1720] in [0] : vector<16xi32>, vector<16xi32> -> vector<16xi32>
      %add3A_1722 = arith.addi %add3A_1707, %gather3A_1721 : vector<16xi32>
      %sub3A_1723 = arith.subi %min3A_1636, %mul3A_1659 : vector<16xi32>
      %add3A_1724 = arith.addi %sub3A_1723, %min3A_1643 : vector<16xi32>
      %add3A_1725 = arith.addi %add3A_1724, %min3A_1650 : vector<16xi32>
      %add3A_1726 = arith.addi %add3A_1725, %mul3A_1658 : vector<16xi32>
      %iota3A_1727 = tpu.iota {dimensions = array<i32: 0>} : vector<16xi32>
      %xor3A_1728 = arith.constant 8 : i32
      %xor3A_1729 = vector.broadcast %xor3A_1728 : i32 to vector<16xi32>
      %xor3A_1730 = arith.xori %iota3A_1727, %xor3A_1729 : vector<16xi32>
      %lt3A_1731 = arith.constant 0 : i32
      %lt3A_1732 = vector.broadcast %lt3A_1731 : i32 to vector<16xi32>
      %lt3A_1733 = arith.cmpi slt, %xor3A_1730, %lt3A_1732 : vector<16xi32>
      %add3A_1734 = arith.constant 16 : i32
      %add3A_1735 = vector.broadcast %add3A_1734 : i32 to vector<16xi32>
      %add3A_1736 = arith.addi %xor3A_1730, %add3A_1735 : vector<16xi32>
      %select_n3A_1737 = arith.select %lt3A_1733, %add3A_1736, %xor3A_1730 : vector<16xi1>, vector<16xi32>
      %broadcast_in_dim3A_1738 = vector.shape_cast %select_n3A_1737 : vector<16xi32> to vector<16x1xi32>
      %gather3A_1739 = vector.shape_cast %broadcast_in_dim3A_1738 : vector<16x1xi32> to vector<16xi32>
      %gather3A_1740 = tpu.dynamic_gather %add3A_1726[%gather3A_1739] in [0] : vector<16xi32>, vector<16xi32> -> vector<16xi32>
      %add3A_1741 = arith.addi %add3A_1726, %gather3A_1740 : vector<16xi32>
      %iota3A_1742 = tpu.iota {dimensions = array<i32: 0>} : vector<16xi32>
      %xor3A_1743 = arith.constant 4 : i32
      %xor3A_1744 = vector.broadcast %xor3A_1743 : i32 to vector<16xi32>
      %xor3A_1745 = arith.xori %iota3A_1742, %xor3A_1744 : vector<16xi32>
      %lt3A_1746 = arith.constant 0 : i32
      %lt3A_1747 = vector.broadcast %lt3A_1746 : i32 to vector<16xi32>
      %lt3A_1748 = arith.cmpi slt, %xor3A_1745, %lt3A_1747 : vector<16xi32>
      %add3A_1749 = arith.constant 16 : i32
      %add3A_1750 = vector.broadcast %add3A_1749 : i32 to vector<16xi32>
      %add3A_1751 = arith.addi %xor3A_1745, %add3A_1750 : vector<16xi32>
      %select_n3A_1752 = arith.select %lt3A_1748, %add3A_1751, %xor3A_1745 : vector<16xi1>, vector<16xi32>
      %broadcast_in_dim3A_1753 = vector.shape_cast %select_n3A_1752 : vector<16xi32> to vector<16x1xi32>
      %gather3A_1754 = vector.shape_cast %broadcast_in_dim3A_1753 : vector<16x1xi32> to vector<16xi32>
      %gather3A_1755 = tpu.dynamic_gather %add3A_1741[%gather3A_1754] in [0] : vector<16xi32>, vector<16xi32> -> vector<16xi32>
      %add3A_1756 = arith.addi %add3A_1741, %gather3A_1755 : vector<16xi32>
      %iota3A_1757 = tpu.iota {dimensions = array<i32: 0>} : vector<16xi32>
      %xor3A_1758 = arith.constant 2 : i32
      %xor3A_1759 = vector.broadcast %xor3A_1758 : i32 to vector<16xi32>
      %xor3A_1760 = arith.xori %iota3A_1757, %xor3A_1759 : vector<16xi32>
      %lt3A_1761 = arith.constant 0 : i32
      %lt3A_1762 = vector.broadcast %lt3A_1761 : i32 to vector<16xi32>
      %lt3A_1763 = arith.cmpi slt, %xor3A_1760, %lt3A_1762 : vector<16xi32>
      %add3A_1764 = arith.constant 16 : i32
      %add3A_1765 = vector.broadcast %add3A_1764 : i32 to vector<16xi32>
      %add3A_1766 = arith.addi %xor3A_1760, %add3A_1765 : vector<16xi32>
      %select_n3A_1767 = arith.select %lt3A_1763, %add3A_1766, %xor3A_1760 : vector<16xi1>, vector<16xi32>
      %broadcast_in_dim3A_1768 = vector.shape_cast %select_n3A_1767 : vector<16xi32> to vector<16x1xi32>
      %gather3A_1769 = vector.shape_cast %broadcast_in_dim3A_1768 : vector<16x1xi32> to vector<16xi32>
      %gather3A_1770 = tpu.dynamic_gather %add3A_1756[%gather3A_1769] in [0] : vector<16xi32>, vector<16xi32> -> vector<16xi32>
      %add3A_1771 = arith.addi %add3A_1756, %gather3A_1770 : vector<16xi32>
      %iota3A_1772 = tpu.iota {dimensions = array<i32: 0>} : vector<16xi32>
      %xor3A_1773 = arith.constant 1 : i32
      %xor3A_1774 = vector.broadcast %xor3A_1773 : i32 to vector<16xi32>
      %xor3A_1775 = arith.xori %iota3A_1772, %xor3A_1774 : vector<16xi32>
      %lt3A_1776 = arith.constant 0 : i32
      %lt3A_1777 = vector.broadcast %lt3A_1776 : i32 to vector<16xi32>
      %lt3A_1778 = arith.cmpi slt, %xor3A_1775, %lt3A_1777 : vector<16xi32>
      %add3A_1779 = arith.constant 16 : i32
      %add3A_1780 = vector.broadcast %add3A_1779 : i32 to vector<16xi32>
      %add3A_1781 = arith.addi %xor3A_1775, %add3A_1780 : vector<16xi32>
      %select_n3A_1782 = arith.select %lt3A_1778, %add3A_1781, %xor3A_1775 : vector<16xi1>, vector<16xi32>
      %broadcast_in_dim3A_1783 = vector.shape_cast %select_n3A_1782 : vector<16xi32> to vector<16x1xi32>
      %gather3A_1784 = vector.shape_cast %broadcast_in_dim3A_1783 : vector<16x1xi32> to vector<16xi32>
      %gather3A_1785 = tpu.dynamic_gather %add3A_1771[%gather3A_1784] in [0] : vector<16xi32>, vector<16xi32> -> vector<16xi32>
      %add3A_1786 = arith.addi %add3A_1771, %gather3A_1785 : vector<16xi32>
      %sub3A_1787 = arith.constant 52 : i32
      %sub3A_1788 = vector.broadcast %sub3A_1787 : i32 to vector<16xi32>
      %sub3A_1789 = arith.subi %sub3A_1788, %add3A_1722 : vector<16xi32>
      %sub3A_1790 = arith.constant 52 : i32
      %sub3A_1791 = vector.broadcast %sub3A_1790 : i32 to vector<16xi32>
      %sub3A_1792 = arith.subi %sub3A_1791, %add3A_1786 : vector<16xi32>
      %scan3A_1793 = arith.constant 0 : i32
      %scan3A_1794 = arith.constant 52 : i32
      %scan3A_1795 = arith.addi %scan3A_1793, %scan3A_1794 : i32
      %scan3A_1796 = arith.constant 1 : i32
      %scan3A_1797:16 = scf.for %scan3A_2110 = %scan3A_1793 to %scan3A_1795 step %scan3A_1796 iter_args(%scan3A_2111 = %broadcast_in_dim3A_41, %scan3A_2112 = %broadcast_in_dim3A_41, %scan3A_2113 = %broadcast_in_dim3A_41, %scan3A_2114 = %broadcast_in_dim3A_41, %scan3A_2115 = %broadcast_in_dim3A_41, %scan3A_2116 = %broadcast_in_dim3A_41, %scan3A_2117 = %broadcast_in_dim3A_41, %scan3A_2118 = %broadcast_in_dim3A_41, %scan3A_2119 = %broadcast_in_dim3A_41, %scan3A_2120 = %broadcast_in_dim3A_41, %scan3A_2121 = %broadcast_in_dim3A_41, %scan3A_2122 = %broadcast_in_dim3A_41, %scan3A_2123 = %broadcast_in_dim3A_41, %scan3A_2124 = %broadcast_in_dim3A_41, %scan3A_2125 = %broadcast_in_dim3A_41, %scan3A_2126 = %broadcast_in_dim3A_41) -> (vector<16xf32>, vector<16xf32>, vector<16xf32>, vector<16xf32>, vector<16xf32>, vector<16xf32>, vector<16xf32>, vector<16xf32>, vector<16xf32>, vector<16xf32>, vector<16xf32>, vector<16xf32>, vector<16xf32>, vector<16xf32>, vector<16xf32>, vector<16xf32>)  : i32 {
        %get3A_2127 = arith.index_cast %scan3A_2110 : i32 to index
        %get3A_2128 = arith.constant 0 : index
        %get3A_2129 = tpu.vector_load %arg11[%get3A_2127, %get3A_2128] {strides = array<i32>} : memref<104x128xf32, #tpu.memory_space<vmem>>, vector<1x16xf32>,
        %get3A_2130 = vector.shape_cast %get3A_2129 : vector<1x16xf32> to vector<16xf32>
        %add3A_2131 = arith.addf %scan3A_2111, %get3A_2130 : vector<16xf32>
        %get3A_2132 = arith.index_cast %scan3A_2110 : i32 to index
        %get3A_2133 = arith.constant 16 : index
        %get3A_2134 = tpu.vector_load %arg11[%get3A_2132, %get3A_2133] {strides = array<i32>} : memref<104x128xf32, #tpu.memory_space<vmem>>, vector<1x16xf32>,
        %get3A_2135 = vector.shape_cast %get3A_2134 : vector<1x16xf32> to vector<16xf32>
        %add3A_2136 = arith.addf %scan3A_2112, %get3A_2135 : vector<16xf32>
        %get3A_2137 = arith.index_cast %scan3A_2110 : i32 to index
        %get3A_2138 = arith.constant 32 : index
        %get3A_2139 = tpu.vector_load %arg11[%get3A_2137, %get3A_2138] {strides = array<i32>} : memref<104x128xf32, #tpu.memory_space<vmem>>, vector<1x16xf32>,
        %get3A_2140 = vector.shape_cast %get3A_2139 : vector<1x16xf32> to vector<16xf32>
        %add3A_2141 = arith.addf %scan3A_2113, %get3A_2140 : vector<16xf32>
        %get3A_2142 = arith.index_cast %scan3A_2110 : i32 to index
        %get3A_2143 = arith.constant 48 : index
        %get3A_2144 = tpu.vector_load %arg11[%get3A_2142, %get3A_2143] {strides = array<i32>} : memref<104x128xf32, #tpu.memory_space<vmem>>, vector<1x16xf32>,
        %get3A_2145 = vector.shape_cast %get3A_2144 : vector<1x16xf32> to vector<16xf32>
        %add3A_2146 = arith.addf %scan3A_2114, %get3A_2145 : vector<16xf32>
        %get3A_2147 = arith.index_cast %scan3A_2110 : i32 to index
        %get3A_2148 = arith.constant 64 : index
        %get3A_2149 = tpu.vector_load %arg11[%get3A_2147, %get3A_2148] {strides = array<i32>} : memref<104x128xf32, #tpu.memory_space<vmem>>, vector<1x16xf32>,
        %get3A_2150 = vector.shape_cast %get3A_2149 : vector<1x16xf32> to vector<16xf32>
        %add3A_2151 = arith.addf %scan3A_2115, %get3A_2150 : vector<16xf32>
        %get3A_2152 = arith.index_cast %scan3A_2110 : i32 to index
        %get3A_2153 = arith.constant 80 : index
        %get3A_2154 = tpu.vector_load %arg11[%get3A_2152, %get3A_2153] {strides = array<i32>} : memref<104x128xf32, #tpu.memory_space<vmem>>, vector<1x16xf32>,
        %get3A_2155 = vector.shape_cast %get3A_2154 : vector<1x16xf32> to vector<16xf32>
        %add3A_2156 = arith.addf %scan3A_2116, %get3A_2155 : vector<16xf32>
        %get3A_2157 = arith.index_cast %scan3A_2110 : i32 to index
        %get3A_2158 = arith.constant 96 : index
        %get3A_2159 = tpu.vector_load %arg11[%get3A_2157, %get3A_2158] {strides = array<i32>} : memref<104x128xf32, #tpu.memory_space<vmem>>, vector<1x16xf32>,
        %get3A_2160 = vector.shape_cast %get3A_2159 : vector<1x16xf32> to vector<16xf32>
        %add3A_2161 = arith.addf %scan3A_2117, %get3A_2160 : vector<16xf32>
        %get3A_2162 = arith.index_cast %scan3A_2110 : i32 to index
        %get3A_2163 = arith.constant 112 : index
        %get3A_2164 = tpu.vector_load %arg11[%get3A_2162, %get3A_2163] {strides = array<i32>} : memref<104x128xf32, #tpu.memory_space<vmem>>, vector<1x16xf32>,
        %get3A_2165 = vector.shape_cast %get3A_2164 : vector<1x16xf32> to vector<16xf32>
        %add3A_2166 = arith.addf %scan3A_2118, %get3A_2165 : vector<16xf32>
        %add3A_2167 = arith.constant 52 : i32
        %add3A_2168 = arith.addi %add3A_2167, %scan3A_2110 : i32
        %get3A_2169 = arith.index_cast %add3A_2168 : i32 to index
        %get3A_2170 = arith.constant 0 : index
        %get3A_2171 = tpu.vector_load %arg11[%get3A_2169, %get3A_2170] {strides = array<i32>} : memref<104x128xf32, #tpu.memory_space<vmem>>, vector<1x16xf32>,
        %get3A_2172 = vector.shape_cast %get3A_2171 : vector<1x16xf32> to vector<16xf32>
        %add3A_2173 = arith.addf %scan3A_2119, %get3A_2172 : vector<16xf32>
        %add3A_2174 = arith.constant 52 : i32
        %add3A_2175 = arith.addi %add3A_2174, %scan3A_2110 : i32
        %get3A_2176 = arith.index_cast %add3A_2175 : i32 to index
        %get3A_2177 = arith.constant 16 : index
        %get3A_2178 = tpu.vector_load %arg11[%get3A_2176, %get3A_2177] {strides = array<i32>} : memref<104x128xf32, #tpu.memory_space<vmem>>, vector<1x16xf32>,
        %get3A_2179 = vector.shape_cast %get3A_2178 : vector<1x16xf32> to vector<16xf32>
        %add3A_2180 = arith.addf %scan3A_2120, %get3A_2179 : vector<16xf32>
        %add3A_2181 = arith.constant 52 : i32
        %add3A_2182 = arith.addi %add3A_2181, %scan3A_2110 : i32
        %get3A_2183 = arith.index_cast %add3A_2182 : i32 to index
        %get3A_2184 = arith.constant 32 : index
        %get3A_2185 = tpu.vector_load %arg11[%get3A_2183, %get3A_2184] {strides = array<i32>} : memref<104x128xf32, #tpu.memory_space<vmem>>, vector<1x16xf32>,
        %get3A_2186 = vector.shape_cast %get3A_2185 : vector<1x16xf32> to vector<16xf32>
        %add3A_2187 = arith.addf %scan3A_2121, %get3A_2186 : vector<16xf32>
        %add3A_2188 = arith.constant 52 : i32
        %add3A_2189 = arith.addi %add3A_2188, %scan3A_2110 : i32
        %get3A_2190 = arith.index_cast %add3A_2189 : i32 to index
        %get3A_2191 = arith.constant 48 : index
        %get3A_2192 = tpu.vector_load %arg11[%get3A_2190, %get3A_2191] {strides = array<i32>} : memref<104x128xf32, #tpu.memory_space<vmem>>, vector<1x16xf32>,
        %get3A_2193 = vector.shape_cast %get3A_2192 : vector<1x16xf32> to vector<16xf32>
        %add3A_2194 = arith.addf %scan3A_2122, %get3A_2193 : vector<16xf32>
        %add3A_2195 = arith.constant 52 : i32
        %add3A_2196 = arith.addi %add3A_2195, %scan3A_2110 : i32
        %get3A_2197 = arith.index_cast %add3A_2196 : i32 to index
        %get3A_2198 = arith.constant 64 : index
        %get3A_2199 = tpu.vector_load %arg11[%get3A_2197, %get3A_2198] {strides = array<i32>} : memref<104x128xf32, #tpu.memory_space<vmem>>, vector<1x16xf32>,
        %get3A_2200 = vector.shape_cast %get3A_2199 : vector<1x16xf32> to vector<16xf32>
        %add3A_2201 = arith.addf %scan3A_2123, %get3A_2200 : vector<16xf32>
        %add3A_2202 = arith.constant 52 : i32
        %add3A_2203 = arith.addi %add3A_2202, %scan3A_2110 : i32
        %get3A_2204 = arith.index_cast %add3A_2203 : i32 to index
        %get3A_2205 = arith.constant 80 : index
        %get3A_2206 = tpu.vector_load %arg11[%get3A_2204, %get3A_2205] {strides = array<i32>} : memref<104x128xf32, #tpu.memory_space<vmem>>, vector<1x16xf32>,
        %get3A_2207 = vector.shape_cast %get3A_2206 : vector<1x16xf32> to vector<16xf32>
        %add3A_2208 = arith.addf %scan3A_2124, %get3A_2207 : vector<16xf32>
        %add3A_2209 = arith.constant 52 : i32
        %add3A_2210 = arith.addi %add3A_2209, %scan3A_2110 : i32
        %get3A_2211 = arith.index_cast %add3A_2210 : i32 to index
        %get3A_2212 = arith.constant 96 : index
        %get3A_2213 = tpu.vector_load %arg11[%get3A_2211, %get3A_2212] {strides = array<i32>} : memref<104x128xf32, #tpu.memory_space<vmem>>, vector<1x16xf32>,
        %get3A_2214 = vector.shape_cast %get3A_2213 : vector<1x16xf32> to vector<16xf32>
        %add3A_2215 = arith.addf %scan3A_2125, %get3A_2214 : vector<16xf32>
        %add3A_2216 = arith.constant 52 : i32
        %add3A_2217 = arith.addi %add3A_2216, %scan3A_2110 : i32
        %get3A_2218 = arith.index_cast %add3A_2217 : i32 to index
        %get3A_2219 = arith.constant 112 : index
        %get3A_2220 = tpu.vector_load %arg11[%get3A_2218, %get3A_2219] {strides = array<i32>} : memref<104x128xf32, #tpu.memory_space<vmem>>, vector<1x16xf32>,
        %get3A_2221 = vector.shape_cast %get3A_2220 : vector<1x16xf32> to vector<16xf32>
        %add3A_2222 = arith.addf %scan3A_2126, %get3A_2221 : vector<16xf32>
        scf.yield %add3A_2131, %add3A_2136, %add3A_2141, %add3A_2146, %add3A_2151, %add3A_2156, %add3A_2161, %add3A_2166, %add3A_2173, %add3A_2180, %add3A_2187, %add3A_2194, %add3A_2201, %add3A_2208, %add3A_2215, %add3A_2222 : vector<16xf32>, vector<16xf32>, vector<16xf32>, vector<16xf32>, vector<16xf32>, vector<16xf32>, vector<16xf32>, vector<16xf32>, vector<16xf32>, vector<16xf32>, vector<16xf32>, vector<16xf32>, vector<16xf32>, vector<16xf32>, vector<16xf32>, vector<16xf32>
      }
      %scan3A_1798 = arith.constant 52 : i32
      %convert_element_type3A_1799 = arith.sitofp %sub3A_1789 : vector<16xi32> to vector<16xf32>
      %convert_element_type3A_1800 = arith.sitofp %sub3A_1792 : vector<16xi32> to vector<16xf32>
      %convert_element_type3A_1801 = arith.sitofp %add3A_1722 : vector<16xi32> to vector<16xf32>
      %max3A_1802 = arith.constant 1.000000e+00 : f32
      %max3A_1803 = vector.broadcast %max3A_1802 : f32 to vector<16xf32>
      %max3A_1804 = arith.maximumf %convert_element_type3A_1801, %max3A_1803 : vector<16xf32>
      %convert_element_type3A_1805 = arith.sitofp %add3A_1786 : vector<16xi32> to vector<16xf32>
      %max3A_1806 = arith.constant 1.000000e+00 : f32
      %max3A_1807 = vector.broadcast %max3A_1806 : f32 to vector<16xf32>
      %max3A_1808 = arith.maximumf %convert_element_type3A_1805, %max3A_1807 : vector<16xf32>
      %mul3A_1809 = arith.mulf %convert_element_type3A_1799, %get3A_4 : vector<16xf32>
      %sub3A_1810 = arith.subf %scan3A_1797#0, %mul3A_1809 : vector<16xf32>
      %div3A_1811 = arith.divf %sub3A_1810, %max3A_1804 : vector<16xf32>
      %mul3A_1812 = arith.mulf %convert_element_type3A_1800, %get3A_4 : vector<16xf32>
      %sub3A_1813 = arith.subf %scan3A_1797#8, %mul3A_1812 : vector<16xf32>
      %div3A_1814 = arith.divf %sub3A_1813, %max3A_1808 : vector<16xf32>
      %sub3A_1815 = arith.subf %div3A_1814, %div3A_1811 : vector<16xf32>
      %get3A_1816 = arith.constant 52 : i32
      %get3A_1817 = arith.index_cast %get3A_1816 : i32 to index
      %get3A_1818 = arith.constant 0 : index
      %get3A_1819 = tpu.vector_load %arg11[%get3A_1817, %get3A_1818] {strides = array<i32>} : memref<104x128xf32, #tpu.memory_space<vmem>>, vector<1x16xf32>,
      %get3A_1820 = vector.shape_cast %get3A_1819 : vector<1x16xf32> to vector<16xf32>
      %get3A_1821 = arith.constant 0 : i32
      %get3A_1822 = arith.index_cast %get3A_1821 : i32 to index
      %get3A_1823 = arith.constant 0 : index
      %get3A_1824 = tpu.vector_load %arg11[%get3A_1822, %get3A_1823] {strides = array<i32>} : memref<104x128xf32, #tpu.memory_space<vmem>>, vector<1x16xf32>,
      %get3A_1825 = vector.shape_cast %get3A_1824 : vector<1x16xf32> to vector<16xf32>
      %sub3A_1826 = arith.subf %get3A_1820, %get3A_1825 : vector<16xf32>
      %mul3A_1827 = arith.constant 1.000000e-01 : f32
      %mul3A_1828 = vector.broadcast %mul3A_1827 : f32 to vector<16xf32>
      %mul3A_1829 = arith.mulf %mul3A_1828, %sub3A_1826 : vector<16xf32>
      %add3A_1830 = arith.addf %sub3A_1815, %mul3A_1829 : vector<16xf32>
      %swap3A_1831 = arith.index_cast %add3A_1602 : i32 to index
      %swap3A_1832 = arith.constant 0 : index
      %swap3A_1833 = tpu.vector_load %arg13[%swap3A_1831, %swap3A_1832] {strides = array<i32>} : memref<128x128xf32, #tpu.memory_space<vmem>>, vector<1x16xf32>,
      %swap3A_1834 = vector.shape_cast %swap3A_1833 : vector<1x16xf32> to vector<16xf32>
      %swap3A_1835 = vector.shape_cast %add3A_1830 : vector<16xf32> to vector<1x16xf32>
      tpu.vector_store %arg13[%swap3A_1831, %swap3A_1832], %swap3A_1835 {strides = array<i32>} : memref<128x128xf32, #tpu.memory_space<vmem>>, vector<1x16xf32>,
      %swap3A_1836 = arith.index_cast %add3A_1602 : i32 to index
      %swap3A_1837 = arith.constant 0 : index
      %swap3A_1838 = tpu.vector_load %arg14[%swap3A_1836, %swap3A_1837] {strides = array<i32>} : memref<128x128xf32, #tpu.memory_space<vmem>>, vector<1x16xf32>,
      %swap3A_1839 = vector.shape_cast %swap3A_1838 : vector<1x16xf32> to vector<16xf32>
      %swap3A_1840 = vector.shape_cast %div3A_1811 : vector<16xf32> to vector<1x16xf32>
      tpu.vector_store %arg14[%swap3A_1836, %swap3A_1837], %swap3A_1840 {strides = array<i32>} : memref<128x128xf32, #tpu.memory_space<vmem>>, vector<1x16xf32>,
      %swap3A_1841 = arith.index_cast %add3A_1602 : i32 to index
      %swap3A_1842 = arith.constant 0 : index
      %swap3A_1843 = tpu.vector_load %arg15[%swap3A_1841, %swap3A_1842] {strides = array<i32>} : memref<128x128xf32, #tpu.memory_space<vmem>>, vector<1x16xf32>,
      %swap3A_1844 = vector.shape_cast %swap3A_1843 : vector<1x16xf32> to vector<16xf32>
      %swap3A_1845 = vector.shape_cast %div3A_1814 : vector<16xf32> to vector<1x16xf32>
      tpu.vector_store %arg15[%swap3A_1841, %swap3A_1842], %swap3A_1845 {strides = array<i32>} : memref<128x128xf32, #tpu.memory_space<vmem>>, vector<1x16xf32>,
      %mul3A_1846 = arith.mulf %convert_element_type3A_1799, %get3A_7 : vector<16xf32>
      %sub3A_1847 = arith.subf %scan3A_1797#1, %mul3A_1846 : vector<16xf32>
      %div3A_1848 = arith.divf %sub3A_1847, %max3A_1804 : vector<16xf32>
      %mul3A_1849 = arith.mulf %convert_element_type3A_1800, %get3A_7 : vector<16xf32>
      %sub3A_1850 = arith.subf %scan3A_1797#9, %mul3A_1849 : vector<16xf32>
      %div3A_1851 = arith.divf %sub3A_1850, %max3A_1808 : vector<16xf32>
      %sub3A_1852 = arith.subf %div3A_1851, %div3A_1848 : vector<16xf32>
      %get3A_1853 = arith.constant 52 : i32
      %get3A_1854 = arith.index_cast %get3A_1853 : i32 to index
      %get3A_1855 = arith.constant 16 : index
      %get3A_1856 = tpu.vector_load %arg11[%get3A_1854, %get3A_1855] {strides = array<i32>} : memref<104x128xf32, #tpu.memory_space<vmem>>, vector<1x16xf32>,
      %get3A_1857 = vector.shape_cast %get3A_1856 : vector<1x16xf32> to vector<16xf32>
      %get3A_1858 = arith.constant 0 : i32
      %get3A_1859 = arith.index_cast %get3A_1858 : i32 to index
      %get3A_1860 = arith.constant 16 : index
      %get3A_1861 = tpu.vector_load %arg11[%get3A_1859, %get3A_1860] {strides = array<i32>} : memref<104x128xf32, #tpu.memory_space<vmem>>, vector<1x16xf32>,
      %get3A_1862 = vector.shape_cast %get3A_1861 : vector<1x16xf32> to vector<16xf32>
      %sub3A_1863 = arith.subf %get3A_1857, %get3A_1862 : vector<16xf32>
      %mul3A_1864 = arith.constant 1.000000e-01 : f32
      %mul3A_1865 = vector.broadcast %mul3A_1864 : f32 to vector<16xf32>
      %mul3A_1866 = arith.mulf %mul3A_1865, %sub3A_1863 : vector<16xf32>
      %add3A_1867 = arith.addf %sub3A_1852, %mul3A_1866 : vector<16xf32>
      %swap3A_1868 = arith.index_cast %add3A_1602 : i32 to index
      %swap3A_1869 = arith.constant 16 : index
      %swap3A_1870 = tpu.vector_load %arg13[%swap3A_1868, %swap3A_1869] {strides = array<i32>} : memref<128x128xf32, #tpu.memory_space<vmem>>, vector<1x16xf32>,
      %swap3A_1871 = vector.shape_cast %swap3A_1870 : vector<1x16xf32> to vector<16xf32>
      %swap3A_1872 = vector.shape_cast %add3A_1867 : vector<16xf32> to vector<1x16xf32>
      tpu.vector_store %arg13[%swap3A_1868, %swap3A_1869], %swap3A_1872 {strides = array<i32>} : memref<128x128xf32, #tpu.memory_space<vmem>>, vector<1x16xf32>,
      %swap3A_1873 = arith.index_cast %add3A_1602 : i32 to index
      %swap3A_1874 = arith.constant 16 : index
      %swap3A_1875 = tpu.vector_load %arg14[%swap3A_1873, %swap3A_1874] {strides = array<i32>} : memref<128x128xf32, #tpu.memory_space<vmem>>, vector<1x16xf32>,
      %swap3A_1876 = vector.shape_cast %swap3A_1875 : vector<1x16xf32> to vector<16xf32>
      %swap3A_1877 = vector.shape_cast %div3A_1848 : vector<16xf32> to vector<1x16xf32>
      tpu.vector_store %arg14[%swap3A_1873, %swap3A_1874], %swap3A_1877 {strides = array<i32>} : memref<128x128xf32, #tpu.memory_space<vmem>>, vector<1x16xf32>,
      %swap3A_1878 = arith.index_cast %add3A_1602 : i32 to index
      %swap3A_1879 = arith.constant 16 : index
      %swap3A_1880 = tpu.vector_load %arg15[%swap3A_1878, %swap3A_1879] {strides = array<i32>} : memref<128x128xf32, #tpu.memory_space<vmem>>, vector<1x16xf32>,
      %swap3A_1881 = vector.shape_cast %swap3A_1880 : vector<1x16xf32> to vector<16xf32>
      %swap3A_1882 = vector.shape_cast %div3A_1851 : vector<16xf32> to vector<1x16xf32>
      tpu.vector_store %arg15[%swap3A_1878, %swap3A_1879], %swap3A_1882 {strides = array<i32>} : memref<128x128xf32, #tpu.memory_space<vmem>>, vector<1x16xf32>,
      %mul3A_1883 = arith.mulf %convert_element_type3A_1799, %get3A_10 : vector<16xf32>
      %sub3A_1884 = arith.subf %scan3A_1797#2, %mul3A_1883 : vector<16xf32>
      %div3A_1885 = arith.divf %sub3A_1884, %max3A_1804 : vector<16xf32>
      %mul3A_1886 = arith.mulf %convert_element_type3A_1800, %get3A_10 : vector<16xf32>
      %sub3A_1887 = arith.subf %scan3A_1797#10, %mul3A_1886 : vector<16xf32>
      %div3A_1888 = arith.divf %sub3A_1887, %max3A_1808 : vector<16xf32>
      %sub3A_1889 = arith.subf %div3A_1888, %div3A_1885 : vector<16xf32>
      %get3A_1890 = arith.constant 52 : i32
      %get3A_1891 = arith.index_cast %get3A_1890 : i32 to index
      %get3A_1892 = arith.constant 32 : index
      %get3A_1893 = tpu.vector_load %arg11[%get3A_1891, %get3A_1892] {strides = array<i32>} : memref<104x128xf32, #tpu.memory_space<vmem>>, vector<1x16xf32>,
      %get3A_1894 = vector.shape_cast %get3A_1893 : vector<1x16xf32> to vector<16xf32>
      %get3A_1895 = arith.constant 0 : i32
      %get3A_1896 = arith.index_cast %get3A_1895 : i32 to index
      %get3A_1897 = arith.constant 32 : index
      %get3A_1898 = tpu.vector_load %arg11[%get3A_1896, %get3A_1897] {strides = array<i32>} : memref<104x128xf32, #tpu.memory_space<vmem>>, vector<1x16xf32>,
      %get3A_1899 = vector.shape_cast %get3A_1898 : vector<1x16xf32> to vector<16xf32>
      %sub3A_1900 = arith.subf %get3A_1894, %get3A_1899 : vector<16xf32>
      %mul3A_1901 = arith.constant 1.000000e-01 : f32
      %mul3A_1902 = vector.broadcast %mul3A_1901 : f32 to vector<16xf32>
      %mul3A_1903 = arith.mulf %mul3A_1902, %sub3A_1900 : vector<16xf32>
      %add3A_1904 = arith.addf %sub3A_1889, %mul3A_1903 : vector<16xf32>
      %swap3A_1905 = arith.index_cast %add3A_1602 : i32 to index
      %swap3A_1906 = arith.constant 32 : index
      %swap3A_1907 = tpu.vector_load %arg13[%swap3A_1905, %swap3A_1906] {strides = array<i32>} : memref<128x128xf32, #tpu.memory_space<vmem>>, vector<1x16xf32>,
      %swap3A_1908 = vector.shape_cast %swap3A_1907 : vector<1x16xf32> to vector<16xf32>
      %swap3A_1909 = vector.shape_cast %add3A_1904 : vector<16xf32> to vector<1x16xf32>
      tpu.vector_store %arg13[%swap3A_1905, %swap3A_1906], %swap3A_1909 {strides = array<i32>} : memref<128x128xf32, #tpu.memory_space<vmem>>, vector<1x16xf32>,
      %swap3A_1910 = arith.index_cast %add3A_1602 : i32 to index
      %swap3A_1911 = arith.constant 32 : index
      %swap3A_1912 = tpu.vector_load %arg14[%swap3A_1910, %swap3A_1911] {strides = array<i32>} : memref<128x128xf32, #tpu.memory_space<vmem>>, vector<1x16xf32>,
      %swap3A_1913 = vector.shape_cast %swap3A_1912 : vector<1x16xf32> to vector<16xf32>
      %swap3A_1914 = vector.shape_cast %div3A_1885 : vector<16xf32> to vector<1x16xf32>
      tpu.vector_store %arg14[%swap3A_1910, %swap3A_1911], %swap3A_1914 {strides = array<i32>} : memref<128x128xf32, #tpu.memory_space<vmem>>, vector<1x16xf32>,
      %swap3A_1915 = arith.index_cast %add3A_1602 : i32 to index
      %swap3A_1916 = arith.constant 32 : index
      %swap3A_1917 = tpu.vector_load %arg15[%swap3A_1915, %swap3A_1916] {strides = array<i32>} : memref<128x128xf32, #tpu.memory_space<vmem>>, vector<1x16xf32>,
      %swap3A_1918 = vector.shape_cast %swap3A_1917 : vector<1x16xf32> to vector<16xf32>
      %swap3A_1919 = vector.shape_cast %div3A_1888 : vector<16xf32> to vector<1x16xf32>
      tpu.vector_store %arg15[%swap3A_1915, %swap3A_1916], %swap3A_1919 {strides = array<i32>} : memref<128x128xf32, #tpu.memory_space<vmem>>, vector<1x16xf32>,
      %mul3A_1920 = arith.mulf %convert_element_type3A_1799, %get3A_13 : vector<16xf32>
      %sub3A_1921 = arith.subf %scan3A_1797#3, %mul3A_1920 : vector<16xf32>
      %div3A_1922 = arith.divf %sub3A_1921, %max3A_1804 : vector<16xf32>
      %mul3A_1923 = arith.mulf %convert_element_type3A_1800, %get3A_13 : vector<16xf32>
      %sub3A_1924 = arith.subf %scan3A_1797#11, %mul3A_1923 : vector<16xf32>
      %div3A_1925 = arith.divf %sub3A_1924, %max3A_1808 : vector<16xf32>
      %sub3A_1926 = arith.subf %div3A_1925, %div3A_1922 : vector<16xf32>
      %get3A_1927 = arith.constant 52 : i32
      %get3A_1928 = arith.index_cast %get3A_1927 : i32 to index
      %get3A_1929 = arith.constant 48 : index
      %get3A_1930 = tpu.vector_load %arg11[%get3A_1928, %get3A_1929] {strides = array<i32>} : memref<104x128xf32, #tpu.memory_space<vmem>>, vector<1x16xf32>,
      %get3A_1931 = vector.shape_cast %get3A_1930 : vector<1x16xf32> to vector<16xf32>
      %get3A_1932 = arith.constant 0 : i32
      %get3A_1933 = arith.index_cast %get3A_1932 : i32 to index
      %get3A_1934 = arith.constant 48 : index
      %get3A_1935 = tpu.vector_load %arg11[%get3A_1933, %get3A_1934] {strides = array<i32>} : memref<104x128xf32, #tpu.memory_space<vmem>>, vector<1x16xf32>,
      %get3A_1936 = vector.shape_cast %get3A_1935 : vector<1x16xf32> to vector<16xf32>
      %sub3A_1937 = arith.subf %get3A_1931, %get3A_1936 : vector<16xf32>
      %mul3A_1938 = arith.constant 1.000000e-01 : f32
      %mul3A_1939 = vector.broadcast %mul3A_1938 : f32 to vector<16xf32>
      %mul3A_1940 = arith.mulf %mul3A_1939, %sub3A_1937 : vector<16xf32>
      %add3A_1941 = arith.addf %sub3A_1926, %mul3A_1940 : vector<16xf32>
      %swap3A_1942 = arith.index_cast %add3A_1602 : i32 to index
      %swap3A_1943 = arith.constant 48 : index
      %swap3A_1944 = tpu.vector_load %arg13[%swap3A_1942, %swap3A_1943] {strides = array<i32>} : memref<128x128xf32, #tpu.memory_space<vmem>>, vector<1x16xf32>,
      %swap3A_1945 = vector.shape_cast %swap3A_1944 : vector<1x16xf32> to vector<16xf32>
      %swap3A_1946 = vector.shape_cast %add3A_1941 : vector<16xf32> to vector<1x16xf32>
      tpu.vector_store %arg13[%swap3A_1942, %swap3A_1943], %swap3A_1946 {strides = array<i32>} : memref<128x128xf32, #tpu.memory_space<vmem>>, vector<1x16xf32>,
      %swap3A_1947 = arith.index_cast %add3A_1602 : i32 to index
      %swap3A_1948 = arith.constant 48 : index
      %swap3A_1949 = tpu.vector_load %arg14[%swap3A_1947, %swap3A_1948] {strides = array<i32>} : memref<128x128xf32, #tpu.memory_space<vmem>>, vector<1x16xf32>,
      %swap3A_1950 = vector.shape_cast %swap3A_1949 : vector<1x16xf32> to vector<16xf32>
      %swap3A_1951 = vector.shape_cast %div3A_1922 : vector<16xf32> to vector<1x16xf32>
      tpu.vector_store %arg14[%swap3A_1947, %swap3A_1948], %swap3A_1951 {strides = array<i32>} : memref<128x128xf32, #tpu.memory_space<vmem>>, vector<1x16xf32>,
      %swap3A_1952 = arith.index_cast %add3A_1602 : i32 to index
      %swap3A_1953 = arith.constant 48 : index
      %swap3A_1954 = tpu.vector_load %arg15[%swap3A_1952, %swap3A_1953] {strides = array<i32>} : memref<128x128xf32, #tpu.memory_space<vmem>>, vector<1x16xf32>,
      %swap3A_1955 = vector.shape_cast %swap3A_1954 : vector<1x16xf32> to vector<16xf32>
      %swap3A_1956 = vector.shape_cast %div3A_1925 : vector<16xf32> to vector<1x16xf32>
      tpu.vector_store %arg15[%swap3A_1952, %swap3A_1953], %swap3A_1956 {strides = array<i32>} : memref<128x128xf32, #tpu.memory_space<vmem>>, vector<1x16xf32>,
      %mul3A_1957 = arith.mulf %convert_element_type3A_1799, %get3A_16 : vector<16xf32>
      %sub3A_1958 = arith.subf %scan3A_1797#4, %mul3A_1957 : vector<16xf32>
      %div3A_1959 = arith.divf %sub3A_1958, %max3A_1804 : vector<16xf32>
      %mul3A_1960 = arith.mulf %convert_element_type3A_1800, %get3A_16 : vector<16xf32>
      %sub3A_1961 = arith.subf %scan3A_1797#12, %mul3A_1960 : vector<16xf32>
      %div3A_1962 = arith.divf %sub3A_1961, %max3A_1808 : vector<16xf32>
      %sub3A_1963 = arith.subf %div3A_1962, %div3A_1959 : vector<16xf32>
      %get3A_1964 = arith.constant 52 : i32
      %get3A_1965 = arith.index_cast %get3A_1964 : i32 to index
      %get3A_1966 = arith.constant 64 : index
      %get3A_1967 = tpu.vector_load %arg11[%get3A_1965, %get3A_1966] {strides = array<i32>} : memref<104x128xf32, #tpu.memory_space<vmem>>, vector<1x16xf32>,
      %get3A_1968 = vector.shape_cast %get3A_1967 : vector<1x16xf32> to vector<16xf32>
      %get3A_1969 = arith.constant 0 : i32
      %get3A_1970 = arith.index_cast %get3A_1969 : i32 to index
      %get3A_1971 = arith.constant 64 : index
      %get3A_1972 = tpu.vector_load %arg11[%get3A_1970, %get3A_1971] {strides = array<i32>} : memref<104x128xf32, #tpu.memory_space<vmem>>, vector<1x16xf32>,
      %get3A_1973 = vector.shape_cast %get3A_1972 : vector<1x16xf32> to vector<16xf32>
      %sub3A_1974 = arith.subf %get3A_1968, %get3A_1973 : vector<16xf32>
      %mul3A_1975 = arith.constant 1.000000e-01 : f32
      %mul3A_1976 = vector.broadcast %mul3A_1975 : f32 to vector<16xf32>
      %mul3A_1977 = arith.mulf %mul3A_1976, %sub3A_1974 : vector<16xf32>
      %add3A_1978 = arith.addf %sub3A_1963, %mul3A_1977 : vector<16xf32>
      %swap3A_1979 = arith.index_cast %add3A_1602 : i32 to index
      %swap3A_1980 = arith.constant 64 : index
      %swap3A_1981 = tpu.vector_load %arg13[%swap3A_1979, %swap3A_1980] {strides = array<i32>} : memref<128x128xf32, #tpu.memory_space<vmem>>, vector<1x16xf32>,
      %swap3A_1982 = vector.shape_cast %swap3A_1981 : vector<1x16xf32> to vector<16xf32>
      %swap3A_1983 = vector.shape_cast %add3A_1978 : vector<16xf32> to vector<1x16xf32>
      tpu.vector_store %arg13[%swap3A_1979, %swap3A_1980], %swap3A_1983 {strides = array<i32>} : memref<128x128xf32, #tpu.memory_space<vmem>>, vector<1x16xf32>,
      %swap3A_1984 = arith.index_cast %add3A_1602 : i32 to index
      %swap3A_1985 = arith.constant 64 : index
      %swap3A_1986 = tpu.vector_load %arg14[%swap3A_1984, %swap3A_1985] {strides = array<i32>} : memref<128x128xf32, #tpu.memory_space<vmem>>, vector<1x16xf32>,
      %swap3A_1987 = vector.shape_cast %swap3A_1986 : vector<1x16xf32> to vector<16xf32>
      %swap3A_1988 = vector.shape_cast %div3A_1959 : vector<16xf32> to vector<1x16xf32>
      tpu.vector_store %arg14[%swap3A_1984, %swap3A_1985], %swap3A_1988 {strides = array<i32>} : memref<128x128xf32, #tpu.memory_space<vmem>>, vector<1x16xf32>,
      %swap3A_1989 = arith.index_cast %add3A_1602 : i32 to index
      %swap3A_1990 = arith.constant 64 : index
      %swap3A_1991 = tpu.vector_load %arg15[%swap3A_1989, %swap3A_1990] {strides = array<i32>} : memref<128x128xf32, #tpu.memory_space<vmem>>, vector<1x16xf32>,
      %swap3A_1992 = vector.shape_cast %swap3A_1991 : vector<1x16xf32> to vector<16xf32>
      %swap3A_1993 = vector.shape_cast %div3A_1962 : vector<16xf32> to vector<1x16xf32>
      tpu.vector_store %arg15[%swap3A_1989, %swap3A_1990], %swap3A_1993 {strides = array<i32>} : memref<128x128xf32, #tpu.memory_space<vmem>>, vector<1x16xf32>,
      %mul3A_1994 = arith.mulf %convert_element_type3A_1799, %get3A_19 : vector<16xf32>
      %sub3A_1995 = arith.subf %scan3A_1797#5, %mul3A_1994 : vector<16xf32>
      %div3A_1996 = arith.divf %sub3A_1995, %max3A_1804 : vector<16xf32>
      %mul3A_1997 = arith.mulf %convert_element_type3A_1800, %get3A_19 : vector<16xf32>
      %sub3A_1998 = arith.subf %scan3A_1797#13, %mul3A_1997 : vector<16xf32>
      %div3A_1999 = arith.divf %sub3A_1998, %max3A_1808 : vector<16xf32>
      %sub3A_2000 = arith.subf %div3A_1999, %div3A_1996 : vector<16xf32>
      %get3A_2001 = arith.constant 52 : i32
      %get3A_2002 = arith.index_cast %get3A_2001 : i32 to index
      %get3A_2003 = arith.constant 80 : index
      %get3A_2004 = tpu.vector_load %arg11[%get3A_2002, %get3A_2003] {strides = array<i32>} : memref<104x128xf32, #tpu.memory_space<vmem>>, vector<1x16xf32>,
      %get3A_2005 = vector.shape_cast %get3A_2004 : vector<1x16xf32> to vector<16xf32>
      %get3A_2006 = arith.constant 0 : i32
      %get3A_2007 = arith.index_cast %get3A_2006 : i32 to index
      %get3A_2008 = arith.constant 80 : index
      %get3A_2009 = tpu.vector_load %arg11[%get3A_2007, %get3A_2008] {strides = array<i32>} : memref<104x128xf32, #tpu.memory_space<vmem>>, vector<1x16xf32>,
      %get3A_2010 = vector.shape_cast %get3A_2009 : vector<1x16xf32> to vector<16xf32>
      %sub3A_2011 = arith.subf %get3A_2005, %get3A_2010 : vector<16xf32>
      %mul3A_2012 = arith.constant 1.000000e-01 : f32
      %mul3A_2013 = vector.broadcast %mul3A_2012 : f32 to vector<16xf32>
      %mul3A_2014 = arith.mulf %mul3A_2013, %sub3A_2011 : vector<16xf32>
      %add3A_2015 = arith.addf %sub3A_2000, %mul3A_2014 : vector<16xf32>
      %swap3A_2016 = arith.index_cast %add3A_1602 : i32 to index
      %swap3A_2017 = arith.constant 80 : index
      %swap3A_2018 = tpu.vector_load %arg13[%swap3A_2016, %swap3A_2017] {strides = array<i32>} : memref<128x128xf32, #tpu.memory_space<vmem>>, vector<1x16xf32>,
      %swap3A_2019 = vector.shape_cast %swap3A_2018 : vector<1x16xf32> to vector<16xf32>
      %swap3A_2020 = vector.shape_cast %add3A_2015 : vector<16xf32> to vector<1x16xf32>
      tpu.vector_store %arg13[%swap3A_2016, %swap3A_2017], %swap3A_2020 {strides = array<i32>} : memref<128x128xf32, #tpu.memory_space<vmem>>, vector<1x16xf32>,
      %swap3A_2021 = arith.index_cast %add3A_1602 : i32 to index
      %swap3A_2022 = arith.constant 80 : index
      %swap3A_2023 = tpu.vector_load %arg14[%swap3A_2021, %swap3A_2022] {strides = array<i32>} : memref<128x128xf32, #tpu.memory_space<vmem>>, vector<1x16xf32>,
      %swap3A_2024 = vector.shape_cast %swap3A_2023 : vector<1x16xf32> to vector<16xf32>
      %swap3A_2025 = vector.shape_cast %div3A_1996 : vector<16xf32> to vector<1x16xf32>
      tpu.vector_store %arg14[%swap3A_2021, %swap3A_2022], %swap3A_2025 {strides = array<i32>} : memref<128x128xf32, #tpu.memory_space<vmem>>, vector<1x16xf32>,
      %swap3A_2026 = arith.index_cast %add3A_1602 : i32 to index
      %swap3A_2027 = arith.constant 80 : index
      %swap3A_2028 = tpu.vector_load %arg15[%swap3A_2026, %swap3A_2027] {strides = array<i32>} : memref<128x128xf32, #tpu.memory_space<vmem>>, vector<1x16xf32>,
      %swap3A_2029 = vector.shape_cast %swap3A_2028 : vector<1x16xf32> to vector<16xf32>
      %swap3A_2030 = vector.shape_cast %div3A_1999 : vector<16xf32> to vector<1x16xf32>
      tpu.vector_store %arg15[%swap3A_2026, %swap3A_2027], %swap3A_2030 {strides = array<i32>} : memref<128x128xf32, #tpu.memory_space<vmem>>, vector<1x16xf32>,
      %mul3A_2031 = arith.mulf %convert_element_type3A_1799, %get3A_22 : vector<16xf32>
      %sub3A_2032 = arith.subf %scan3A_1797#6, %mul3A_2031 : vector<16xf32>
      %div3A_2033 = arith.divf %sub3A_2032, %max3A_1804 : vector<16xf32>
      %mul3A_2034 = arith.mulf %convert_element_type3A_1800, %get3A_22 : vector<16xf32>
      %sub3A_2035 = arith.subf %scan3A_1797#14, %mul3A_2034 : vector<16xf32>
      %div3A_2036 = arith.divf %sub3A_2035, %max3A_1808 : vector<16xf32>
      %sub3A_2037 = arith.subf %div3A_2036, %div3A_2033 : vector<16xf32>
      %get3A_2038 = arith.constant 52 : i32
      %get3A_2039 = arith.index_cast %get3A_2038 : i32 to index
      %get3A_2040 = arith.constant 96 : index
      %get3A_2041 = tpu.vector_load %arg11[%get3A_2039, %get3A_2040] {strides = array<i32>} : memref<104x128xf32, #tpu.memory_space<vmem>>, vector<1x16xf32>,
      %get3A_2042 = vector.shape_cast %get3A_2041 : vector<1x16xf32> to vector<16xf32>
      %get3A_2043 = arith.constant 0 : i32
      %get3A_2044 = arith.index_cast %get3A_2043 : i32 to index
      %get3A_2045 = arith.constant 96 : index
      %get3A_2046 = tpu.vector_load %arg11[%get3A_2044, %get3A_2045] {strides = array<i32>} : memref<104x128xf32, #tpu.memory_space<vmem>>, vector<1x16xf32>,
      %get3A_2047 = vector.shape_cast %get3A_2046 : vector<1x16xf32> to vector<16xf32>
      %sub3A_2048 = arith.subf %get3A_2042, %get3A_2047 : vector<16xf32>
      %mul3A_2049 = arith.constant 1.000000e-01 : f32
      %mul3A_2050 = vector.broadcast %mul3A_2049 : f32 to vector<16xf32>
      %mul3A_2051 = arith.mulf %mul3A_2050, %sub3A_2048 : vector<16xf32>
      %add3A_2052 = arith.addf %sub3A_2037, %mul3A_2051 : vector<16xf32>
      %swap3A_2053 = arith.index_cast %add3A_1602 : i32 to index
      %swap3A_2054 = arith.constant 96 : index
      %swap3A_2055 = tpu.vector_load %arg13[%swap3A_2053, %swap3A_2054] {strides = array<i32>} : memref<128x128xf32, #tpu.memory_space<vmem>>, vector<1x16xf32>,
      %swap3A_2056 = vector.shape_cast %swap3A_2055 : vector<1x16xf32> to vector<16xf32>
      %swap3A_2057 = vector.shape_cast %add3A_2052 : vector<16xf32> to vector<1x16xf32>
      tpu.vector_store %arg13[%swap3A_2053, %swap3A_2054], %swap3A_2057 {strides = array<i32>} : memref<128x128xf32, #tpu.memory_space<vmem>>, vector<1x16xf32>,
      %swap3A_2058 = arith.index_cast %add3A_1602 : i32 to index
      %swap3A_2059 = arith.constant 96 : index
      %swap3A_2060 = tpu.vector_load %arg14[%swap3A_2058, %swap3A_2059] {strides = array<i32>} : memref<128x128xf32, #tpu.memory_space<vmem>>, vector<1x16xf32>,
      %swap3A_2061 = vector.shape_cast %swap3A_2060 : vector<1x16xf32> to vector<16xf32>
      %swap3A_2062 = vector.shape_cast %div3A_2033 : vector<16xf32> to vector<1x16xf32>
      tpu.vector_store %arg14[%swap3A_2058, %swap3A_2059], %swap3A_2062 {strides = array<i32>} : memref<128x128xf32, #tpu.memory_space<vmem>>, vector<1x16xf32>,
      %swap3A_2063 = arith.index_cast %add3A_1602 : i32 to index
      %swap3A_2064 = arith.constant 96 : index
      %swap3A_2065 = tpu.vector_load %arg15[%swap3A_2063, %swap3A_2064] {strides = array<i32>} : memref<128x128xf32, #tpu.memory_space<vmem>>, vector<1x16xf32>,
      %swap3A_2066 = vector.shape_cast %swap3A_2065 : vector<1x16xf32> to vector<16xf32>
      %swap3A_2067 = vector.shape_cast %div3A_2036 : vector<16xf32> to vector<1x16xf32>
      tpu.vector_store %arg15[%swap3A_2063, %swap3A_2064], %swap3A_2067 {strides = array<i32>} : memref<128x128xf32, #tpu.memory_space<vmem>>, vector<1x16xf32>,
      %mul3A_2068 = arith.mulf %convert_element_type3A_1799, %get3A_25 : vector<16xf32>
      %sub3A_2069 = arith.subf %scan3A_1797#7, %mul3A_2068 : vector<16xf32>
      %div3A_2070 = arith.divf %sub3A_2069, %max3A_1804 : vector<16xf32>
      %mul3A_2071 = arith.mulf %convert_element_type3A_1800, %get3A_25 : vector<16xf32>
      %sub3A_2072 = arith.subf %scan3A_1797#15, %mul3A_2071 : vector<16xf32>
      %div3A_2073 = arith.divf %sub3A_2072, %max3A_1808 : vector<16xf32>
      %sub3A_2074 = arith.subf %div3A_2073, %div3A_2070 : vector<16xf32>
      %get3A_2075 = arith.constant 52 : i32
      %get3A_2076 = arith.index_cast %get3A_2075 : i32 to index
      %get3A_2077 = arith.constant 112 : index
      %get3A_2078 = tpu.vector_load %arg11[%get3A_2076, %get3A_2077] {strides = array<i32>} : memref<104x128xf32, #tpu.memory_space<vmem>>, vector<1x16xf32>,
      %get3A_2079 = vector.shape_cast %get3A_2078 : vector<1x16xf32> to vector<16xf32>
      %get3A_2080 = arith.constant 0 : i32
      %get3A_2081 = arith.index_cast %get3A_2080 : i32 to index
      %get3A_2082 = arith.constant 112 : index
      %get3A_2083 = tpu.vector_load %arg11[%get3A_2081, %get3A_2082] {strides = array<i32>} : memref<104x128xf32, #tpu.memory_space<vmem>>, vector<1x16xf32>,
      %get3A_2084 = vector.shape_cast %get3A_2083 : vector<1x16xf32> to vector<16xf32>
      %sub3A_2085 = arith.subf %get3A_2079, %get3A_2084 : vector<16xf32>
      %mul3A_2086 = arith.constant 1.000000e-01 : f32
      %mul3A_2087 = vector.broadcast %mul3A_2086 : f32 to vector<16xf32>
      %mul3A_2088 = arith.mulf %mul3A_2087, %sub3A_2085 : vector<16xf32>
      %add3A_2089 = arith.addf %sub3A_2074, %mul3A_2088 : vector<16xf32>
      %swap3A_2090 = arith.index_cast %add3A_1602 : i32 to index
      %swap3A_2091 = arith.constant 112 : index
      %swap3A_2092 = tpu.vector_load %arg13[%swap3A_2090, %swap3A_2091] {strides = array<i32>} : memref<128x128xf32, #tpu.memory_space<vmem>>, vector<1x16xf32>,
      %swap3A_2093 = vector.shape_cast %swap3A_2092 : vector<1x16xf32> to vector<16xf32>
      %swap3A_2094 = vector.shape_cast %add3A_2089 : vector<16xf32> to vector<1x16xf32>
      tpu.vector_store %arg13[%swap3A_2090, %swap3A_2091], %swap3A_2094 {strides = array<i32>} : memref<128x128xf32, #tpu.memory_space<vmem>>, vector<1x16xf32>,
      %swap3A_2095 = arith.index_cast %add3A_1602 : i32 to index
      %swap3A_2096 = arith.constant 112 : index
      %swap3A_2097 = tpu.vector_load %arg14[%swap3A_2095, %swap3A_2096] {strides = array<i32>} : memref<128x128xf32, #tpu.memory_space<vmem>>, vector<1x16xf32>,
      %swap3A_2098 = vector.shape_cast %swap3A_2097 : vector<1x16xf32> to vector<16xf32>
      %swap3A_2099 = vector.shape_cast %div3A_2070 : vector<16xf32> to vector<1x16xf32>
      tpu.vector_store %arg14[%swap3A_2095, %swap3A_2096], %swap3A_2099 {strides = array<i32>} : memref<128x128xf32, #tpu.memory_space<vmem>>, vector<1x16xf32>,
      %swap3A_2100 = arith.index_cast %add3A_1602 : i32 to index
      %swap3A_2101 = arith.constant 112 : index
      %swap3A_2102 = tpu.vector_load %arg15[%swap3A_2100, %swap3A_2101] {strides = array<i32>} : memref<128x128xf32, #tpu.memory_space<vmem>>, vector<1x16xf32>,
      %swap3A_2103 = vector.shape_cast %swap3A_2102 : vector<1x16xf32> to vector<16xf32>
      %swap3A_2104 = vector.shape_cast %div3A_2073 : vector<16xf32> to vector<1x16xf32>
      tpu.vector_store %arg15[%swap3A_2100, %swap3A_2101], %swap3A_2104 {strides = array<i32>} : memref<128x128xf32, #tpu.memory_space<vmem>>, vector<1x16xf32>,
      %lt3A_2105 = arith.constant 31 : i32
      %lt3A_2106 = arith.cmpi slt, %scan3A_74, %lt3A_2105 : i32
      %convert_element_type3A_2107 = arith.extui %lt3A_2106 : i1 to i32
      %cond3A_2108 = arith.constant 0 : i32
      %cond3A_2109 = arith.cmpi ne, %convert_element_type3A_2107, %cond3A_2108 : i32
      scf.if %cond3A_2109 {
        %add3A_2110 = arith.constant 4 : i32
        %add3A_2111 = arith.addi %add3A_1602, %add3A_2110 : i32
        %dma_start3A_2112 = arith.constant 0 : i32
        %dma_start3A_2113 = tpu.memref_slice %arg7[%add3A_2111, %dma_start3A_2112] : memref<128x104xi32, #tpu.memory_space<vmem>> -> memref<1x104xi32, #tpu.memory_space<vmem>>
        %dma_start3A_2114 = tpu.memref_squeeze %dma_start3A_2113 : memref<1x104xi32, #tpu.memory_space<vmem>> -> memref<104xi32, #tpu.memory_space<vmem>>
        %dma_start3A_2115 = arith.constant 0 : i32
        %dma_start3A_2116 = arith.constant 0 : i32
        %dma_start3A_2117 = tpu.memref_slice %arg3[%dma_start3A_2115, %dma_start3A_2116] : memref<100000x128xf32, #tpu.memory_space<hbm>> -> memref<100000x128xf32, #tpu.memory_space<hbm>>
        tpu.enqueue_indirect_dma source(%dma_start3A_2117 : memref<100000x128xf32, #tpu.memory_space<hbm>>) target(%arg11 : memref<104x128xf32, #tpu.memory_space<vmem>>) offsets(%dma_start3A_2114 : memref<104xi32, #tpu.memory_space<vmem>>) semaphore(%arg19 : memref<!tpu.dma_semaphore, #tpu.memory_space<semaphore_mem>>)
      } else {
      }
    }
    %scan3A_73 = arith.constant 32 : i32
    "tpu.region"() ({
      %run_scoped3A_74 = tpu.sem_alloc : memref<!tpu.dma_semaphore, #tpu.memory_space<semaphore_mem>>
      %dma_start3A_75 = arith.constant 0 : i32
      %dma_start3A_76 = tpu.memref_slice %arg4[%mul3A_2, %dma_start3A_75] : memref<4096x128xf32, #tpu.memory_space<hbm>> -> memref<128x128xf32, #tpu.memory_space<hbm>>
      %dma_start3A_77 = arith.constant 0 : i32
      %dma_start3A_78 = tpu.memref_slice %arg4[%mul3A_2, %dma_start3A_77] : memref<4096x128xf32, #tpu.memory_space<hbm>> -> memref<128x128xf32, #tpu.memory_space<hbm>>
      tpu.enqueue_dma source(%arg13 : memref<128x128xf32, #tpu.memory_space<vmem>>) target(%dma_start3A_78 : memref<128x128xf32, #tpu.memory_space<hbm>>) target_semaphore(%run_scoped3A_74 : memref<!tpu.dma_semaphore, #tpu.memory_space<semaphore_mem>>)
      %dma_wait3A = arith.constant 0 : i32
      %dma_wait3A_79 = tpu.memref_slice %arg4[%mul3A_2, %dma_wait3A] : memref<4096x128xf32, #tpu.memory_space<hbm>> -> memref<128x128xf32, #tpu.memory_space<hbm>>
      %dma_wait3A_80 = arith.constant 0 : i32
      %dma_wait3A_81 = tpu.memref_slice %arg4[%mul3A_2, %dma_wait3A_80] : memref<4096x128xf32, #tpu.memory_space<hbm>> -> memref<128x128xf32, #tpu.memory_space<hbm>>
      tpu.wait_dma2 semaphore(%run_scoped3A_74 : memref<!tpu.dma_semaphore, #tpu.memory_space<semaphore_mem>>) src(%arg13 : memref<128x128xf32, #tpu.memory_space<vmem>>) dst(%dma_wait3A_81 : memref<128x128xf32, #tpu.memory_space<hbm>>)
      tpu.yield
    }) : () -> ()
    "tpu.region"() ({
      %run_scoped3A_74 = tpu.sem_alloc : memref<!tpu.dma_semaphore, #tpu.memory_space<semaphore_mem>>
      %dma_start3A_75 = arith.constant 0 : i32
      %dma_start3A_76 = tpu.memref_slice %arg5[%mul3A_2, %dma_start3A_75] : memref<4096x128xf32, #tpu.memory_space<hbm>> -> memref<128x128xf32, #tpu.memory_space<hbm>>
      %dma_start3A_77 = arith.constant 0 : i32
      %dma_start3A_78 = tpu.memref_slice %arg5[%mul3A_2, %dma_start3A_77] : memref<4096x128xf32, #tpu.memory_space<hbm>> -> memref<128x128xf32, #tpu.memory_space<hbm>>
      tpu.enqueue_dma source(%arg14 : memref<128x128xf32, #tpu.memory_space<vmem>>) target(%dma_start3A_78 : memref<128x128xf32, #tpu.memory_space<hbm>>) target_semaphore(%run_scoped3A_74 : memref<!tpu.dma_semaphore, #tpu.memory_space<semaphore_mem>>)
      %dma_wait3A = arith.constant 0 : i32
      %dma_wait3A_79 = tpu.memref_slice %arg5[%mul3A_2, %dma_wait3A] : memref<4096x128xf32, #tpu.memory_space<hbm>> -> memref<128x128xf32, #tpu.memory_space<hbm>>
      %dma_wait3A_80 = arith.constant 0 : i32
      %dma_wait3A_81 = tpu.memref_slice %arg5[%mul3A_2, %dma_wait3A_80] : memref<4096x128xf32, #tpu.memory_space<hbm>> -> memref<128x128xf32, #tpu.memory_space<hbm>>
      tpu.wait_dma2 semaphore(%run_scoped3A_74 : memref<!tpu.dma_semaphore, #tpu.memory_space<semaphore_mem>>) src(%arg14 : memref<128x128xf32, #tpu.memory_space<vmem>>) dst(%dma_wait3A_81 : memref<128x128xf32, #tpu.memory_space<hbm>>)
      tpu.yield
    }) : () -> ()
    "tpu.region"() ({
      %run_scoped3A_74 = tpu.sem_alloc : memref<!tpu.dma_semaphore, #tpu.memory_space<semaphore_mem>>
      %dma_start3A_75 = arith.constant 0 : i32
      %dma_start3A_76 = tpu.memref_slice %arg6[%mul3A_2, %dma_start3A_75] : memref<4096x128xf32, #tpu.memory_space<hbm>> -> memref<128x128xf32, #tpu.memory_space<hbm>>
      %dma_start3A_77 = arith.constant 0 : i32
      %dma_start3A_78 = tpu.memref_slice %arg6[%mul3A_2, %dma_start3A_77] : memref<4096x128xf32, #tpu.memory_space<hbm>> -> memref<128x128xf32, #tpu.memory_space<hbm>>
      tpu.enqueue_dma source(%arg15 : memref<128x128xf32, #tpu.memory_space<vmem>>) target(%dma_start3A_78 : memref<128x128xf32, #tpu.memory_space<hbm>>) target_semaphore(%run_scoped3A_74 : memref<!tpu.dma_semaphore, #tpu.memory_space<semaphore_mem>>)
      %dma_wait3A = arith.constant 0 : i32
      %dma_wait3A_79 = tpu.memref_slice %arg6[%mul3A_2, %dma_wait3A] : memref<4096x128xf32, #tpu.memory_space<hbm>> -> memref<128x128xf32, #tpu.memory_space<hbm>>
      %dma_wait3A_80 = arith.constant 0 : i32
      %dma_wait3A_81 = tpu.memref_slice %arg6[%mul3A_2, %dma_wait3A_80] : memref<4096x128xf32, #tpu.memory_space<hbm>> -> memref<128x128xf32, #tpu.memory_space<hbm>>
      tpu.wait_dma2 semaphore(%run_scoped3A_74 : memref<!tpu.dma_semaphore, #tpu.memory_space<semaphore_mem>>) src(%arg15 : memref<128x128xf32, #tpu.memory_space<vmem>>) dst(%dma_wait3A_81 : memref<128x128xf32, #tpu.memory_space<hbm>>)
      tpu.yield
    }) : () -> ()
    return
  }
}

</mosaic_0001>

<sc_bundles>
// kernel: kernel.3.cloned.1.call-start
scs
__scs_entry_jumppad:
0x0: {  	(pc) =	sbr.rel $0x88, $3  }
0x1: {  	(tag) =	ssettag $0x0;
	lr =	simm.s32 $0x1  }
0x2: {  	[smem:$0x3F9E] =	sst lr;
	_ =	strace $0xD0000000  }
0x3: {  	_ = 	snop  }
0x4: {  	_ = 	snop  }
0x5: {  	_ = 	snop  }
0x6: {  	_ = 	snop  }
0x7: {  	_ = 	snop  }
__scs_overlays_trampoline_lowered:
0x8: {  	[smem:$0x3FAD] =	sst s0  }
0x9: {  	[smem:$0x3FAE] =	sst s1  }
0xa: {  	[smem:$0x3FAF] =	sst s2  }
0xb: {  	[smem:$0x3FB0] =	sst s3  }
0xc: {  	[smem:$0x3FB1] =	sst s4  }
0xd: {  	[smem:$0x3FB2] =	sst s5  }
0xe: {  	[smem:$0x3FB3] =	sst s6  }
0xf: {  	[smem:$0x3FB4] =	sst s7  }
0x10: {  	[smem:$0x3FB5] =	sst s8  }
0x11: {  	[smem:$0x3FB6] =	sst s9;
	s0 =	simm.s32 @!p0 $0x0  }
0x12: {  	s1 =	sld [smem:$0x3F9C];
	s0 =	simm.s32 @p0 $0x1  }
0x13: {  	[smem:$0x3FB7] =	sst s0;
	s0 =	simm.s32 @!p1 $0x0  }
0x14: {  	s2 =	sld [smem:$0x3F9B];
	s0 =	simm.s32 @p1 $0x1  }
0x15: {  	[smem:$0x3FB8] =	sst s0;
	s0 =	simm.s32 @!p2 $0x0  }
0x16: {  	s3 =	sld [smem:$0x3FDB];
	s0 =	simm.s32 @p2 $0x1  }
0x17: {  	s4 =	simm.s32 $0x1BF5;
	[smem:$0x3FBA] =	sst s0  }
0x18: {  	s0 =	sld [smem:$0x3F9D];
	_ =	swait.ge [sflag:s4], $0x0  }
0x19: {  	s7 =	sld [smem:$0x3F9E]  }
0x1a: {  	s8 =	sadd.s32 $0xFFFFE003, lr  }
0x1b: {  	s9 =	sadd.s32 $0xFFFFFEF7, lr;
	s5 =	simm.s32 $0xFFFFFFFF;
	p2 =	slt.u32 s8, $0xFFFFF086  }
0x1c: {  	p1 =	slt.u32 s9, $0xF7A;
	s5 =	simm.s32 @!p2 $0x0  }
0x1d: {  	s5 =	simm.s32 @p1 $0x1;
	p0 =	seq.s32 s7, s2  }
0x1e: {  	s7 =	smul.u32 @!p0 $0xF7A, s2;
	p2 =	seq.s32 @!p0 s5, $0x0  }
0x1f: {  	s9 =	smul.u32 $0xF7A, s1;
	s8 =	simm.s32 @!p0 $0x1BF5;
	p2 =	por !p2, p0  }
0x20: {  	[sflag:s8] =	ssyncset.s32 @!p0 $0xFFFFF086;
	s6 =	sadd.s32 @!p0 s3, s7;
	s7 =	simm.s32 @!p0 $0x108  }
0x21: {  	s3 =	sadd.s32 s3, s9;
	s6 =	sadd.s32 @!p0 $0x88, s6;
	s7 =	simm.s32 @p2 $0x1082  }
0x22: {  	[simem:s7], [sflag:s8] =	dma.local @!p0 [hbm:s6], $0xF7A  }
0x23: {  	s9 =	sor.u32 $0xD0000000, s2;
	s6 =	simm.s32 $0x108;
	_ =	swait.ge @!p0 [sflag:s8], $0x0  }
0x24: {  	s3 =	sadd.s32 $0x88, s3;
	s6 =	simm.s32 @!p1 $0x1082;
	[sflag:s4] =	ssyncset.s32 $0xFFFFF086  }
0x25: {  	[simem:s6], [sflag:s4] =	dma.local [hbm:s3], $0xF7A  }
0x26: {  	[smem:$0x3F9E] =	sst s1;
	(tag) =	ssettag s2;
	_ =	strace s9  }
0x27: {  	s1 =	sld [smem:$0x3FAE]  }
0x28: {  	s2 =	sld [smem:$0x3FAF]  }
0x29: {  	s4 =	sld [smem:$0x3FB1]  }
0x2a: {  	p0 =	seq.s32 s5, $0x0;
	s5 =	sld [smem:$0x3FB2]  }
0x2b: {  	s6 =	sld [smem:$0x3FB3]  }
0x2c: {  	s7 =	sld [smem:$0x3FB4]  }
0x2d: {  	s3 =	simm.s32 $0x108;
	s8 =	sld [smem:$0x3FB5]  }
0x2e: {  	s3 =	simm.s32 @!p0 $0x1082;
	s9 =	sld [smem:$0x3FB6]  }
0x2f: {  	lr =	sadd.s32 s0, s3;
	s0 =	sld [smem:$0x3FAD]  }
0x30: {  	s3 =	sld [smem:$0x3FB0]  }
0x31: {  	[smem:$0x3FB9] =	sst s10  }
0x32: {  	s10 =	sld [smem:$0x3FB7];
	_ =	sdelay $0x3  }
0x33: {  	p0 =	seq.s32 s10, $0x1;
	s10 =	sld [smem:$0x3FB9];
	_ =	sdelay $0x3  }
0x34: {  	[smem:$0x3FB9] =	sst s10  }
0x35: {  	s10 =	sld [smem:$0x3FB8];
	_ =	sdelay $0x3  }
0x36: {  	p1 =	seq.s32 s10, $0x1;
	s10 =	sld [smem:$0x3FB9];
	_ =	sdelay $0x3  }
0x37: {  	[smem:$0x3FB9] =	sst s10  }
0x38: {  	s10 =	sld [smem:$0x3FBA]  }
0x39: {  	_ = 	snop;
	(pc) =	sbr.ind lr, $3  }
0x3a: {  	_ = 	snop  }
0x3b: {  	_ = 	snop  }
0x3c: {  	p2 =	seq.s32 s10, $0x1;
	s10 =	sld [smem:$0x3FB9]  }
0x3d: {  	_ =	shalt  }
0x3e: {  	_ =	shalt  }
0x3f: {  	_ =	shalt  }
0x40: {  	_ =	shalt  }
0x41: {  	_ =	shalt  }
0x42: {  	_ =	shalt  }
0x43: {  	_ =	shalt  }
0x44: {  	_ =	shalt  }
0x45: {  	_ =	shalt  }
0x46: {  	_ =	shalt  }
0x47: {  	_ =	shalt  }
0x48: {  	_ =	shalt  }
0x49: {  	_ =	shalt  }
0x4a: {  	_ =	shalt  }
0x4b: {  	_ =	shalt  }
0x4c: {  	_ =	shalt  }
0x4d: {  	_ =	shalt  }
0x4e: {  	_ =	shalt  }
0x4f: {  	_ =	shalt  }
0x50: {  	_ =	shalt  }
0x51: {  	_ =	shalt  }
0x52: {  	_ =	shalt  }
0x53: {  	_ =	shalt  }
0x54: {  	_ =	shalt  }
0x55: {  	_ =	shalt  }
0x56: {  	_ =	shalt  }
0x57: {  	_ =	shalt  }
0x58: {  	_ =	shalt  }
0x59: {  	_ =	shalt  }
0x5a: {  	_ =	shalt  }
0x5b: {  	_ =	shalt  }
0x5c: {  	_ =	shalt  }
0x5d: {  	_ =	shalt  }
0x5e: {  	_ =	shalt  }
0x5f: {  	_ =	shalt  }
0x60: {  	_ =	shalt  }
0x61: {  	_ =	shalt  }
0x62: {  	_ =	shalt  }
0x63: {  	_ =	shalt  }
0x64: {  	_ =	shalt  }
0x65: {  	_ =	shalt  }
0x66: {  	_ =	shalt  }
0x67: {  	_ =	shalt  }
0x68: {  	_ =	shalt  }
0x69: {  	_ =	shalt  }
0x6a: {  	_ =	shalt  }
0x6b: {  	_ =	shalt  }
0x6c: {  	_ =	shalt  }
0x6d: {  	_ =	shalt  }
0x6e: {  	_ =	shalt  }
0x6f: {  	_ =	shalt  }
0x70: {  	_ =	shalt  }
0x71: {  	_ =	shalt  }
0x72: {  	_ =	shalt  }
0x73: {  	_ =	shalt  }
0x74: {  	_ =	shalt  }
0x75: {  	_ =	shalt  }
0x76: {  	_ =	shalt  }
0x77: {  	_ =	shalt  }
0x78: {  	_ =	shalt  }
0x79: {  	_ =	shalt  }
0x7a: {  	_ =	shalt  }
0x7b: {  	_ =	shalt  }
0x7c: {  	_ =	shalt  }
0x7d: {  	_ =	shalt  }
0x7e: {  	_ =	shalt  }
0x7f: {  	_ =	shalt  }
0x80: {  	_ =	shalt  }
0x81: {  	_ =	shalt  }
0x82: {  	_ =	shalt  }
0x83: {  	_ =	shalt  }
0x84: {  	_ =	shalt  }
0x85: {  	_ =	shalt  }
0x86: {  	_ =	shalt  }
0x87: {  	_ =	shalt  }
.Lfunc_end0:
.L_simem_size_0:
called_computation_lowered:
.L_overlay_start_0:
0x88: {  	s2 =	sld [smem:$0x3FD9]  }
0x89: {  	s3 =	sld [smem:$0x3FFE];
	_ =	sdelay $0x1  }
0x8a: {  	s1 =	srdreg.scid  }
0x8b: {  	s0 =	sand.u32 $0x1, s1  }
0x8c: {  	s14 =	sshll.u32 s0, $0xA;
	s2 =	sadd.s32 s3, s2  }
0x8d: {  	s2 =	sadd.s32 s2, s14  }
0x8e: {  	[smem:$0x3FC5] =	sst s2  }
0x8f: {  	_ = 	snop  }
0x90: {  	s2 =	sld [smem:$0x3FD0];
	_ =	sdelay $0x2  }
0x91: {  	s4 =	simm.s32 $0xA;
	s5 =	simm.s32 $0x10;
	s15 =	sld [smem:$0x3FC7]  }
0x92: {  	[smem:s5], [sflag:s4] =	dma.local [hbm:s2], $0x1  }
0x93: {  	_ =	swait.eq [sflag:s4], $0x1  }
0x94: {  	s16 =	sld [smem:$0x10];
	[sflag:s4] =	ssyncset.done $0x0  }
0x95: {  	s17 =	sld [smem:$0x11];
	[sflag:s4] =	ssyncadd.s32 $0xFFFFFFFF  }
0x96: {  	s18 =	sld [smem:$0x12];
	(tm) =	ssettm $0x1  }
0x97: {  	s6 =	sld [smem:$0x3FFB];
	_ =	sdelay $0x3  }
0x98: {  	_ =	strace s6  }
0x99: {  	s6 =	sld [smem:$0x3FFC];
	_ =	sdelay $0x3  }
0x9a: {  	_ =	strace s6  }
0x9b: {  	s6 =	sld [smem:$0x3FFD];
	_ =	sdelay $0x3  }
0x9c: {  	_ =	strace s6  }
0x9d: {  	_ =	strace $0x8FFFFFFF  }
0x9e: {  	s19 =	sld [smem:$0x3FDB];
	_ =	sdelay $0x1  }
0x9f: {  	s7 =	simm.s32 $_scs_section_size  }
0xa0: {  	s8 =	simm.s32 $_size__tile_overlayer_lowered;
	s9 =	simm.s32 $_tile_overlayer_lowered  }
0xa1: {  	s22 =	simm.s32 $0x1BFF;
	s21 =	sshll.u32 s9, $0x1;
	s6 =	sadd.s32 s7, s19  }
0xa2: {  	s10 =	simm.s32 $0x0;
	s20 =	sshll.u32 s8, $0x1;
	s8 =	sadd.s32 s21, s6  }
0xa3: {  	[timem:s10], [sflag:s22] =	dma.local [hbm:s8], s20  }
0xa4: {  	_ =	swait.ge [sflag:s22], s20  }
0xa5: {  	s7 =	ssub.s32 $0x0, s20;
	[sflag:s22] =	ssyncset.done $0x0  }
0xa6: {  	[sflag:s22] =	ssyncadd.s32 s7;
	_ =	sdelay $0x1  }
0xa7: {  	s23 =	simm.s32 $0x1B8B  }
0xa8: {  	_ =	swait.ge [sflag:s23], $0x1  }
0xa9: {  	[sflag:s23] =	ssyncset.done $0x0  }
0xaa: {  	s25 =	simm.s32 $0x1B8E;
	s24 =	sld [smem:$0x3FFE];
	[sflag:s23] =	ssyncadd.s32 $0xFFFFFFFF  }
0xab: {  	s26 =	simm.s32 $execute0_lowered;
	[smem:$0x3FD2] =	sst s25  }
0xac: {  	s8 =	sshll.u32 s26, $0x1;
	_ =	strace $0x80000046;
	[dreg:$0x1] =	wrdreg $0xFFFFFFFF  }
0xad: {  	s28 =	simm.s32 $_size_execute0_lowered;
	s6 =	sadd.s32 s6, s8;
	[dreg:$0x0] =	wrdreg $0x0  }
0xae: {  	s8 =	sshll.u32 s28, $0x1;
	[dreg:$0x2] =	wrdreg s6  }
0xaf: {  	[dreg:$0x3] =	wrdreg s8  }
0xb0: {  	[dreg:$0x4] =	wrdreg $0xC0  }
0xb1: {  	_ =	task [dreg:s10], $0x5FFFF  }
0xb2: {  	[dreg:$0x1] =	wrdreg $0xFFFFFFFF  }
0xb3: {  	[dreg:$0x0] =	wrdreg $0x60  }
0xb4: {  	[dreg:$0x2] =	wrdreg s24  }
0xb5: {  	[dreg:$0x3] =	wrdreg s15  }
0xb6: {  	[dreg:$0x4] =	wrdreg s16  }
0xb7: {  	[dreg:$0x5] =	wrdreg s17  }
0xb8: {  	[dreg:$0x6] =	wrdreg s18  }
0xb9: {  	[dreg:$0x7] =	wrdreg $0x9  }
0xba: {  	_ =	task.clear_ibuf [dreg:s10], $0x8FFFF;
	_ =	strace $0x90000046  }
0xbb: {  	s29 =	simm.s32 $0x9;
	_ =	strace $0x80000048  }
0xbc: {  	_ =	swait.ge [sflag:s29], $0x1  }
0xbd: {  	[sflag:s29] =	ssyncadd.s32 $0xFFFFFFFF  }
0xbe: {  	_ =	strace $0x90000048  }
0xbf: {  	_ =	sfence  }
0xc0: {  	s30 =	sld [smem:$0x0];
	_ =	sdelay $0x2  }
0xc1: {  	s31 =	sshll.u32 s1, $0xD;
	s1 =	sshrl.u32 s1, $0x2  }
0xc2: {  	s3 =	sand.u32 $0x4000, s31;
	s1 =	sadd.s32 s1, s30  }
0xc3: {  	s0 =	sor.u32 s3, s0;
	s1 =	sshll.u32 s1, $0x11  }
0xc4: {  	s0 =	sor.u32 s1, s0  }
0xc5: {  	s0 =	sadd.s32 $0x8F2B, s0  }
0xc6: {  	[sflag:s0] =	ssyncadd.remote.s32 $0x1  }
0xc7: {  	_ =	sfence.sel $0xFFFF  }
0xc8: {  	[dreg:$0x0] =	wrdreg $0xFFFFFFFF;
	(pc) =	sbr.abs _section_cstart, $3  }
0xc9: {  	[dreg:$0x1] =	wrdreg $0xFFFFFFFF  }
0xca: {  	_ =	task.clear_ibuf [dreg:s10], $0x2FFFF;
	_ =	strace $0x9FFFFFFF  }
0xcb: {  	(tm) =	ssettm $0x7FFFFFFF  }
tec
execute0_lowered:
.L_overlay_start_1:
0x0: {  	(tag) =	ssettag $0x1  }
0x1: {  	s1 =	rddreg [dreg:$0x0];
	v0 =	vimm.s32 $0xBA98FEDC;
	v1 =	vimm.s32 $0x32107654  }
0x2: {  	s0 =	rddreg [dreg:$0x1];
	v0 =	vunpack.c.l.s4.s8 v0;
	v1 =	vunpack.c.l.s4.s8 v1  }
0x3: {  	s2 =	rddreg [dreg:$0x2];
	v2 =	vimm.s32 $0xDCFE98BA;
	v3 =	vimm.s32 $0x54761032  }
0x4: {  	s6 =	rddreg [dreg:$0x3];
	v2 =	vunpack.c.l.s4.s8 v2;
	v0 =	vunpack.c.0.s8.s32 v0;
	v1 =	vunpack.c.0.s8.s32 v1  }
0x5: {  	s7 =	rddreg [dreg:$0x4];
	s3 =	srdreg.scid;
	v3 =	vunpack.c.l.s4.s8 v3  }
0x6: {  	s5 =	stileid.u32;
	v4 =	vlaneseq.u32;
	s11 =	simm.s32 $0x68;
	s17 =	simm.s32 $0x180;
	v5 =	vcombine.low v1, v0;
	v0 =	vunpack.c.0.s8.s32 v2  }
0x7: {  	s18 =	simm.s32 $0xDC00;
	s19 =	simm.s32 $0x1;
	s20 =	simm.s32 $0x2;
	v1 =	vunpack.c.0.s8.s32 v3;
	v2 =	vimm.s32 $0xEFCDAB89;
	v3 =	vimm.s32 $0x67452301  }
0x8: {  	v6 =	vimm.s32 $0xFEDCBA98;
	s21 =	simm.s32 $0x3;
	s22 =	simm.s32 $0x4;
	s23 =	simm.s32 $0x11080;
	v2 =	vunpack.c.l.s4.s8 v2;
	v3 =	vunpack.c.l.s4.s8 v3  }
0x9: {  	s24 =	simm.s32 $0x15080;
	s25 =	simm.s32 $0x19080;
	s26 =	simm.s32 $0x0;
	v7 =	vcombine.low v1, v0;
	v0 =	vimm.s32 $0x76543210;
	v1 =	vunpack.c.l.s4.s8 v6  }
0xa: {  	s4 =	sand.u32 $0x1, s3;
	s3 =	simm.s32 $0x0;
	s5 =	sshll.u32 s5, $0xC;
	v0 =	vunpack.c.l.s4.s8 v0;
	v2 =	vunpack.c.0.s8.s32 v2;
	v3 =	vunpack.c.0.s8.s32 v3  }
.Ltmp0:
0xb: {  	vm0 =	vcmask $0xF00;
	v4 =	vshrl.u32 v4, $0x3;
	s8 =	sshll.u32 s4, $0xB;
	s4 =	ssub.s32 $0x2, s4;
	v6 =	vunpack.c.0.s8.s32 v1;
	(pc) =	sbr.rel .LBB2_1-.Ltmp0, $4  }
0xc: {  	[smem:$0x7FF] =	sst s3;
	s8 =	sor.u32 s8, s5;
	s31 =	sshrl.u32 s4, $0x1;
	v1 =	vimm.s32 $0x0;
	v8 =	vcombine.low v3, v2;
	v2 =	vunpack.c.0.s8.s32 v0  }
0xd: {  	_ =	strace $0x80000047;
	s1 =	sadd.s32 s8, s1;
	s9 =	ssub.s32 s4, s31;
	v0 =	vmul.u32 $0xFFFFFFFF, v4;
	v1 =	vsel vm0, $0xFFFFFFFF, v1;
	v3 =	vand.u32 $0xF, v6  }
0xe: {  	s5 =	sadd.s32 s2, s8;
	s6 =	sadd.s32 s6, s8;
	s7 =	sadd.s32 s7, s8;
	v4 =	vand.u32 $0xF, v7;
	v6 =	vimm.s32 $0xFFFFFFFF;
	v2 =	vcombine.low v3, v2  }
0xf: {  	s4 =	sadd.s32 $0x800, s1;
	s8 =	smax.u32 s9, $0x1;
	s9 =	simm.s32 $0x5;
	v3 =	vand.u32 $0xF, v5;
	v5 =	vand.u32 $0xF, v8;
	v6 =	vsel vm0, $0x0, v6  }
.LBB2_12:
0x10: {  	[hbm4b:s5+s3] =	stream.linear.scatter [tilespmem:s23], [sflag:$0x5], $0x4000, $0x38;
	[tilespmem:$0x1D080] =	vst v63  }
0x11: {  	_ =	swait.ge [sflag:s9], $0x4000  }
0x12: {  	[sflag:s9] =	ssyncset.done $0x0  }
0x13: {  	[sflag:s9] =	ssyncadd.s32 $0xFFFFC000  }
0x14: {  	[hbm4b:s6+s3] =	stream.linear.scatter [tilespmem:s24], [sflag:$0x5], $0x4000, $0x38;
	[tilespmem:$0x1D080] =	vst v63  }
0x15: {  	s26 =	sadd.s32 $0x1, s26;
	_ =	swait.ge [sflag:s9], $0x4000  }
0x16: {  	p0 =	sne.s32 s26, s8;
	[sflag:s9] =	ssyncset.done $0x0  }
.Ltmp1:
0x17: {  	[sflag:s9] =	ssyncadd.s32 $0xFFFFC000;
	(pc) =	sbr.rel @!p0 .LBB2_13-.Ltmp1, $4  }
0x18: {  	[hbm4b:s7+s3] =	stream.linear.scatter [tilespmem:s25], [sflag:$0x5], $0x4000, $0x38;
	[tilespmem:$0x1D080] =	vst v63  }
0x19: {  	_ =	swait.ge [sflag:s9], $0x4000  }
0x1a: {  	[sflag:s9] =	ssyncset.done $0x0  }
0x1b: {  	[sflag:s9] =	ssyncadd.s32 $0xFFFFC000  }
.LBB2_1:
0x1c: {  	[tilespmem:s3], [sflag:$0x5] =	stream.linear.gather [hbm4b:s4+s3], $0x4000, $0x38;
	[tilespmem:$0x1D080] =	vst v63  }
0x1d: {  	_ =	swait.ge [sflag:s9], $0x4000  }
0x1e: {  	[sflag:s9] =	ssyncset.done $0x0  }
0x1f: {  	s1 =	simm.s32 $0x11000;
	[sflag:s9] =	ssyncadd.s32 $0xFFFFC000  }
0x20: {  	[tilespmem:s1], [sflag:$0x5] =	stream.linear.gather [hbm4b:s0+s3], $0x80, $0x38;
	[tilespmem:$0x1D080] =	vst v63  }
0x21: {  	_ =	swait.ge [sflag:s9], $0x80  }
0x22: {  	[sflag:s9] =	ssyncset.done $0x0  }
0x23: {  	[sflag:s9] =	ssyncadd.s32 $0xFFFFFF80  }
0x24: {  	v7 =	vld [tilespmem:$0x11000]  }
0x25: {  	v8 =	vld [tilespmem:$0x11010]  }
0x26: {  	v9 =	vld [tilespmem:$0x11020]  }
0x27: {  	v10 =	vld [tilespmem:$0x11030]  }
0x28: {  	v11 =	vld [tilespmem:$0x11040]  }
0x29: {  	v12 =	vld [tilespmem:$0x11050]  }
0x2a: {  	s16 =	simm.s32 $0x4000;
	v13 =	vld [tilespmem:$0x11060]  }
0x2b: {  	v14 =	vld [tilespmem:$0x11070];
	[tilespmem:s16], [sflag:$0x1] =	stream.indirect.gather [hbm4b:s0+s11], $0x80, s3, s11, $0xb8  }
0x2c: {  	s29 =	simm.s32 $0x80;
	s2 =	simm.s32 $0x7400  }
0x2d: {  	[tilespmem:s2], [sflag:$0x2] =	stream.indirect.gather [hbm4b:s0+s11], $0x80, s29, s11, $0xb8;
	[tilespmem:$0x1D080] =	vst v63  }
0x2e: {  	s30 =	simm.s32 $0x100;
	s31 =	simm.s32 $0xA800  }
0x2f: {  	[tilespmem:s31], [sflag:$0x3] =	stream.indirect.gather [hbm4b:s0+s11], $0x80, s30, s11, $0xb8;
	[tilespmem:$0x1D080] =	vst v63  }
0x30: {  	s28 =	simm.s32 $0x0  }
0x31: {  	[tilespmem:s18], [sflag:$0x4] =	stream.indirect.gather [hbm4b:s0+s11], $0x80, s17, s11, $0xb8;
	[tilespmem:$0x1D080] =	vst v63  }
.LBB2_2:
0x32: {  	_ =	swait.ge [sflag:s19], $0x3400  }
0x33: {  	[sflag:s19] =	ssyncset.done $0x0  }
0x34: {  	s29 =	sshll.u32 s28, $0x9;
	[sflag:s19] =	ssyncadd.s32 $0xFFFFCC00  }
0x35: {  	v15 =	vld [tilespmem:s29+$0x0]  }
0x36: {  	v16 =	vld [tilespmem:s29+$0x10]  }
0x37: {  	v17 =	vld [tilespmem:s29+$0x20]  }
0x38: {  	v18 =	vld [tilespmem:s29+$0x30]  }
0x39: {  	v19 =	vld [tilespmem:s29+$0x40]  }
0x3a: {  	v20 =	vld [tilespmem:s29+$0x50]  }
0x3b: {  	v21 =	vld [tilespmem:s29+$0x58];
	_ =	sdelay $0x2  }
0x3c: {  	vm0 =	vlt.s32 v15, $0x1;
	vm11 =	vlt.s32 v16, $0x1  }
0x3d: {  	vm12 =	vlt.s32 v17, $0x1;
	vm1 =	vlt.s32 v18, $0x1;
	vm13 =	vlt.s32 v19, $0x1  }
0x3e: {  	s15 =	simm.s32 $0x40;
	vm14 =	vlt.s32 v20, $0x1;
	vm15 =	vlt.s32 v21, $0x1;
	v15 =	vnsel vm0, $0x1, v15  }
0x3f: {  	v24 =	vld [tilespmem:s15+$0x4000];
	v16 =	vnsel vm11, $0x1, v16;
	v17 =	vnsel vm12, $0x1, v17;
	v18 =	vnsel vm1, $0x1, v18  }
0x40: {  	v34 =	vld [tilespmem:s15+$0x59C0];
	v19 =	vnsel vm13, $0x1, v19;
	v15 =	vadd.s32 v15, v16;
	v16 =	vnsel vm14, $0x1, v20  }
0x41: {  	v37 =	vld [tilespmem:s15+$0x59D0];
	v20 =	vand.u32 v1, v18;
	v18 =	vand.u32 v6, v18;
	v15 =	vadd.s32 v17, v15  }
0x42: {  	v21 =	vnsel vm15, $0x1, v21;
	v18 =	vadd.s32 v19, v18;
	v19 =	vld [tilespmem:s15+$0x3FD0];
	v15 =	vadd.s32 v20, v15  }
0x43: {  	v27 =	vld [tilespmem:s15+$0x4010];
	v21 =	vand.u32 v0, v21;
	v16 =	vadd.s32 v16, v18;
	v22 =	vperm.xlane v15, v2  }
0x44: {  	v20 =	vld [tilespmem:s15+$0x3FC0];
	v16 =	vadd.s32 v21, v16  }
0x45: {  	v25 =	vimm.f32 $0.0e+00;
	v18 =	vld [tilespmem:s15+$0x3FE0];
	v23 =	vperm.xlane v16, v2;
	v15 =	vadd.s32 v15, v22  }
0x46: {  	v34 =	vadd.f32 v34, v25;
	v17 =	vld [tilespmem:s15+$0x5A30];
	v22 =	vperm.xlane v15, v3  }
0x47: {  	v37 =	vadd.f32 v37, v25;
	v21 =	vld [tilespmem:s15+$0x3FF0];
	v16 =	vadd.s32 v16, v23;
	v35 =	vadd.f32 v19, v25  }
0x48: {  	v23 =	vld [tilespmem:s15+$0x4020];
	v19 =	vimm.f32 $0.0e+00;
	v28 =	vperm.xlane v16, v3;
	v15 =	vadd.s32 v22, v15  }
0x49: {  	v29 =	vld [tilespmem:s15+$0x4030];
	v33 =	vadd.f32 v20, v25;
	v20 =	vadd.f32 v24, v25;
	v22 =	vperm.xlane v15, v4  }
0x4a: {  	v38 =	vld [tilespmem:s15+$0x59E0];
	v24 =	vimm.f32 $0.0e+00;
	v16 =	vadd.s32 v28, v16;
	v28 =	vadd.f32 v18, v25  }
0x4b: {  	v36 =	vld [tilespmem:s15+$0x59F0];
	v26 =	vadd.s32 v22, v15;
	v15 =	vadd.f32 v17, v25;
	v17 =	vperm.xlane v16, v4  }
0x4c: {  	s30 =	simm.s32 $0xC0;
	v32 =	vld [tilespmem:s15+$0x5A00];
	v18 =	vadd.f32 v27, v25;
	v22 =	vadd.f32 v21, v25;
	v21 =	vimm.f32 $0.0e+00  }
0x4d: {  	s14 =	simm.s32 $0x500;
	s13 =	sor.u32 $0x10, s29;
	s12 =	sor.u32 $0x20, s29;
	v27 =	vld [tilespmem:s15+$0x5A10];
	v30 =	vperm.xlane v26, v5;
	v31 =	vadd.s32 v17, v16;
	v17 =	vadd.f32 v23, v25  }
0x4e: {  	s10 =	sor.u32 $0x30, s29;
	s2 =	sor.u32 $0x40, s29;
	s1 =	sor.u32 $0x50, s29;
	v16 =	vadd.f32 v29, v25;
	v29 =	vimm.f32 $0.0e+00;
	v23 =	vld [tilespmem:s15+$0x5A20];
	v39 =	vperm.xlane v31, v5  }
.LBB2_3:
0x4f: {  	p0 =	sne.s32 s14, $0x6700;
	v40 =	vld [tilespmem:s30+$0x5A30];
	v25 =	vadd.f32 v38, v25  }
0x50: {  	v38 =	vld [tilespmem:s30+$0x3FC0];
	v29 =	vadd.f32 v36, v29  }
0x51: {  	v36 =	vld [tilespmem:s30+$0x3FD0];
	v24 =	vadd.f32 v32, v24  }
0x52: {  	v32 =	vld [tilespmem:s30+$0x3FE0];
	v21 =	vadd.f32 v27, v21  }
0x53: {  	v27 =	vld [tilespmem:s30+$0x3FF0];
	v19 =	vadd.f32 v23, v19  }
0x54: {  	v23 =	vld [tilespmem:s30+$0x4000];
	v15 =	vadd.f32 v40, v15  }
0x55: {  	v33 =	vadd.f32 v38, v33;
	v38 =	vld [tilespmem:s30+$0x4010]  }
0x56: {  	v35 =	vadd.f32 v36, v35;
	v36 =	vld [tilespmem:s30+$0x4020]  }
0x57: {  	v28 =	vadd.f32 v32, v28;
	v32 =	vld [tilespmem:s30+$0x4030]  }
0x58: {  	v22 =	vadd.f32 v27, v22;
	v27 =	vld [tilespmem:s30+$0x59C0]  }
0x59: {  	v20 =	vadd.f32 v23, v20;
	v23 =	vld [tilespmem:s30+$0x59D0]  }
.Ltmp2:
0x5a: {  	v18 =	vadd.f32 v38, v18;
	v38 =	vld [tilespmem:s30+$0x59E0];
	(pc) =	sbr.rel @p0 .LBB2_3-.Ltmp2, $4  }
0x5b: {  	v17 =	vadd.f32 v36, v17;
	v36 =	vld [tilespmem:s30+$0x59F0]  }
0x5c: {  	v16 =	vadd.f32 v32, v16;
	v32 =	vld [tilespmem:s30+$0x5A00]  }
0x5d: {  	v34 =	vadd.f32 v27, v34;
	v27 =	vld [tilespmem:s30+$0x5A10]  }
0x5e: {  	v37 =	vadd.f32 v23, v37;
	v23 =	vld [tilespmem:s30+$0x5A20];
	s30 =	sshra.s32 s14, $0x2;
	s14 =	sadd.s32 $0x200, s14  }
0x5f: {  	v30 =	vadd.s32 v30, v26  }
0x60: {  	v31 =	vadd.s32 v39, v31;
	v56 =	vcvt.s32.f32 v30  }
0x61: {  	v26 =	vld [tilespmem:s30+$0x5A30];
	v40 =	vcvt.s32.f32 v31  }
0x62: {  	v41 =	vld [tilespmem:s30+$0x3FC0];
	v39 =	vmax.f32 v56, $1.000000000e+00  }
0x63: {  	v57 =	vld [tilespmem:s30+$0x3FD0];
	v40 =	vmax.f32 v40, $1.000000000e+00;
	(erf) = vrcp.f32 v39  }
0x64: {  	v58 =	vld [tilespmem:s30+$0x59C0];
	(erf) = vrcp.f32 v40  }
0x65: {  	v42 =	vld [tilespmem:s30+$0x3FE0]  }
0x66: {  	v43 =	vld [tilespmem:s30+$0x3FF0]  }
0x67: {  	v44 =	vld [tilespmem:$0x5A00];
	v30 =	vsub.s32 $0x34, v30;
	v31 =	vsub.s32 $0x34, v31  }
0x68: {  	v45 =	vld [tilespmem:$0x4000];
	v30 =	vcvt.s32.f32 v30;
	v31 =	vcvt.s32.f32 v31  }
0x69: {  	v46 =	vld [tilespmem:s30+$0x4000];
	v34 =	vadd.f32 v58, v34  }
0x6a: {  	v48 =	vld [tilespmem:s30+$0x4010];
	v59 =	vmul.f32 v30, v7;
	v47 =	vmul.f32 v31, v7;
	v41 =	vadd.f32 v41, v33  }
0x6b: {  	v49 =	vld [tilespmem:s30+$0x4020]  }
0x6c: {  	v50 =	vld [tilespmem:s30+$0x59D0];
	v40 =	vsub.f32 v41, v59;
	v60 =	vsub.f32 v34, v47;
	v33 =	vpop (erf)  }
0x6d: {  	v61 =	vld [tilespmem:s30+$0x59E0];
	v34 =	vpop (erf)  }
0x6e: {  	v51 =	vld [tilespmem:s30+$0x59F0];
	v44 =	vsub.f32 v44, v45;
	v40 =	vmul.f32 v40, v33;
	v41 =	vmul.f32 v60, v34  }
0x6f: {  	v53 =	vld [tilespmem:s30+$0x5A00]  }
0x70: {  	v54 =	vld [tilespmem:s30+$0x5A10];
	v44 =	vmul.f32 $1.000000010e-01, v44;
	v52 =	vsub.f32 v41, v40  }
0x71: {  	v62 =	vld [tilespmem:s30+$0x5A20]  }
0x72: {  	v47 =	vld [tilespmem:s30+$0x4030];
	[tilespmem:s29+$0x15080] =	vst v40;
	v44 =	vadd.f32 v44, v52  }
0x73: {  	[tilespmem:s29+$0x19080] =	vst v41  }
0x74: {  	[tilespmem:s29+$0x11080] =	vst v44  }
0x75: {  	v40 =	vld [tilespmem:$0x5A10]  }
0x76: {  	v55 =	vmul.f32 v31, v8;
	v63 =	vld [tilespmem:$0x4010]  }
0x77: {  	v35 =	vadd.f32 v57, v35;
	v37 =	vadd.f32 v50, v37;
	v50 =	vmul.f32 v30, v8;
	_ =	sdelay $0x1  }
0x78: {  	v35 =	vsub.f32 v35, v50;
	v37 =	vsub.f32 v37, v55;
	_ =	sdelay $0x1  }
0x79: {  	v35 =	vmul.f32 v35, v33;
	v37 =	vmul.f32 v37, v34;
	v39 =	vsub.f32 v40, v63;
	_ =	sdelay $0x1  }
0x7a: {  	v56 =	vsub.f32 v37, v35;
	v39 =	vmul.f32 $1.000000010e-01, v39;
	_ =	sdelay $0x1  }
0x7b: {  	[tilespmem:s13+$0x15080] =	vst v35;
	v39 =	vadd.f32 v39, v56  }
0x7c: {  	[tilespmem:s13+$0x19080] =	vst v37  }
0x7d: {  	[tilespmem:s13+$0x11080] =	vst v39  }
0x7e: {  	v25 =	vadd.f32 v38, v25;
	v35 =	vld [tilespmem:$0x5A20]  }
0x7f: {  	v28 =	vadd.f32 v42, v28;
	v37 =	vld [tilespmem:$0x4020]  }
0x80: {  	v25 =	vadd.f32 v61, v25;
	v57 =	vmul.f32 v30, v9;
	v58 =	vmul.f32 v31, v9;
	_ =	sdelay $0x1  }
0x81: {  	v28 =	vsub.f32 v28, v57;
	v25 =	vsub.f32 v25, v58;
	_ =	sdelay $0x1  }
0x82: {  	v28 =	vmul.f32 v28, v33;
	v25 =	vmul.f32 v25, v34;
	v35 =	vsub.f32 v35, v37;
	_ =	sdelay $0x1  }
0x83: {  	v59 =	vsub.f32 v25, v28;
	v35 =	vmul.f32 $1.000000010e-01, v35;
	_ =	sdelay $0x1  }
0x84: {  	[tilespmem:s12+$0x15080] =	vst v28;
	v35 =	vadd.f32 v35, v59  }
0x85: {  	[tilespmem:s12+$0x19080] =	vst v25  }
0x86: {  	[tilespmem:s12+$0x11080] =	vst v35  }
0x87: {  	v25 =	vadd.f32 v36, v29;
	v28 =	vld [tilespmem:$0x5A30]  }
0x88: {  	v22 =	vadd.f32 v43, v22;
	v29 =	vld [tilespmem:$0x4030]  }
0x89: {  	v61 =	vmul.f32 v31, v10;
	v60 =	vmul.f32 v30, v10;
	v25 =	vadd.f32 v51, v25;
	_ =	sdelay $0x1  }
0x8a: {  	v22 =	vsub.f32 v22, v60;
	v25 =	vsub.f32 v25, v61;
	_ =	sdelay $0x1  }
0x8b: {  	v22 =	vmul.f32 v22, v33;
	v25 =	vmul.f32 v25, v34;
	v28 =	vsub.f32 v28, v29;
	_ =	sdelay $0x1  }
0x8c: {  	v29 =	vsub.f32 v25, v22;
	v28 =	vmul.f32 $1.000000010e-01, v28;
	_ =	sdelay $0x1  }
0x8d: {  	[tilespmem:s10+$0x15080] =	vst v22;
	v28 =	vadd.f32 v28, v29  }
0x8e: {  	[tilespmem:s10+$0x19080] =	vst v25  }
0x8f: {  	[tilespmem:s10+$0x11080] =	vst v28  }
0x90: {  	v22 =	vadd.f32 v32, v24;
	v24 =	vld [tilespmem:$0x5A40]  }
0x91: {  	v20 =	vadd.f32 v46, v20;
	v25 =	vld [tilespmem:$0x4040]  }
0x92: {  	v22 =	vadd.f32 v53, v22;
	v29 =	vmul.f32 v31, v11;
	v28 =	vmul.f32 v30, v11;
	_ =	sdelay $0x1  }
0x93: {  	v22 =	vsub.f32 v22, v29;
	v20 =	vsub.f32 v20, v28;
	_ =	sdelay $0x1  }
0x94: {  	v22 =	vmul.f32 v22, v34;
	v20 =	vmul.f32 v20, v33;
	v24 =	vsub.f32 v24, v25;
	_ =	sdelay $0x1  }
0x95: {  	v25 =	vsub.f32 v22, v20;
	v24 =	vmul.f32 $1.000000010e-01, v24;
	_ =	sdelay $0x1  }
0x96: {  	[tilespmem:s2+$0x19080] =	vst v22;
	v24 =	vadd.f32 v24, v25  }
0x97: {  	[tilespmem:s2+$0x15080] =	vst v20  }
0x98: {  	[tilespmem:s2+$0x11080] =	vst v24  }
0x99: {  	v20 =	vadd.f32 v27, v21;
	v21 =	vld [tilespmem:$0x5A50]  }
0x9a: {  	v18 =	vadd.f32 v48, v18;
	v22 =	vld [tilespmem:$0x4050]  }
0x9b: {  	v20 =	vadd.f32 v54, v20;
	v25 =	vmul.f32 v31, v12;
	v24 =	vmul.f32 v30, v12;
	_ =	sdelay $0x1  }
0x9c: {  	v20 =	vsub.f32 v20, v25;
	v18 =	vsub.f32 v18, v24;
	_ =	sdelay $0x1  }
0x9d: {  	v20 =	vmul.f32 v20, v34;
	v18 =	vmul.f32 v18, v33;
	v21 =	vsub.f32 v21, v22;
	_ =	sdelay $0x1  }
0x9e: {  	v22 =	vsub.f32 v20, v18;
	v21 =	vmul.f32 $1.000000010e-01, v21;
	_ =	sdelay $0x1  }
0x9f: {  	[tilespmem:s1+$0x19080] =	vst v20;
	v21 =	vadd.f32 v21, v22  }
0xa0: {  	[tilespmem:s1+$0x15080] =	vst v18  }
0xa1: {  	[tilespmem:s1+$0x11080] =	vst v21  }
0xa2: {  	v18 =	vadd.f32 v23, v19;
	v19 =	vld [tilespmem:$0x5A60]  }
0xa3: {  	v17 =	vadd.f32 v49, v17;
	v20 =	vld [tilespmem:$0x4060]  }
0xa4: {  	v18 =	vadd.f32 v62, v18;
	v22 =	vmul.f32 v31, v13;
	v21 =	vmul.f32 v30, v13;
	_ =	sdelay $0x1  }
0xa5: {  	v18 =	vsub.f32 v18, v22;
	v17 =	vsub.f32 v17, v21;
	_ =	sdelay $0x1  }
0xa6: {  	v18 =	vmul.f32 v18, v34;
	v17 =	vmul.f32 v17, v33;
	v19 =	vsub.f32 v19, v20;
	_ =	sdelay $0x1  }
0xa7: {  	v20 =	vsub.f32 v18, v17;
	v19 =	vmul.f32 $1.000000010e-01, v19;
	_ =	sdelay $0x1  }
0xa8: {  	[tilespmem:s29+$0x190E0] =	vst v18;
	v19 =	vadd.f32 v19, v20  }
0xa9: {  	[tilespmem:s29+$0x150E0] =	vst v17  }
0xaa: {  	[tilespmem:s29+$0x110E0] =	vst v19  }
0xab: {  	v17 =	vld [tilespmem:$0x5A70]  }
0xac: {  	v15 =	vadd.f32 v26, v15;
	v18 =	vld [tilespmem:$0x4070]  }
0xad: {  	v16 =	vadd.f32 v47, v16;
	v20 =	vmul.f32 v31, v14;
	v19 =	vmul.f32 v30, v14;
	_ =	sdelay $0x1  }
0xae: {  	v15 =	vsub.f32 v15, v20;
	v16 =	vsub.f32 v16, v19;
	_ =	sdelay $0x1  }
0xaf: {  	v15 =	vmul.f32 v15, v34;
	v16 =	vmul.f32 v16, v33;
	v17 =	vsub.f32 v17, v18;
	_ =	sdelay $0x1  }
0xb0: {  	v18 =	vsub.f32 v15, v16;
	v17 =	vmul.f32 $1.000000010e-01, v17  }
0xb1: {  	p0 =	seq.s32 s28, $0x1F  }
0xb2: {  	s1 =	sshll.u32 @!p0 s28, $0x9;
	[tilespmem:s29+$0x190F0] =	vst v15;
	v17 =	vadd.f32 v17, v18  }
0xb3: {  	s30 =	sand.u32 @!p0 $0x3FFFFE00, s1;
	[tilespmem:s29+$0x150F0] =	vst v16  }
0xb4: {  	s10 =	simm.s32 @!p0 $0x4000;
	s2 =	simm.s32 @!p0 $0x68;
	s1 =	sadd.s32 @!p0 $0x200, s30;
	[tilespmem:s29+$0x110F0] =	vst v17  }
0xb5: {  	[tilespmem:s10], [sflag:$0x1] =	stream.indirect.gather @!p0 [hbm4b:s0+s2], $0x80, s1, s2, $0xb8;
	[tilespmem:$0x1D080] =	vst v63  }
0xb6: {  	_ =	swait.ge [sflag:s20], $0x3400  }
0xb7: {  	[sflag:s20] =	ssyncset.done $0x0  }
0xb8: {  	s13 =	sor.u32 $0x80, s29;
	[sflag:s20] =	ssyncadd.s32 $0xFFFFCC00  }
0xb9: {  	s12 =	sor.u32 $0x90, s29;
	v15 =	vld [tilespmem:s13+$0x0]  }
0xba: {  	s10 =	sor.u32 $0xA0, s29;
	v16 =	vld [tilespmem:s12+$0x0]  }
0xbb: {  	s2 =	sor.u32 $0xB0, s29;
	v17 =	vld [tilespmem:s10+$0x0]  }
0xbc: {  	s1 =	sor.u32 $0xC0, s29;
	v18 =	vld [tilespmem:s2+$0x0]  }
0xbd: {  	s31 =	sor.u32 $0xD0, s29;
	v19 =	vld [tilespmem:s1+$0x0]  }
0xbe: {  	v20 =	vld [tilespmem:s31+$0x0]  }
0xbf: {  	v21 =	vld [tilespmem:s29+$0xD8];
	_ =	sdelay $0x2  }
0xc0: {  	vm0 =	vlt.s32 v15, $0x1;
	vm11 =	vlt.s32 v16, $0x1  }
0xc1: {  	vm12 =	vlt.s32 v17, $0x1;
	vm1 =	vlt.s32 v18, $0x1;
	vm13 =	vlt.s32 v19, $0x1  }
0xc2: {  	vm14 =	vlt.s32 v20, $0x1;
	vm15 =	vlt.s32 v21, $0x1;
	v15 =	vnsel vm0, $0x1, v15  }
0xc3: {  	s16 =	simm.s32 $0x40;
	v16 =	vnsel vm11, $0x1, v16;
	v17 =	vnsel vm12, $0x1, v17;
	v18 =	vnsel vm1, $0x1, v18  }
0xc4: {  	v24 =	vld [tilespmem:s16+$0x7400];
	v19 =	vnsel vm13, $0x1, v19;
	v15 =	vadd.s32 v15, v16;
	v16 =	vnsel vm14, $0x1, v20  }
0xc5: {  	v27 =	vld [tilespmem:s16+$0x7410];
	v20 =	vand.u32 v1, v18;
	v18 =	vand.u32 v6, v18;
	v15 =	vadd.s32 v17, v15  }
0xc6: {  	v63 =	vld [tilespmem:s16+$0x8DC0];
	v21 =	vnsel vm15, $0x1, v21;
	v18 =	vadd.s32 v19, v18;
	v15 =	vadd.s32 v20, v15  }
0xc7: {  	v21 =	vand.u32 v0, v21;
	v19 =	vld [tilespmem:s16+$0x73D0];
	v16 =	vadd.s32 v16, v18;
	v22 =	vperm.xlane v15, v2  }
0xc8: {  	v20 =	vld [tilespmem:s16+$0x73C0];
	v16 =	vadd.s32 v21, v16  }
0xc9: {  	v18 =	vld [tilespmem:s16+$0x73E0];
	v23 =	vperm.xlane v16, v2;
	v15 =	vadd.s32 v15, v22  }
0xca: {  	v17 =	vld [tilespmem:s16+$0x8E30];
	v22 =	vperm.xlane v15, v3  }
0xcb: {  	v26 =	vimm.f32 $0.0e+00;
	v21 =	vld [tilespmem:s16+$0x73F0];
	v16 =	vadd.s32 v16, v23  }
0xcc: {  	v62 =	vld [tilespmem:s16+$0x7430];
	v34 =	vadd.f32 v63, v26;
	v28 =	vperm.xlane v16, v3;
	v15 =	vadd.s32 v22, v15  }
0xcd: {  	v35 =	vadd.f32 v19, v26;
	v19 =	vadd.f32 v27, v26;
	v22 =	vld [tilespmem:s16+$0x7420];
	v23 =	vperm.xlane v15, v4  }
0xce: {  	v32 =	vadd.f32 v20, v26;
	v31 =	vadd.f32 v18, v26;
	v16 =	vadd.s32 v28, v16;
	v28 =	vld [tilespmem:s16+$0x8DD0]  }
0xcf: {  	v38 =	vld [tilespmem:s16+$0x8DE0];
	v20 =	vimm.f32 $0.0e+00;
	v18 =	vimm.f32 $0.0e+00;
	v25 =	vadd.s32 v23, v15  }
0xd0: {  	v36 =	vld [tilespmem:s16+$0x8DF0];
	v15 =	vadd.f32 v17, v26;
	v17 =	vperm.xlane v16, v4;
	v23 =	vadd.f32 v21, v26  }
0xd1: {  	v33 =	vld [tilespmem:s16+$0x8E00];
	v21 =	vadd.f32 v24, v26;
	v24 =	vimm.f32 $0.0e+00;
	v29 =	vperm.xlane v25, v5  }
0xd2: {  	v27 =	vld [tilespmem:s16+$0x8E10];
	v30 =	vadd.s32 v17, v16;
	v17 =	vadd.f32 v22, v26;
	v16 =	vadd.f32 v62, v26  }
0xd3: {  	s14 =	simm.s32 $0xC0;
	s15 =	simm.s32 $0x500;
	v22 =	vld [tilespmem:s16+$0x8E20];
	v39 =	vperm.xlane v30, v5;
	v37 =	vadd.f32 v28, v26;
	v28 =	vimm.f32 $0.0e+00  }
.LBB2_5:
0xd4: {  	p1 =	sne.s32 s15, $0x6700;
	v40 =	vld [tilespmem:s14+$0x8E30];
	v26 =	vadd.f32 v38, v26  }
0xd5: {  	v38 =	vld [tilespmem:s14+$0x73C0];
	v28 =	vadd.f32 v36, v28  }
0xd6: {  	v36 =	vld [tilespmem:s14+$0x73D0];
	v24 =	vadd.f32 v33, v24  }
0xd7: {  	v33 =	vld [tilespmem:s14+$0x73E0];
	v20 =	vadd.f32 v27, v20  }
0xd8: {  	v27 =	vld [tilespmem:s14+$0x73F0];
	v18 =	vadd.f32 v22, v18  }
0xd9: {  	v22 =	vld [tilespmem:s14+$0x7400];
	v15 =	vadd.f32 v40, v15  }
0xda: {  	v32 =	vadd.f32 v38, v32;
	v38 =	vld [tilespmem:s14+$0x7410]  }
0xdb: {  	v35 =	vadd.f32 v36, v35;
	v36 =	vld [tilespmem:s14+$0x7420]  }
0xdc: {  	v31 =	vadd.f32 v33, v31;
	v33 =	vld [tilespmem:s14+$0x7430]  }
0xdd: {  	v23 =	vadd.f32 v27, v23;
	v27 =	vld [tilespmem:s14+$0x8DC0]  }
0xde: {  	v21 =	vadd.f32 v22, v21;
	v22 =	vld [tilespmem:s14+$0x8DD0]  }
.Ltmp3:
0xdf: {  	v19 =	vadd.f32 v38, v19;
	v38 =	vld [tilespmem:s14+$0x8DE0];
	(pc) =	sbr.rel @p1 .LBB2_5-.Ltmp3, $4  }
0xe0: {  	v17 =	vadd.f32 v36, v17;
	v36 =	vld [tilespmem:s14+$0x8DF0]  }
0xe1: {  	v16 =	vadd.f32 v33, v16;
	v33 =	vld [tilespmem:s14+$0x8E00]  }
0xe2: {  	v34 =	vadd.f32 v27, v34;
	v27 =	vld [tilespmem:s14+$0x8E10]  }
0xe3: {  	v37 =	vadd.f32 v22, v37;
	v22 =	vld [tilespmem:s14+$0x8E20];
	s14 =	sshra.s32 s15, $0x2;
	s15 =	sadd.s32 $0x200, s15  }
0xe4: {  	v29 =	vadd.s32 v29, v25  }
0xe5: {  	v30 =	vadd.s32 v39, v30;
	v56 =	vcvt.s32.f32 v29  }
0xe6: {  	v25 =	vld [tilespmem:s14+$0x8E30];
	v40 =	vcvt.s32.f32 v30  }
0xe7: {  	v41 =	vld [tilespmem:s14+$0x73C0];
	v39 =	vmax.f32 v56, $1.000000000e+00  }
0xe8: {  	v57 =	vld [tilespmem:s14+$0x73D0];
	v40 =	vmax.f32 v40, $1.000000000e+00;
	(erf) = vrcp.f32 v39  }
0xe9: {  	v58 =	vld [tilespmem:s14+$0x8DC0];
	(erf) = vrcp.f32 v40  }
0xea: {  	v42 =	vld [tilespmem:s14+$0x73E0]  }
0xeb: {  	v43 =	vld [tilespmem:s14+$0x73F0]  }
0xec: {  	v44 =	vld [tilespmem:$0x8E00];
	v29 =	vsub.s32 $0x34, v29;
	v30 =	vsub.s32 $0x34, v30  }
0xed: {  	v45 =	vld [tilespmem:$0x7400];
	v29 =	vcvt.s32.f32 v29;
	v30 =	vcvt.s32.f32 v30  }
0xee: {  	v46 =	vld [tilespmem:s14+$0x7400];
	v34 =	vadd.f32 v58, v34  }
0xef: {  	v48 =	vld [tilespmem:s14+$0x7410];
	v59 =	vmul.f32 v29, v7;
	v47 =	vmul.f32 v30, v7;
	v41 =	vadd.f32 v41, v32  }
0xf0: {  	v49 =	vld [tilespmem:s14+$0x7420]  }
0xf1: {  	v50 =	vld [tilespmem:s14+$0x8DD0];
	v40 =	vsub.f32 v41, v59;
	v60 =	vsub.f32 v34, v47;
	v32 =	vpop (erf)  }
0xf2: {  	v61 =	vld [tilespmem:s14+$0x8DE0];
	v34 =	vpop (erf)  }
0xf3: {  	v51 =	vld [tilespmem:s14+$0x8DF0];
	v44 =	vsub.f32 v44, v45;
	v40 =	vmul.f32 v40, v32;
	v41 =	vmul.f32 v60, v34  }
0xf4: {  	v53 =	vld [tilespmem:s14+$0x8E00]  }
0xf5: {  	v54 =	vld [tilespmem:s14+$0x8E10];
	v44 =	vmul.f32 $1.000000010e-01, v44;
	v52 =	vsub.f32 v41, v40  }
0xf6: {  	v62 =	vld [tilespmem:s14+$0x8E20]  }
0xf7: {  	v47 =	vld [tilespmem:s14+$0x7430];
	[tilespmem:s13+$0x15080] =	vst v40;
	v44 =	vadd.f32 v44, v52  }
0xf8: {  	[tilespmem:s13+$0x19080] =	vst v41  }
0xf9: {  	[tilespmem:s13+$0x11080] =	vst v44  }
0xfa: {  	v40 =	vld [tilespmem:$0x8E10]  }
0xfb: {  	v55 =	vmul.f32 v30, v8;
	v63 =	vld [tilespmem:$0x7410]  }
0xfc: {  	v35 =	vadd.f32 v57, v35;
	v37 =	vadd.f32 v50, v37;
	v50 =	vmul.f32 v29, v8;
	_ =	sdelay $0x1  }
0xfd: {  	v35 =	vsub.f32 v35, v50;
	v37 =	vsub.f32 v37, v55;
	_ =	sdelay $0x1  }
0xfe: {  	v35 =	vmul.f32 v35, v32;
	v37 =	vmul.f32 v37, v34;
	v39 =	vsub.f32 v40, v63;
	_ =	sdelay $0x1  }
0xff: {  	v56 =	vsub.f32 v37, v35;
	v39 =	vmul.f32 $1.000000010e-01, v39;
	_ =	sdelay $0x1  }
0x100: {  	[tilespmem:s12+$0x15080] =	vst v35;
	v39 =	vadd.f32 v39, v56  }
0x101: {  	[tilespmem:s12+$0x19080] =	vst v37  }
0x102: {  	[tilespmem:s12+$0x11080] =	vst v39  }
0x103: {  	v26 =	vadd.f32 v38, v26;
	v35 =	vld [tilespmem:$0x8E20]  }
0x104: {  	v31 =	vadd.f32 v42, v31;
	v37 =	vld [tilespmem:$0x7420]  }
0x105: {  	v26 =	vadd.f32 v61, v26;
	v57 =	vmul.f32 v29, v9;
	v58 =	vmul.f32 v30, v9;
	_ =	sdelay $0x1  }
0x106: {  	v31 =	vsub.f32 v31, v57;
	v26 =	vsub.f32 v26, v58;
	_ =	sdelay $0x1  }
0x107: {  	v31 =	vmul.f32 v31, v32;
	v26 =	vmul.f32 v26, v34;
	v35 =	vsub.f32 v35, v37;
	_ =	sdelay $0x1  }
0x108: {  	v59 =	vsub.f32 v26, v31;
	v35 =	vmul.f32 $1.000000010e-01, v35;
	_ =	sdelay $0x1  }
0x109: {  	[tilespmem:s10+$0x15080] =	vst v31;
	v35 =	vadd.f32 v35, v59  }
0x10a: {  	[tilespmem:s10+$0x19080] =	vst v26  }
0x10b: {  	[tilespmem:s10+$0x11080] =	vst v35  }
0x10c: {  	v26 =	vadd.f32 v36, v28;
	v28 =	vld [tilespmem:$0x8E30]  }
0x10d: {  	v23 =	vadd.f32 v43, v23;
	v31 =	vld [tilespmem:$0x7430]  }
0x10e: {  	v61 =	vmul.f32 v30, v10;
	v60 =	vmul.f32 v29, v10;
	v26 =	vadd.f32 v51, v26;
	_ =	sdelay $0x1  }
0x10f: {  	v23 =	vsub.f32 v23, v60;
	v26 =	vsub.f32 v26, v61;
	_ =	sdelay $0x1  }
0x110: {  	v23 =	vmul.f32 v23, v32;
	v26 =	vmul.f32 v26, v34;
	v28 =	vsub.f32 v28, v31;
	_ =	sdelay $0x1  }
0x111: {  	v31 =	vsub.f32 v26, v23;
	v28 =	vmul.f32 $1.000000010e-01, v28;
	_ =	sdelay $0x1  }
0x112: {  	[tilespmem:s2+$0x15080] =	vst v23;
	v28 =	vadd.f32 v28, v31  }
0x113: {  	[tilespmem:s2+$0x19080] =	vst v26  }
0x114: {  	[tilespmem:s2+$0x11080] =	vst v28  }
0x115: {  	v23 =	vadd.f32 v33, v24;
	v24 =	vld [tilespmem:$0x8E40]  }
0x116: {  	v21 =	vadd.f32 v46, v21;
	v26 =	vld [tilespmem:$0x7440]  }
0x117: {  	v23 =	vadd.f32 v53, v23;
	v31 =	vmul.f32 v30, v11;
	v28 =	vmul.f32 v29, v11;
	_ =	sdelay $0x1  }
0x118: {  	v23 =	vsub.f32 v23, v31;
	v21 =	vsub.f32 v21, v28;
	_ =	sdelay $0x1  }
0x119: {  	v23 =	vmul.f32 v23, v34;
	v21 =	vmul.f32 v21, v32;
	v24 =	vsub.f32 v24, v26;
	_ =	sdelay $0x1  }
0x11a: {  	v26 =	vsub.f32 v23, v21;
	v24 =	vmul.f32 $1.000000010e-01, v24;
	_ =	sdelay $0x1  }
0x11b: {  	[tilespmem:s1+$0x19080] =	vst v23;
	v24 =	vadd.f32 v24, v26  }
0x11c: {  	[tilespmem:s1+$0x15080] =	vst v21  }
0x11d: {  	[tilespmem:s1+$0x11080] =	vst v24  }
0x11e: {  	v20 =	vadd.f32 v27, v20;
	v21 =	vld [tilespmem:$0x8E50]  }
0x11f: {  	v19 =	vadd.f32 v48, v19;
	v23 =	vld [tilespmem:$0x7450]  }
0x120: {  	v20 =	vadd.f32 v54, v20;
	v26 =	vmul.f32 v30, v12;
	v24 =	vmul.f32 v29, v12;
	_ =	sdelay $0x1  }
0x121: {  	v20 =	vsub.f32 v20, v26;
	v19 =	vsub.f32 v19, v24;
	_ =	sdelay $0x1  }
0x122: {  	v20 =	vmul.f32 v20, v34;
	v19 =	vmul.f32 v19, v32;
	v21 =	vsub.f32 v21, v23;
	_ =	sdelay $0x1  }
0x123: {  	v23 =	vsub.f32 v20, v19;
	v21 =	vmul.f32 $1.000000010e-01, v21;
	_ =	sdelay $0x1  }
0x124: {  	[tilespmem:s31+$0x19080] =	vst v20;
	v21 =	vadd.f32 v21, v23  }
0x125: {  	[tilespmem:s31+$0x15080] =	vst v19  }
0x126: {  	[tilespmem:s31+$0x11080] =	vst v21  }
0x127: {  	v18 =	vadd.f32 v22, v18;
	v19 =	vld [tilespmem:$0x8E60]  }
0x128: {  	v22 =	vmul.f32 v30, v13;
	v20 =	vld [tilespmem:$0x7460]  }
0x129: {  	v17 =	vadd.f32 v49, v17;
	v18 =	vadd.f32 v62, v18;
	v21 =	vmul.f32 v29, v13;
	_ =	sdelay $0x1  }
0x12a: {  	v18 =	vsub.f32 v18, v22;
	v17 =	vsub.f32 v17, v21;
	_ =	sdelay $0x1  }
0x12b: {  	v18 =	vmul.f32 v18, v34;
	v17 =	vmul.f32 v17, v32;
	v19 =	vsub.f32 v19, v20;
	_ =	sdelay $0x1  }
0x12c: {  	v20 =	vsub.f32 v18, v17;
	v19 =	vmul.f32 $1.000000010e-01, v19;
	_ =	sdelay $0x1  }
0x12d: {  	[tilespmem:s29+$0x19160] =	vst v18;
	v19 =	vadd.f32 v19, v20  }
0x12e: {  	[tilespmem:s29+$0x15160] =	vst v17  }
0x12f: {  	[tilespmem:s29+$0x11160] =	vst v19  }
0x130: {  	v17 =	vld [tilespmem:$0x8E70]  }
0x131: {  	v15 =	vadd.f32 v25, v15;
	v18 =	vld [tilespmem:$0x7470]  }
0x132: {  	v16 =	vadd.f32 v47, v16;
	v20 =	vmul.f32 v30, v14;
	v19 =	vmul.f32 v29, v14;
	_ =	sdelay $0x1  }
0x133: {  	v15 =	vsub.f32 v15, v20;
	v16 =	vsub.f32 v16, v19;
	_ =	sdelay $0x1  }
0x134: {  	v15 =	vmul.f32 v15, v34;
	v16 =	vmul.f32 v16, v32;
	v17 =	vsub.f32 v17, v18;
	_ =	sdelay $0x1  }
0x135: {  	v18 =	vsub.f32 v15, v16;
	v17 =	vmul.f32 $1.000000010e-01, v17;
	_ =	sdelay $0x1  }
0x136: {  	[tilespmem:s29+$0x19170] =	vst v15;
	v17 =	vadd.f32 v17, v18  }
0x137: {  	[tilespmem:s29+$0x15170] =	vst v16  }
0x138: {  	s10 =	simm.s32 @!p0 $0x7400;
	s2 =	simm.s32 @!p0 $0x68;
	s1 =	sadd.s32 @!p0 $0x280, s30;
	[tilespmem:s29+$0x11170] =	vst v17  }
0x139: {  	[tilespmem:s10], [sflag:$0x2] =	stream.indirect.gather @!p0 [hbm4b:s0+s2], $0x80, s1, s2, $0xb8;
	[tilespmem:$0x1D080] =	vst v63  }
0x13a: {  	_ =	swait.ge [sflag:s21], $0x3400  }
0x13b: {  	[sflag:s21] =	ssyncset.done $0x0  }
0x13c: {  	s13 =	sor.u32 $0x100, s29;
	[sflag:s21] =	ssyncadd.s32 $0xFFFFCC00  }
0x13d: {  	s12 =	sor.u32 $0x110, s29;
	v15 =	vld [tilespmem:s13+$0x0]  }
0x13e: {  	s10 =	sor.u32 $0x120, s29;
	v16 =	vld [tilespmem:s12+$0x0]  }
0x13f: {  	s2 =	sor.u32 $0x130, s29;
	v17 =	vld [tilespmem:s10+$0x0]  }
0x140: {  	s1 =	sor.u32 $0x140, s29;
	v18 =	vld [tilespmem:s2+$0x0]  }
0x141: {  	s31 =	sor.u32 $0x150, s29;
	v19 =	vld [tilespmem:s1+$0x0]  }
0x142: {  	v20 =	vld [tilespmem:s31+$0x0]  }
0x143: {  	v21 =	vld [tilespmem:s29+$0x158];
	_ =	sdelay $0x2  }
0x144: {  	vm0 =	vlt.s32 v15, $0x1;
	vm11 =	vlt.s32 v16, $0x1  }
0x145: {  	vm12 =	vlt.s32 v17, $0x1;
	vm1 =	vlt.s32 v18, $0x1;
	vm13 =	vlt.s32 v19, $0x1  }
0x146: {  	vm14 =	vlt.s32 v20, $0x1;
	vm15 =	vlt.s32 v21, $0x1;
	v15 =	vnsel vm0, $0x1, v15  }
0x147: {  	s16 =	simm.s32 $0x40;
	v16 =	vnsel vm11, $0x1, v16;
	v17 =	vnsel vm12, $0x1, v17;
	v18 =	vnsel vm1, $0x1, v18  }
0x148: {  	v24 =	vld [tilespmem:s16+$0xA800];
	v19 =	vnsel vm13, $0x1, v19;
	v15 =	vadd.s32 v15, v16;
	v16 =	vnsel vm14, $0x1, v20  }
0x149: {  	v27 =	vld [tilespmem:s16+$0xA810];
	v20 =	vand.u32 v1, v18;
	v18 =	vand.u32 v6, v18;
	v15 =	vadd.s32 v17, v15  }
0x14a: {  	v63 =	vld [tilespmem:s16+$0xC1C0];
	v21 =	vnsel vm15, $0x1, v21;
	v18 =	vadd.s32 v19, v18;
	v15 =	vadd.s32 v20, v15  }
0x14b: {  	v21 =	vand.u32 v0, v21;
	v19 =	vld [tilespmem:s16+$0xA7D0];
	v16 =	vadd.s32 v16, v18;
	v22 =	vperm.xlane v15, v2  }
0x14c: {  	v20 =	vld [tilespmem:s16+$0xA7C0];
	v16 =	vadd.s32 v21, v16  }
0x14d: {  	v18 =	vld [tilespmem:s16+$0xA7E0];
	v23 =	vperm.xlane v16, v2;
	v15 =	vadd.s32 v15, v22  }
0x14e: {  	v17 =	vld [tilespmem:s16+$0xC230];
	v22 =	vperm.xlane v15, v3  }
0x14f: {  	v26 =	vimm.f32 $0.0e+00;
	v21 =	vld [tilespmem:s16+$0xA7F0];
	v16 =	vadd.s32 v16, v23  }
0x150: {  	v62 =	vld [tilespmem:s16+$0xA830];
	v34 =	vadd.f32 v63, v26;
	v28 =	vperm.xlane v16, v3;
	v15 =	vadd.s32 v22, v15  }
0x151: {  	v35 =	vadd.f32 v19, v26;
	v19 =	vadd.f32 v27, v26;
	v22 =	vld [tilespmem:s16+$0xA820];
	v23 =	vperm.xlane v15, v4  }
0x152: {  	v32 =	vadd.f32 v20, v26;
	v31 =	vadd.f32 v18, v26;
	v16 =	vadd.s32 v28, v16;
	v28 =	vld [tilespmem:s16+$0xC1D0]  }
0x153: {  	v38 =	vld [tilespmem:s16+$0xC1E0];
	v20 =	vimm.f32 $0.0e+00;
	v18 =	vimm.f32 $0.0e+00;
	v25 =	vadd.s32 v23, v15  }
0x154: {  	v36 =	vld [tilespmem:s16+$0xC1F0];
	v15 =	vadd.f32 v17, v26;
	v17 =	vperm.xlane v16, v4;
	v23 =	vadd.f32 v21, v26  }
0x155: {  	v33 =	vld [tilespmem:s16+$0xC200];
	v21 =	vadd.f32 v24, v26;
	v24 =	vimm.f32 $0.0e+00;
	v29 =	vperm.xlane v25, v5  }
0x156: {  	v27 =	vld [tilespmem:s16+$0xC210];
	v30 =	vadd.s32 v17, v16;
	v17 =	vadd.f32 v22, v26;
	v16 =	vadd.f32 v62, v26  }
0x157: {  	s15 =	simm.s32 $0x500;
	s14 =	simm.s32 $0xC0;
	v22 =	vld [tilespmem:s16+$0xC220];
	v39 =	vperm.xlane v30, v5;
	v37 =	vadd.f32 v28, v26;
	v28 =	vimm.f32 $0.0e+00  }
.LBB2_7:
0x158: {  	p1 =	sne.s32 s15, $0x6700;
	v40 =	vld [tilespmem:s14+$0xC230];
	v26 =	vadd.f32 v38, v26  }
0x159: {  	v38 =	vld [tilespmem:s14+$0xA7C0];
	v28 =	vadd.f32 v36, v28  }
0x15a: {  	v36 =	vld [tilespmem:s14+$0xA7D0];
	v24 =	vadd.f32 v33, v24  }
0x15b: {  	v33 =	vld [tilespmem:s14+$0xA7E0];
	v20 =	vadd.f32 v27, v20  }
0x15c: {  	v27 =	vld [tilespmem:s14+$0xA7F0];
	v18 =	vadd.f32 v22, v18  }
0x15d: {  	v22 =	vld [tilespmem:s14+$0xA800];
	v15 =	vadd.f32 v40, v15  }
0x15e: {  	v32 =	vadd.f32 v38, v32;
	v38 =	vld [tilespmem:s14+$0xA810]  }
0x15f: {  	v35 =	vadd.f32 v36, v35;
	v36 =	vld [tilespmem:s14+$0xA820]  }
0x160: {  	v31 =	vadd.f32 v33, v31;
	v33 =	vld [tilespmem:s14+$0xA830]  }
0x161: {  	v23 =	vadd.f32 v27, v23;
	v27 =	vld [tilespmem:s14+$0xC1C0]  }
0x162: {  	v21 =	vadd.f32 v22, v21;
	v22 =	vld [tilespmem:s14+$0xC1D0]  }
.Ltmp4:
0x163: {  	v19 =	vadd.f32 v38, v19;
	v38 =	vld [tilespmem:s14+$0xC1E0];
	(pc) =	sbr.rel @p1 .LBB2_7-.Ltmp4, $4  }
0x164: {  	v17 =	vadd.f32 v36, v17;
	v36 =	vld [tilespmem:s14+$0xC1F0]  }
0x165: {  	v16 =	vadd.f32 v33, v16;
	v33 =	vld [tilespmem:s14+$0xC200]  }
0x166: {  	v34 =	vadd.f32 v27, v34;
	v27 =	vld [tilespmem:s14+$0xC210]  }
0x167: {  	v37 =	vadd.f32 v22, v37;
	v22 =	vld [tilespmem:s14+$0xC220];
	s14 =	sshra.s32 s15, $0x2;
	s15 =	sadd.s32 $0x200, s15  }
0x168: {  	v29 =	vadd.s32 v29, v25  }
0x169: {  	v30 =	vadd.s32 v39, v30;
	v56 =	vcvt.s32.f32 v29  }
0x16a: {  	v25 =	vld [tilespmem:s14+$0xC230];
	v40 =	vcvt.s32.f32 v30  }
0x16b: {  	v41 =	vld [tilespmem:s14+$0xA7C0];
	v39 =	vmax.f32 v56, $1.000000000e+00  }
0x16c: {  	v57 =	vld [tilespmem:s14+$0xA7D0];
	v40 =	vmax.f32 v40, $1.000000000e+00;
	(erf) = vrcp.f32 v39  }
0x16d: {  	v58 =	vld [tilespmem:s14+$0xC1C0];
	(erf) = vrcp.f32 v40  }
0x16e: {  	v42 =	vld [tilespmem:s14+$0xA7E0]  }
0x16f: {  	v43 =	vld [tilespmem:s14+$0xA7F0]  }
0x170: {  	v44 =	vld [tilespmem:$0xC200];
	v29 =	vsub.s32 $0x34, v29;
	v30 =	vsub.s32 $0x34, v30  }
0x171: {  	v45 =	vld [tilespmem:$0xA800];
	v29 =	vcvt.s32.f32 v29;
	v30 =	vcvt.s32.f32 v30  }
0x172: {  	v46 =	vld [tilespmem:s14+$0xA800];
	v34 =	vadd.f32 v58, v34  }
0x173: {  	v48 =	vld [tilespmem:s14+$0xA810];
	v59 =	vmul.f32 v29, v7;
	v47 =	vmul.f32 v30, v7;
	v41 =	vadd.f32 v41, v32  }
0x174: {  	v49 =	vld [tilespmem:s14+$0xA820]  }
0x175: {  	v50 =	vld [tilespmem:s14+$0xC1D0];
	v40 =	vsub.f32 v41, v59;
	v60 =	vsub.f32 v34, v47;
	v32 =	vpop (erf)  }
0x176: {  	v61 =	vld [tilespmem:s14+$0xC1E0];
	v34 =	vpop (erf)  }
0x177: {  	v51 =	vld [tilespmem:s14+$0xC1F0];
	v44 =	vsub.f32 v44, v45;
	v40 =	vmul.f32 v40, v32;
	v41 =	vmul.f32 v60, v34  }
0x178: {  	v53 =	vld [tilespmem:s14+$0xC200]  }
0x179: {  	v54 =	vld [tilespmem:s14+$0xC210];
	v44 =	vmul.f32 $1.000000010e-01, v44;
	v52 =	vsub.f32 v41, v40  }
0x17a: {  	v62 =	vld [tilespmem:s14+$0xC220]  }
0x17b: {  	v47 =	vld [tilespmem:s14+$0xA830];
	[tilespmem:s13+$0x15080] =	vst v40;
	v44 =	vadd.f32 v44, v52  }
0x17c: {  	[tilespmem:s13+$0x19080] =	vst v41  }
0x17d: {  	[tilespmem:s13+$0x11080] =	vst v44  }
0x17e: {  	v40 =	vld [tilespmem:$0xC210]  }
0x17f: {  	v55 =	vmul.f32 v30, v8;
	v63 =	vld [tilespmem:$0xA810]  }
0x180: {  	v35 =	vadd.f32 v57, v35;
	v37 =	vadd.f32 v50, v37;
	v50 =	vmul.f32 v29, v8;
	_ =	sdelay $0x1  }
0x181: {  	v35 =	vsub.f32 v35, v50;
	v37 =	vsub.f32 v37, v55;
	_ =	sdelay $0x1  }
0x182: {  	v35 =	vmul.f32 v35, v32;
	v37 =	vmul.f32 v37, v34;
	v39 =	vsub.f32 v40, v63;
	_ =	sdelay $0x1  }
0x183: {  	v56 =	vsub.f32 v37, v35;
	v39 =	vmul.f32 $1.000000010e-01, v39;
	_ =	sdelay $0x1  }
0x184: {  	[tilespmem:s12+$0x15080] =	vst v35;
	v39 =	vadd.f32 v39, v56  }
0x185: {  	[tilespmem:s12+$0x19080] =	vst v37  }
0x186: {  	[tilespmem:s12+$0x11080] =	vst v39  }
0x187: {  	v26 =	vadd.f32 v38, v26;
	v35 =	vld [tilespmem:$0xC220]  }
0x188: {  	v31 =	vadd.f32 v42, v31;
	v37 =	vld [tilespmem:$0xA820]  }
0x189: {  	v26 =	vadd.f32 v61, v26;
	v57 =	vmul.f32 v29, v9;
	v58 =	vmul.f32 v30, v9;
	_ =	sdelay $0x1  }
0x18a: {  	v31 =	vsub.f32 v31, v57;
	v26 =	vsub.f32 v26, v58;
	_ =	sdelay $0x1  }
0x18b: {  	v31 =	vmul.f32 v31, v32;
	v26 =	vmul.f32 v26, v34;
	v35 =	vsub.f32 v35, v37;
	_ =	sdelay $0x1  }
0x18c: {  	v59 =	vsub.f32 v26, v31;
	v35 =	vmul.f32 $1.000000010e-01, v35;
	_ =	sdelay $0x1  }
0x18d: {  	[tilespmem:s10+$0x15080] =	vst v31;
	v35 =	vadd.f32 v35, v59  }
0x18e: {  	[tilespmem:s10+$0x19080] =	vst v26  }
0x18f: {  	[tilespmem:s10+$0x11080] =	vst v35  }
0x190: {  	v26 =	vadd.f32 v36, v28;
	v28 =	vld [tilespmem:$0xC230]  }
0x191: {  	v23 =	vadd.f32 v43, v23;
	v31 =	vld [tilespmem:$0xA830]  }
0x192: {  	v61 =	vmul.f32 v30, v10;
	v60 =	vmul.f32 v29, v10;
	v26 =	vadd.f32 v51, v26;
	_ =	sdelay $0x1  }
0x193: {  	v23 =	vsub.f32 v23, v60;
	v26 =	vsub.f32 v26, v61;
	_ =	sdelay $0x1  }
0x194: {  	v23 =	vmul.f32 v23, v32;
	v26 =	vmul.f32 v26, v34;
	v28 =	vsub.f32 v28, v31;
	_ =	sdelay $0x1  }
0x195: {  	v31 =	vsub.f32 v26, v23;
	v28 =	vmul.f32 $1.000000010e-01, v28;
	_ =	sdelay $0x1  }
0x196: {  	[tilespmem:s2+$0x15080] =	vst v23;
	v28 =	vadd.f32 v28, v31  }
0x197: {  	[tilespmem:s2+$0x19080] =	vst v26  }
0x198: {  	[tilespmem:s2+$0x11080] =	vst v28  }
0x199: {  	v23 =	vadd.f32 v33, v24;
	v24 =	vld [tilespmem:$0xC240]  }
0x19a: {  	v21 =	vadd.f32 v46, v21;
	v26 =	vld [tilespmem:$0xA840]  }
0x19b: {  	v23 =	vadd.f32 v53, v23;
	v31 =	vmul.f32 v30, v11;
	v28 =	vmul.f32 v29, v11;
	_ =	sdelay $0x1  }
0x19c: {  	v23 =	vsub.f32 v23, v31;
	v21 =	vsub.f32 v21, v28;
	_ =	sdelay $0x1  }
0x19d: {  	v23 =	vmul.f32 v23, v34;
	v21 =	vmul.f32 v21, v32;
	v24 =	vsub.f32 v24, v26;
	_ =	sdelay $0x1  }
0x19e: {  	v26 =	vsub.f32 v23, v21;
	v24 =	vmul.f32 $1.000000010e-01, v24;
	_ =	sdelay $0x1  }
0x19f: {  	[tilespmem:s1+$0x19080] =	vst v23;
	v24 =	vadd.f32 v24, v26  }
0x1a0: {  	[tilespmem:s1+$0x15080] =	vst v21  }
0x1a1: {  	[tilespmem:s1+$0x11080] =	vst v24  }
0x1a2: {  	v20 =	vadd.f32 v27, v20;
	v21 =	vld [tilespmem:$0xC250]  }
0x1a3: {  	v19 =	vadd.f32 v48, v19;
	v23 =	vld [tilespmem:$0xA850]  }
0x1a4: {  	v20 =	vadd.f32 v54, v20;
	v26 =	vmul.f32 v30, v12;
	v24 =	vmul.f32 v29, v12;
	_ =	sdelay $0x1  }
0x1a5: {  	v20 =	vsub.f32 v20, v26;
	v19 =	vsub.f32 v19, v24;
	_ =	sdelay $0x1  }
0x1a6: {  	v20 =	vmul.f32 v20, v34;
	v19 =	vmul.f32 v19, v32;
	v21 =	vsub.f32 v21, v23;
	_ =	sdelay $0x1  }
0x1a7: {  	v23 =	vsub.f32 v20, v19;
	v21 =	vmul.f32 $1.000000010e-01, v21;
	_ =	sdelay $0x1  }
0x1a8: {  	[tilespmem:s31+$0x19080] =	vst v20;
	v21 =	vadd.f32 v21, v23  }
0x1a9: {  	[tilespmem:s31+$0x15080] =	vst v19  }
0x1aa: {  	[tilespmem:s31+$0x11080] =	vst v21  }
0x1ab: {  	v18 =	vadd.f32 v22, v18;
	v19 =	vld [tilespmem:$0xC260]  }
0x1ac: {  	v22 =	vmul.f32 v30, v13;
	v20 =	vld [tilespmem:$0xA860]  }
0x1ad: {  	v17 =	vadd.f32 v49, v17;
	v18 =	vadd.f32 v62, v18;
	v21 =	vmul.f32 v29, v13;
	_ =	sdelay $0x1  }
0x1ae: {  	v18 =	vsub.f32 v18, v22;
	v17 =	vsub.f32 v17, v21;
	_ =	sdelay $0x1  }
0x1af: {  	v18 =	vmul.f32 v18, v34;
	v17 =	vmul.f32 v17, v32;
	v19 =	vsub.f32 v19, v20;
	_ =	sdelay $0x1  }
0x1b0: {  	v20 =	vsub.f32 v18, v17;
	v19 =	vmul.f32 $1.000000010e-01, v19;
	_ =	sdelay $0x1  }
0x1b1: {  	[tilespmem:s29+$0x191E0] =	vst v18;
	v19 =	vadd.f32 v19, v20  }
0x1b2: {  	[tilespmem:s29+$0x151E0] =	vst v17  }
0x1b3: {  	[tilespmem:s29+$0x111E0] =	vst v19  }
0x1b4: {  	v17 =	vld [tilespmem:$0xC270]  }
0x1b5: {  	v15 =	vadd.f32 v25, v15;
	v18 =	vld [tilespmem:$0xA870]  }
0x1b6: {  	v16 =	vadd.f32 v47, v16;
	v20 =	vmul.f32 v30, v14;
	v19 =	vmul.f32 v29, v14;
	_ =	sdelay $0x1  }
0x1b7: {  	v15 =	vsub.f32 v15, v20;
	v16 =	vsub.f32 v16, v19;
	_ =	sdelay $0x1  }
0x1b8: {  	v15 =	vmul.f32 v15, v34;
	v16 =	vmul.f32 v16, v32;
	v17 =	vsub.f32 v17, v18;
	_ =	sdelay $0x1  }
0x1b9: {  	v18 =	vsub.f32 v15, v16;
	v17 =	vmul.f32 $1.000000010e-01, v17;
	_ =	sdelay $0x1  }
0x1ba: {  	[tilespmem:s29+$0x191F0] =	vst v15;
	v17 =	vadd.f32 v17, v18  }
0x1bb: {  	[tilespmem:s29+$0x151F0] =	vst v16  }
0x1bc: {  	s10 =	simm.s32 @!p0 $0xA800;
	s2 =	simm.s32 @!p0 $0x68;
	s1 =	sadd.s32 @!p0 $0x300, s30;
	[tilespmem:s29+$0x111F0] =	vst v17  }
0x1bd: {  	[tilespmem:s10], [sflag:$0x3] =	stream.indirect.gather @!p0 [hbm4b:s0+s2], $0x80, s1, s2, $0xb8;
	[tilespmem:$0x1D080] =	vst v63  }
0x1be: {  	_ =	swait.ge [sflag:s22], $0x3400  }
0x1bf: {  	[sflag:s22] =	ssyncset.done $0x0  }
0x1c0: {  	s13 =	sor.u32 $0x180, s29;
	[sflag:s22] =	ssyncadd.s32 $0xFFFFCC00  }
0x1c1: {  	s12 =	sor.u32 $0x190, s29;
	v15 =	vld [tilespmem:s13+$0x0]  }
0x1c2: {  	s10 =	sor.u32 $0x1A0, s29;
	v16 =	vld [tilespmem:s12+$0x0]  }
0x1c3: {  	s2 =	sor.u32 $0x1B0, s29;
	v17 =	vld [tilespmem:s10+$0x0]  }
0x1c4: {  	s1 =	sor.u32 $0x1C0, s29;
	v18 =	vld [tilespmem:s2+$0x0]  }
0x1c5: {  	s30 =	sor.u32 $0x1D0, s29;
	v19 =	vld [tilespmem:s1+$0x0]  }
0x1c6: {  	v20 =	vld [tilespmem:s30+$0x0]  }
0x1c7: {  	v21 =	vld [tilespmem:s29+$0x1D8];
	_ =	sdelay $0x2  }
0x1c8: {  	vm0 =	vlt.s32 v15, $0x1;
	vm11 =	vlt.s32 v16, $0x1  }
0x1c9: {  	vm12 =	vlt.s32 v17, $0x1;
	vm1 =	vlt.s32 v18, $0x1;
	vm13 =	vlt.s32 v19, $0x1  }
0x1ca: {  	vm14 =	vlt.s32 v20, $0x1;
	vm15 =	vlt.s32 v21, $0x1;
	v15 =	vnsel vm0, $0x1, v15  }
0x1cb: {  	s16 =	simm.s32 $0x40;
	v16 =	vnsel vm11, $0x1, v16;
	v17 =	vnsel vm12, $0x1, v17;
	v18 =	vnsel vm1, $0x1, v18  }
0x1cc: {  	v24 =	vld [tilespmem:s16+$0xDC00];
	v19 =	vnsel vm13, $0x1, v19;
	v15 =	vadd.s32 v15, v16;
	v16 =	vnsel vm14, $0x1, v20  }
0x1cd: {  	v27 =	vld [tilespmem:s16+$0xDC10];
	v20 =	vand.u32 v1, v18;
	v18 =	vand.u32 v6, v18;
	v15 =	vadd.s32 v17, v15  }
0x1ce: {  	v63 =	vld [tilespmem:s16+$0xF5C0];
	v21 =	vnsel vm15, $0x1, v21;
	v18 =	vadd.s32 v19, v18;
	v15 =	vadd.s32 v20, v15  }
0x1cf: {  	v21 =	vand.u32 v0, v21;
	v19 =	vld [tilespmem:s16+$0xDBD0];
	v16 =	vadd.s32 v16, v18;
	v22 =	vperm.xlane v15, v2  }
0x1d0: {  	v20 =	vld [tilespmem:s16+$0xDBC0];
	v16 =	vadd.s32 v21, v16  }
0x1d1: {  	v18 =	vld [tilespmem:s16+$0xDBE0];
	v23 =	vperm.xlane v16, v2;
	v15 =	vadd.s32 v15, v22  }
0x1d2: {  	v17 =	vld [tilespmem:s16+$0xF630];
	v22 =	vperm.xlane v15, v3  }
0x1d3: {  	v26 =	vimm.f32 $0.0e+00;
	v21 =	vld [tilespmem:s16+$0xDBF0];
	v16 =	vadd.s32 v16, v23  }
0x1d4: {  	v62 =	vld [tilespmem:s16+$0xDC30];
	v34 =	vadd.f32 v63, v26;
	v28 =	vperm.xlane v16, v3;
	v15 =	vadd.s32 v22, v15  }
0x1d5: {  	v35 =	vadd.f32 v19, v26;
	v19 =	vadd.f32 v27, v26;
	v22 =	vld [tilespmem:s16+$0xDC20];
	v23 =	vperm.xlane v15, v4  }
0x1d6: {  	v32 =	vadd.f32 v20, v26;
	v31 =	vadd.f32 v18, v26;
	v16 =	vadd.s32 v28, v16;
	v28 =	vld [tilespmem:s16+$0xF5D0]  }
0x1d7: {  	v38 =	vld [tilespmem:s16+$0xF5E0];
	v20 =	vimm.f32 $0.0e+00;
	v18 =	vimm.f32 $0.0e+00;
	v25 =	vadd.s32 v23, v15  }
0x1d8: {  	v36 =	vld [tilespmem:s16+$0xF5F0];
	v15 =	vadd.f32 v17, v26;
	v17 =	vperm.xlane v16, v4;
	v23 =	vadd.f32 v21, v26  }
0x1d9: {  	v33 =	vld [tilespmem:s16+$0xF600];
	v21 =	vadd.f32 v24, v26;
	v24 =	vimm.f32 $0.0e+00;
	v29 =	vperm.xlane v25, v5  }
0x1da: {  	v27 =	vld [tilespmem:s16+$0xF610];
	v30 =	vadd.s32 v17, v16;
	v17 =	vadd.f32 v22, v26;
	v16 =	vadd.f32 v62, v26  }
0x1db: {  	s15 =	simm.s32 $0x500;
	s14 =	simm.s32 $0xC0;
	v22 =	vld [tilespmem:s16+$0xF620];
	v39 =	vperm.xlane v30, v5;
	v37 =	vadd.f32 v28, v26;
	v28 =	vimm.f32 $0.0e+00  }
.LBB2_9:
0x1dc: {  	p1 =	sne.s32 s15, $0x6700;
	v40 =	vld [tilespmem:s14+$0xF630];
	v26 =	vadd.f32 v38, v26  }
0x1dd: {  	v38 =	vld [tilespmem:s14+$0xDBC0];
	v28 =	vadd.f32 v36, v28  }
0x1de: {  	v36 =	vld [tilespmem:s14+$0xDBD0];
	v24 =	vadd.f32 v33, v24  }
0x1df: {  	v33 =	vld [tilespmem:s14+$0xDBE0];
	v20 =	vadd.f32 v27, v20  }
0x1e0: {  	v27 =	vld [tilespmem:s14+$0xDBF0];
	v18 =	vadd.f32 v22, v18  }
0x1e1: {  	v22 =	vld [tilespmem:s14+$0xDC00];
	v15 =	vadd.f32 v40, v15  }
0x1e2: {  	v32 =	vadd.f32 v38, v32;
	v38 =	vld [tilespmem:s14+$0xDC10]  }
0x1e3: {  	v35 =	vadd.f32 v36, v35;
	v36 =	vld [tilespmem:s14+$0xDC20]  }
0x1e4: {  	v31 =	vadd.f32 v33, v31;
	v33 =	vld [tilespmem:s14+$0xDC30]  }
0x1e5: {  	v23 =	vadd.f32 v27, v23;
	v27 =	vld [tilespmem:s14+$0xF5C0]  }
0x1e6: {  	v21 =	vadd.f32 v22, v21;
	v22 =	vld [tilespmem:s14+$0xF5D0]  }
.Ltmp5:
0x1e7: {  	v19 =	vadd.f32 v38, v19;
	v38 =	vld [tilespmem:s14+$0xF5E0];
	(pc) =	sbr.rel @p1 .LBB2_9-.Ltmp5, $4  }
0x1e8: {  	v17 =	vadd.f32 v36, v17;
	v36 =	vld [tilespmem:s14+$0xF5F0]  }
0x1e9: {  	v16 =	vadd.f32 v33, v16;
	v33 =	vld [tilespmem:s14+$0xF600]  }
0x1ea: {  	v34 =	vadd.f32 v27, v34;
	v27 =	vld [tilespmem:s14+$0xF610]  }
0x1eb: {  	v37 =	vadd.f32 v22, v37;
	v22 =	vld [tilespmem:s14+$0xF620];
	s14 =	sshra.s32 s15, $0x2;
	s15 =	sadd.s32 $0x200, s15  }
0x1ec: {  	v29 =	vadd.s32 v29, v25  }
0x1ed: {  	v30 =	vadd.s32 v39, v30;
	v58 =	vcvt.s32.f32 v29  }
0x1ee: {  	v25 =	vld [tilespmem:s14+$0xF630];
	v40 =	vcvt.s32.f32 v30  }
0x1ef: {  	v41 =	vld [tilespmem:s14+$0xDBC0];
	v39 =	vmax.f32 v58, $1.000000000e+00  }
0x1f0: {  	v59 =	vld [tilespmem:s14+$0xDBD0];
	v40 =	vmax.f32 v40, $1.000000000e+00;
	(erf) = vrcp.f32 v39  }
0x1f1: {  	v60 =	vld [tilespmem:s14+$0xF5C0];
	(erf) = vrcp.f32 v40  }
0x1f2: {  	v42 =	vld [tilespmem:s14+$0xDBE0]  }
0x1f3: {  	v43 =	vld [tilespmem:s14+$0xDBF0]  }
0x1f4: {  	v44 =	vld [tilespmem:$0xF600];
	v29 =	vsub.s32 $0x34, v29;
	v30 =	vsub.s32 $0x34, v30  }
0x1f5: {  	v45 =	vld [tilespmem:$0xDC00];
	v29 =	vcvt.s32.f32 v29;
	v30 =	vcvt.s32.f32 v30  }
0x1f6: {  	v46 =	vld [tilespmem:s14+$0xDC00];
	v34 =	vadd.f32 v60, v34  }
0x1f7: {  	v48 =	vld [tilespmem:s14+$0xDC10];
	v61 =	vmul.f32 v29, v7;
	v47 =	vmul.f32 v30, v7;
	v41 =	vadd.f32 v41, v32  }
0x1f8: {  	v49 =	vld [tilespmem:s14+$0xDC20]  }
0x1f9: {  	v50 =	vld [tilespmem:s14+$0xF5D0];
	v40 =	vsub.f32 v41, v61;
	v62 =	vsub.f32 v34, v47;
	v32 =	vpop (erf)  }
0x1fa: {  	v63 =	vld [tilespmem:s14+$0xF5E0];
	v34 =	vpop (erf)  }
0x1fb: {  	v51 =	vld [tilespmem:s14+$0xF5F0];
	v44 =	vsub.f32 v44, v45;
	v40 =	vmul.f32 v40, v32;
	v41 =	vmul.f32 v62, v34  }
0x1fc: {  	v53 =	vld [tilespmem:s14+$0xF600]  }
0x1fd: {  	v54 =	vld [tilespmem:s14+$0xF610];
	v44 =	vmul.f32 $1.000000010e-01, v44;
	v52 =	vsub.f32 v41, v40  }
0x1fe: {  	v47 =	vld [tilespmem:s14+$0xDC30]  }
0x1ff: {  	v44 =	vadd.f32 v44, v52;
	v52 =	vld [tilespmem:s14+$0xF620];
	[tilespmem:s13+$0x15080] =	vst v40  }
0x200: {  	[tilespmem:s13+$0x19080] =	vst v41  }
0x201: {  	[tilespmem:s13+$0x11080] =	vst v44  }
0x202: {  	v40 =	vld [tilespmem:$0xF610]  }
0x203: {  	v58 =	vmul.f32 v29, v8;
	v57 =	vld [tilespmem:$0xDC10]  }
0x204: {  	v35 =	vadd.f32 v59, v35;
	v37 =	vadd.f32 v50, v37;
	v59 =	vmul.f32 v30, v8;
	_ =	sdelay $0x1  }
0x205: {  	v35 =	vsub.f32 v35, v58;
	v37 =	vsub.f32 v37, v59;
	_ =	sdelay $0x1  }
0x206: {  	v35 =	vmul.f32 v35, v32;
	v37 =	vmul.f32 v37, v34;
	v39 =	vsub.f32 v40, v57;
	_ =	sdelay $0x1  }
0x207: {  	v60 =	vsub.f32 v37, v35;
	v39 =	vmul.f32 $1.000000010e-01, v39;
	_ =	sdelay $0x1  }
0x208: {  	[tilespmem:s12+$0x15080] =	vst v35;
	v39 =	vadd.f32 v39, v60  }
0x209: {  	[tilespmem:s12+$0x19080] =	vst v37  }
0x20a: {  	[tilespmem:s12+$0x11080] =	vst v39  }
0x20b: {  	v26 =	vadd.f32 v38, v26;
	v35 =	vld [tilespmem:$0xF620]  }
0x20c: {  	v31 =	vadd.f32 v42, v31;
	v37 =	vld [tilespmem:$0xDC20]  }
0x20d: {  	v26 =	vadd.f32 v63, v26;
	v61 =	vmul.f32 v29, v9;
	v62 =	vmul.f32 v30, v9;
	_ =	sdelay $0x1  }
0x20e: {  	v31 =	vsub.f32 v31, v61;
	v26 =	vsub.f32 v26, v62;
	_ =	sdelay $0x1  }
0x20f: {  	v31 =	vmul.f32 v31, v32;
	v26 =	vmul.f32 v26, v34;
	v35 =	vsub.f32 v35, v37;
	_ =	sdelay $0x1  }
0x210: {  	v63 =	vsub.f32 v26, v31;
	v35 =	vmul.f32 $1.000000010e-01, v35;
	_ =	sdelay $0x1  }
0x211: {  	[tilespmem:s10+$0x15080] =	vst v31;
	v35 =	vadd.f32 v35, v63  }
0x212: {  	[tilespmem:s10+$0x19080] =	vst v26  }
0x213: {  	[tilespmem:s10+$0x11080] =	vst v35  }
0x214: {  	v39 =	vadd.f32 v36, v28;
	v40 =	vld [tilespmem:$0xF630]  }
0x215: {  	v23 =	vadd.f32 v43, v23;
	v31 =	vld [tilespmem:$0xDC30]  }
0x216: {  	v42 =	vmul.f32 v30, v10;
	v41 =	vmul.f32 v29, v10;
	v26 =	vadd.f32 v51, v39;
	_ =	sdelay $0x1  }
0x217: {  	v23 =	vsub.f32 v23, v41;
	v26 =	vsub.f32 v26, v42;
	_ =	sdelay $0x1  }
0x218: {  	v23 =	vmul.f32 v23, v32;
	v26 =	vmul.f32 v26, v34;
	v28 =	vsub.f32 v40, v31;
	_ =	sdelay $0x1  }
0x219: {  	v43 =	vsub.f32 v26, v23;
	v28 =	vmul.f32 $1.000000010e-01, v28;
	_ =	sdelay $0x1  }
0x21a: {  	[tilespmem:s2+$0x15080] =	vst v23;
	v28 =	vadd.f32 v28, v43  }
0x21b: {  	[tilespmem:s2+$0x19080] =	vst v26  }
0x21c: {  	[tilespmem:s2+$0x11080] =	vst v28  }
0x21d: {  	v44 =	vadd.f32 v33, v24;
	v45 =	vld [tilespmem:$0xF640]  }
0x21e: {  	v21 =	vadd.f32 v46, v21;
	v26 =	vld [tilespmem:$0xDC40]  }
0x21f: {  	v50 =	vmul.f32 v29, v11;
	v51 =	vmul.f32 v30, v11;
	v23 =	vadd.f32 v53, v44;
	_ =	sdelay $0x1  }
0x220: {  	v21 =	vsub.f32 v21, v50;
	v23 =	vsub.f32 v23, v51;
	_ =	sdelay $0x1  }
0x221: {  	v21 =	vmul.f32 v21, v32;
	v23 =	vmul.f32 v23, v34;
	v24 =	vsub.f32 v45, v26;
	_ =	sdelay $0x1  }
0x222: {  	v53 =	vsub.f32 v23, v21;
	v24 =	vmul.f32 $1.000000010e-01, v24;
	_ =	sdelay $0x1  }
0x223: {  	[tilespmem:s1+$0x15080] =	vst v21;
	v24 =	vadd.f32 v24, v53  }
0x224: {  	[tilespmem:s1+$0x19080] =	vst v23  }
0x225: {  	[tilespmem:s1+$0x11080] =	vst v24  }
0x226: {  	v20 =	vadd.f32 v27, v20;
	v21 =	vld [tilespmem:$0xF650]  }
0x227: {  	v55 =	vmul.f32 v29, v12;
	v23 =	vld [tilespmem:$0xDC50]  }
0x228: {  	v56 =	vmul.f32 v30, v12;
	v19 =	vadd.f32 v48, v19;
	v20 =	vadd.f32 v54, v20;
	_ =	sdelay $0x1  }
0x229: {  	v19 =	vsub.f32 v19, v55;
	v20 =	vsub.f32 v20, v56;
	_ =	sdelay $0x1  }
0x22a: {  	v19 =	vmul.f32 v19, v32;
	v20 =	vmul.f32 v20, v34;
	v21 =	vsub.f32 v21, v23;
	_ =	sdelay $0x1  }
0x22b: {  	v57 =	vsub.f32 v20, v19;
	v21 =	vmul.f32 $1.000000010e-01, v21;
	_ =	sdelay $0x1  }
0x22c: {  	[tilespmem:s30+$0x15080] =	vst v19;
	v21 =	vadd.f32 v21, v57  }
0x22d: {  	[tilespmem:s30+$0x19080] =	vst v20  }
0x22e: {  	[tilespmem:s30+$0x11080] =	vst v21  }
0x22f: {  	v18 =	vadd.f32 v22, v18;
	v19 =	vld [tilespmem:$0xF660]  }
0x230: {  	v17 =	vadd.f32 v49, v17;
	v20 =	vld [tilespmem:$0xDC60]  }
0x231: {  	v58 =	vmul.f32 v29, v13;
	v59 =	vmul.f32 v30, v13;
	v18 =	vadd.f32 v52, v18;
	_ =	sdelay $0x1  }
0x232: {  	v17 =	vsub.f32 v17, v58;
	v18 =	vsub.f32 v18, v59;
	_ =	sdelay $0x1  }
0x233: {  	v17 =	vmul.f32 v17, v32;
	v18 =	vmul.f32 v18, v34;
	v19 =	vsub.f32 v19, v20;
	_ =	sdelay $0x1  }
0x234: {  	v60 =	vsub.f32 v18, v17;
	v19 =	vmul.f32 $1.000000010e-01, v19;
	_ =	sdelay $0x1  }
0x235: {  	[tilespmem:s29+$0x15260] =	vst v17;
	v19 =	vadd.f32 v19, v60  }
0x236: {  	[tilespmem:s29+$0x19260] =	vst v18  }
0x237: {  	[tilespmem:s29+$0x11260] =	vst v19  }
0x238: {  	v17 =	vld [tilespmem:$0xF670]  }
0x239: {  	v15 =	vadd.f32 v25, v15;
	v18 =	vld [tilespmem:$0xDC70]  }
0x23a: {  	v61 =	vmul.f32 v29, v14;
	v16 =	vadd.f32 v47, v16;
	v62 =	vmul.f32 v30, v14;
	_ =	sdelay $0x1  }
0x23b: {  	v16 =	vsub.f32 v16, v61;
	v15 =	vsub.f32 v15, v62;
	_ =	sdelay $0x1  }
0x23c: {  	v16 =	vmul.f32 v16, v32;
	v15 =	vmul.f32 v15, v34;
	v17 =	vsub.f32 v17, v18;
	_ =	sdelay $0x1  }
.Ltmp6:
0x23d: {  	v63 =	vsub.f32 v15, v16;
	v17 =	vmul.f32 $1.000000010e-01, v17;
	(pc) =	sbr.rel @p0 .LBB2_12-.Ltmp6, $4  }
0x23e: {  	_ = 	snop  }
0x23f: {  	[tilespmem:s29+$0x15270] =	vst v16;
	v17 =	vadd.f32 v17, v63  }
0x240: {  	[tilespmem:s29+$0x19270] =	vst v15  }
0x241: {  	[tilespmem:s29+$0x11270] =	vst v17  }
.Ltmp7:
0x242: {  	(pc) =	sbr.rel .LBB2_2-.Ltmp7, $4  }
0x243: {  	_ = 	snop  }
0x244: {  	s1 =	sand.u32 $0x3FFFFE00, s29  }
0x245: {  	s28 =	sadd.s32 $0x1, s28;
	s1 =	sadd.s32 $0x380, s1  }
0x246: {  	[tilespmem:s18], [sflag:$0x4] =	stream.indirect.gather [hbm4b:s0+s11], $0x80, s1, s11, $0xb8;
	[tilespmem:$0x1D080] =	vst v63  }
.LBB2_13:
0x247: {  	_ =	sfence.sel $0x180000  }
0x248: {  	[bflag:$0x0] =	sbarrier.arrive $0xFFFF  }
0x249: {  	_ =	strace $0x90000047  }
0x24a: {  	s0 =	stileid.u32;
	[bflag:$0x2] =	sbarrier.arrive $0xFFFF  }
0x24b: {  	p0 =	sne.s32 s0, $0x0;
	s0 =	rddreg [dreg:$0x5]  }
0x24c: {  	s0 =	sadd.s32 @!p0 $0x100000, s0  }
0x24d: {  	[sflag:s0] =	ssyncadd.tile.s32 @!p0 $0x1;
	_ =	shalt  }
.Lfunc_end2:
_tile_overlayer_lowered:
.L_overlay_start_2:
0x24e: {  	(tag) =	ssettag $0x2  }
0x24f: {  	s0 =	rddreg [dreg:$0x0];
	s2 =	stileid.u32  }
0x250: {  	s1 =	rddreg [dreg:$0x1];
	p0 =	sne.s32 s2, $0x0  }
0x251: {  	s3 =	rddreg [dreg:$0x2];
	[bflag:$0x3] =	sbarrier.arrive $0xFFFF;
	s2 =	simm.s32 @!p0 $0x1C05  }
0x252: {  	[timem:s3], [sflag:s2] =	dma.local @!p0 [hbm:s0], s1  }
0x253: {  	s0 =	simm.s32 @!p0 $0x5  }
0x254: {  	_ =	swait.ge @!p0 [sflag:s0], s1  }
0x255: {  	s1 =	ssub.s32 @!p0 $0x0, s1;
	[sflag:s0] =	ssyncset.done @!p0 $0x0  }
0x256: {  	[sflag:s0] =	ssyncadd.s32 @!p0 s1  }
0x257: {  	[bflag:$0x3] =	sbarrier.arrive $0xFFFF  }
0x258: {  	_ =	shalt  }

</sc_bundles>
